<compile_context>
chip_gen: v7x
topology: tpu7x:2x2x1
jax: 0.10.2.dev20260603
libtpu: 0.0.44.dev20260713+nightly
codegen_flags: <defaults>
</compile_context>

<pallas_src>
import functools

import jax
import jax.numpy as jnp
from jax import lax
from jax.experimental import pallas as pl
from jax.experimental.pallas import tpu as pltpu
from jax.experimental.pallas import tpu_sc as plsc

NC = 2
NS = 16
NW = NC * NS
CH = 128
F = 16
NSLOT = 4

NCH0 = 80
NCH1 = 80
NCHM = max(NCH0, NCH1)
G0 = NCH0 // NSLOT
G1 = NCH1 // NSLOT


def _chunk_layout(c, s):
    nch = jnp.where(c == 0, NCH0, NCH1)
    base = jnp.where(c == 0, s * NCH0, NS * NCH0 + s * NCH1)
    ngrp = jnp.where(c == 0, G0, G1)
    return nch, base, ngrp


def _sc_agg(NP, rows_per_tile):
    mesh = plsc.VectorSubcoreMesh(core_axis_name="c", subcore_axis_name="s")

    @functools.partial(
        pl.kernel,
        out_type=jax.ShapeDtypeStruct((NC, NP, F), jnp.float32),
        mesh=mesh,
        scratch_types=[
            pltpu.VMEM((NCHM, CH), jnp.int32),
            pltpu.VMEM((NCHM, CH), jnp.int32),
            [pltpu.VMEM((CH, F), jnp.float32) for _ in range(NSLOT)],
            pltpu.VMEM((rows_per_tile, F), jnp.float32),
            pltpu.VMEM_SHARED((NP, F), jnp.float32),
            pltpu.VMEM_SHARED((NP, F), jnp.float32),
            [pltpu.SemaphoreType.DMA for _ in range(NSLOT)],
            [pltpu.SemaphoreType.DMA for _ in range(NSLOT)],
        ],
        compiler_params=pltpu.CompilerParams(use_tc_tiling_on_sc=False),
    )
    def agg(y_hbm, src_hbm, dst_hbm, out_hbm, sidx, didx, bufs,
            stage, acc, ysp, gsems, ssems):
        c = lax.axis_index("c")
        s = lax.axis_index("s")
        base = s * rows_per_tile
        N = y_hbm.shape[0]
        tail = N - (NS - 1) * rows_per_tile
        nch, chunk_base, ngrp = _chunk_layout(c, s)

        @pl.when(s < NS - 1)
        def _():
            pltpu.sync_copy(y_hbm.at[pl.ds(base, rows_per_tile)], stage)
            pltpu.sync_copy(stage, ysp.at[pl.ds(base, rows_per_tile)])

        @pl.when(s == NS - 1)
        def _():
            pltpu.sync_copy(y_hbm.at[pl.ds((NS - 1) * rows_per_tile, tail)],
                            stage.at[pl.ds(0, tail)])
            pltpu.sync_copy(stage.at[pl.ds(0, tail)],
                            ysp.at[pl.ds((NS - 1) * rows_per_tile, tail)])

        zrow = jnp.zeros((F,), jnp.float32)

        def zero_stage(i, carry):
            stage[i, :] = zrow
            return carry

        lax.fori_loop(0, rows_per_tile, zero_stage, 0)

        pltpu.sync_copy(stage, acc.at[pl.ds(base, rows_per_tile)])

        pltpu.sync_copy(src_hbm.at[pl.ds(chunk_base, NCHM)], sidx)
        pltpu.sync_copy(dst_hbm.at[pl.ds(chunk_base, NCHM)], didx)
        plsc.subcore_barrier()

        def fire_gather(j, b):
            pltpu.async_copy(ysp.at[sidx.at[j]], bufs[b], gsems[b])

        def drain(sem, b):
            pltpu.make_async_copy(y_hbm.at[pl.ds(0, CH)], bufs[b], sem).wait()

        for b in range(NSLOT):
            fire_gather(b, b)

        def group(g, carry):
            for b in range(NSLOT):
                j = g * NSLOT + b
                drain(gsems[b], b)
                pltpu.async_copy(bufs[b], acc.at[didx.at[j]], ssems[b],
                                 add=True)
            for b in range(NSLOT):
                drain(ssems[b], b)

                @pl.when(g < ngrp - 1)
                def _():
                    fire_gather((g + 1) * NSLOT + b, b)

            return carry

        lax.fori_loop(0, ngrp, group, 0)
        plsc.subcore_barrier()

        pltpu.sync_copy(acc.at[pl.ds(base, rows_per_tile)], stage)
        pltpu.sync_copy(stage, out_hbm.at[c].at[pl.ds(base, rows_per_tile)])

    return agg


def _sc_deg(NP, rows_per_tile):
    mesh = plsc.VectorSubcoreMesh(core_axis_name="c", subcore_axis_name="s")
    stage_rows = -(-rows_per_tile // F) * F

    @functools.partial(
        pl.kernel,
        out_type=jax.ShapeDtypeStruct((NC, NP), jnp.float32),
        mesh=mesh,
        scratch_types=[
            pltpu.VMEM((NCHM, CH), jnp.int32),
            pltpu.VMEM((CH,), jnp.float32),
            pltpu.VMEM((stage_rows,), jnp.float32),
            pltpu.VMEM_SHARED((NP,), jnp.float32),
        ],
        compiler_params=pltpu.CompilerParams(use_tc_tiling_on_sc=False),
    )
    def deg(dst_hbm, out_hbm, didx, ones, stage, acc):
        c = lax.axis_index("c")
        s = lax.axis_index("s")
        base = s * rows_per_tile
        nch, chunk_base, _ = _chunk_layout(c, s)

        zv = jnp.zeros((F,), jnp.float32)
        ov = jnp.ones((F,), jnp.float32)

        def zero_stage(i, carry):
            stage[pl.ds(i * F, F)] = zv
            return carry

        lax.fori_loop(0, stage_rows // F, zero_stage, 0)

        def fill_ones(i, carry):
            ones[pl.ds(i * F, F)] = ov
            return carry

        lax.fori_loop(0, CH // F, fill_ones, 0)

        pltpu.sync_copy(stage.at[pl.ds(0, rows_per_tile)],
                        acc.at[pl.ds(base, rows_per_tile)])
        pltpu.sync_copy(dst_hbm.at[pl.ds(chunk_base, NCHM)], didx)
        plsc.subcore_barrier()

        def chunk(j, carry):
            pltpu.sync_copy(ones, acc.at[didx.at[j]], add=True)
            return carry

        lax.fori_loop(0, nch, chunk, 0)
        plsc.subcore_barrier()

        pltpu.sync_copy(acc.at[pl.ds(base, rows_per_tile)],
                        stage.at[pl.ds(0, rows_per_tile)])
        pltpu.sync_copy(stage.at[pl.ds(0, rows_per_tile)],
                        out_hbm.at[c].at[pl.ds(base, rows_per_tile)])

    return deg


def _tc_stage1(N, R):
    def body(x_ref, w1_ref, dp_ref, y1_ref, dinv_ref):
        deg = 1.0 + dp_ref[0] + dp_ref[1]
        dinv = lax.rsqrt(deg)
        xw = jnp.dot(
            x_ref[...], w1_ref[...],
            preferred_element_type=jnp.float32,
            precision=lax.Precision.HIGHEST,
        )
        dinv_ref[...] = dinv
        y1_ref[...] = dinv * xw

    grid = (N // R,)
    return pl.pallas_call(
        body,
        grid=grid,
        in_specs=[
            pl.BlockSpec((R, 128), lambda i: (i, 0)),
            pl.BlockSpec((128, F), lambda i: (0, 0)),
            pl.BlockSpec((NC, R, 1), lambda i: (0, i, 0)),
        ],
        out_specs=[
            pl.BlockSpec((R, F), lambda i: (i, 0)),
            pl.BlockSpec((R, 1), lambda i: (i, 0)),
        ],
        out_shape=[
            jax.ShapeDtypeStruct((N, F), jnp.float32),
            jax.ShapeDtypeStruct((N, 1), jnp.float32),
        ],
    )


def _tc_stage2(N, R):
    def body(p_ref, y1_ref, dinv_ref, b1_ref, y2_ref):
        full = y1_ref[...] + p_ref[0] + p_ref[1]
        dinv = dinv_ref[...]
        h = jnp.maximum(dinv * full + b1_ref[...], 0.0)
        y2_ref[...] = dinv * h

    grid = (N // R,)
    return pl.pallas_call(
        body,
        grid=grid,
        in_specs=[
            pl.BlockSpec((NC, R, F), lambda i: (0, i, 0)),
            pl.BlockSpec((R, F), lambda i: (i, 0)),
            pl.BlockSpec((R, 1), lambda i: (i, 0)),
            pl.BlockSpec((1, F), lambda i: (0, 0)),
        ],
        out_specs=pl.BlockSpec((R, F), lambda i: (i, 0)),
        out_shape=jax.ShapeDtypeStruct((N, F), jnp.float32),
    )


def _tc_stage3(N, R, d_out):
    def body(q_ref, y2_ref, dinv_ref, w2_ref, b2_ref, o_ref):
        full = y2_ref[...] + q_ref[0] + q_ref[1]
        z = dinv_ref[...] * full
        o_ref[...] = (
            jnp.dot(
                z, w2_ref[...],
                preferred_element_type=jnp.float32,
                precision=lax.Precision.HIGHEST,
            )
            + b2_ref[...]
        )

    grid = (N // R,)
    return pl.pallas_call(
        body,
        grid=grid,
        in_specs=[
            pl.BlockSpec((NC, R, F), lambda i: (0, i, 0)),
            pl.BlockSpec((R, F), lambda i: (i, 0)),
            pl.BlockSpec((R, 1), lambda i: (i, 0)),
            pl.BlockSpec((F, d_out), lambda i: (0, 0)),
            pl.BlockSpec((1, d_out), lambda i: (0, 0)),
        ],
        out_specs=pl.BlockSpec((R, d_out), lambda i: (i, 0)),
        out_shape=jax.ShapeDtypeStruct((N, d_out), jnp.float32),
    )


def kernel(x, edge_index, W1, b1, W2, b2):
    N = x.shape[0]
    d_out = W2.shape[1]
    E = edge_index.shape[1]

    rows_per_tile = -(-N // (NS * 8)) * 8
    NP = NS * rows_per_tile

    tot_ch = NS * (NCH0 + NCH1)
    assert tot_ch * CH >= E
    e_pad = (tot_ch + NCHM) * CH - E
    src = edge_index[0].astype(jnp.int32)
    dst = edge_index[1].astype(jnp.int32)
    pad_dst = N + jnp.arange(e_pad, dtype=jnp.int32) % (NP - N)
    src = jnp.concatenate([src, jnp.zeros((e_pad,), jnp.int32)])
    dst = jnp.concatenate([dst, pad_dst])
    src = src.reshape(tot_ch + NCHM, CH)
    dst = dst.reshape(tot_ch + NCHM, CH)

    deg_k = _sc_deg(NP, rows_per_tile)
    agg_k = _sc_agg(NP, rows_per_tile)
    R = 2000
    tc1 = _tc_stage1(N, R)
    tc2 = _tc_stage2(N, R)
    tc3 = _tc_stage3(N, R, d_out)

    degp = deg_k(dst).reshape(NC, NP, 1)
    y1, dinv = tc1(x, W1, degp)
    p = agg_k(y1, src, dst)
    y2 = tc2(p, y1, dinv, b1.reshape(1, F))
    q = agg_k(y2, src, dst)
    out = tc3(q, y2, dinv, W2, b2.reshape(1, d_out))
    return out

# --- scband reference (transcript-rebuilt; emitter-appended) ---
"""Pipeline reference for scband-gcn-29867202576799 (READ-ONLY COPY).

The authoritative reference and input builder live on the scoring server;
editing this copy changes nothing except your own understanding.
"""

import jax, jax.numpy as jnp
import numpy as np

N = 10000
E = 320000
D_IN = 128
D_HID = 16
D_OUT = 2


def setup_inputs(seed: int = 0) -> dict:
    key = jax.random.key(seed)
    k_x, k_ei, k_w1, k_b1, k_w2, k_b2 = jax.random.split(key, 6)
    x = jax.random.normal(k_x, (N, D_IN), dtype=jnp.float32)
    edge_index = jax.random.randint(k_ei, (2, E), 0, N, dtype=jnp.int64)
    # Glorot-style init for GCNConv weights
    W1 = jax.random.normal(k_w1, (D_IN, D_HID), dtype=jnp.float32) * (1.0 / np.sqrt(D_IN))
    b1 = jnp.zeros((D_HID,), dtype=jnp.float32)
    W2 = jax.random.normal(k_w2, (D_HID, D_OUT), dtype=jnp.float32) * (1.0 / np.sqrt(D_HID))
    b2 = jnp.zeros((D_OUT,), dtype=jnp.float32)
    return {"x": x, "edge_index": edge_index, "W1": W1, "b1": b1, "W2": W2, "b2": b2}


def _gcn_conv(x, edge_index, W, b, num_nodes):
    # GCNConv: out = D^{-1/2} (A + I) D^{-1/2} X W + b
    src = edge_index[0]
    dst = edge_index[1]
    loop = jnp.arange(num_nodes, dtype=src.dtype)
    src = jnp.concatenate([src, loop])
    dst = jnp.concatenate([dst, loop])
    xw = x @ W
    ones = jnp.ones((src.shape[0],), dtype=x.dtype)
    deg = jnp.zeros((num_nodes,), dtype=x.dtype).at[dst].add(ones)
    dinv = jnp.where(deg > 0, jax.lax.rsqrt(deg), 0.0)
    norm = dinv[src] * dinv[dst]
    msgs = jnp.take(xw, src, axis=0) * norm[:, None]
    out = jnp.zeros((num_nodes, xw.shape[1]), dtype=x.dtype).at[dst].add(msgs)
    return out + b


def reference(x, edge_index, W1, b1, W2, b2):
    # GCN.forward (eval mode: dropout is identity)
    h = _gcn_conv(x, edge_index, W1, b1, N)
    h = jax.nn.relu(h)
    out = _gcn_conv(h, edge_index, W2, b2, N)
    return out

if __name__ == "__main__":
    import jax
    _d = setup_inputs()
    print(jax.jit(kernel)(*tuple(_d.values())))

</pallas_src>

<mosaic_0001>
#map = affine_map<(d0, d1) -> (0, 0)>
module attributes {stable_mosaic.version = 14 : i64} {
  func.func @deg(%arg0: i32, %arg1: i32, %arg2: memref<2640x128xi32, #tpu.memory_space<hbm>>, %arg3: memref<2x10112xf32, #tpu.memory_space<hbm>>, %arg4: memref<80x128xi32, #tpu.memory_space<vmem>>, %arg5: memref<128xf32, #tpu.memory_space<vmem>>, %arg6: memref<640xf32, #tpu.memory_space<vmem>>, %arg7: memref<10112xf32, #tpu.memory_space<vmem_shared>>) attributes {dimension_semantics = [#tpu.dimension_semantics<core_parallel>, #tpu.dimension_semantics<subcore_parallel>], iteration_bounds = array<i64: 2, 16>, scalar_prefetch = 0 : i64, scratch_operands = 4 : i64, tpu.core_type = #tpu.core_type<sc_vector_subcore>, window_params = [{transform_indices = #map}, {transform_indices = #map}]} {
    %mul3A = arith.constant 632 : i32
    %mul3A_0 = arith.muli %arg1, %mul3A : i32
    %eq3A = arith.constant 0 : i32
    %eq3A_1 = arith.cmpi eq, %arg0, %eq3A : i32
    %jit3A = arith.constant 80 : i32
    %jit3A_2 = arith.constant 80 : i32
    %select_n3A = arith.select %eq3A_1, %jit3A, %jit3A_2 : i32
    %eq3A_3 = arith.constant 0 : i32
    %eq3A_4 = arith.cmpi eq, %arg0, %eq3A_3 : i32
    %mul3A_5 = arith.constant 80 : i32
    %mul3A_6 = arith.muli %arg1, %mul3A_5 : i32
    %mul3A_7 = arith.constant 80 : i32
    %mul3A_8 = arith.muli %arg1, %mul3A_7 : i32
    %add3A = arith.constant 1280 : i32
    %add3A_9 = arith.addi %add3A, %mul3A_8 : i32
    %select_n3A_10 = arith.select %eq3A_4, %mul3A_6, %add3A_9 : i32
    %eq3A_11 = arith.constant 0 : i32
    %eq3A_12 = arith.cmpi eq, %arg0, %eq3A_11 : i32
    %jit3A_13 = arith.constant 20 : i32
    %jit3A_14 = arith.constant 20 : i32
    %select_n3A_15 = arith.select %eq3A_12, %jit3A_13, %jit3A_14 : i32
    %broadcast_in_dim3A = arith.constant 0.000000e+00 : f32
    %broadcast_in_dim3A_16 = vector.broadcast %broadcast_in_dim3A : f32 to vector<16xf32>
    %broadcast_in_dim3A_17 = arith.constant 1.000000e+00 : f32
    %broadcast_in_dim3A_18 = vector.broadcast %broadcast_in_dim3A_17 : f32 to vector<16xf32>
    %scan3A = arith.constant 0 : i32
    %scan3A_19 = arith.constant 0 : i32
    %scan3A_20 = arith.constant 40 : i32
    %scan3A_21 = arith.addi %scan3A_19, %scan3A_20 : i32
    %scan3A_22 = arith.constant 1 : i32
    scf.for %scan3A_40 = %scan3A_19 to %scan3A_21 step %scan3A_22  : i32 {
      %mul3A_41 = arith.constant 16 : i32
      %mul3A_42 = arith.muli %scan3A_40, %mul3A_41 : i32
      %swap3A = arith.index_cast %mul3A_42 : i32 to index
      %swap3A_43 = tpu.vector_load %arg6[%swap3A] {strides = array<i32>} : memref<640xf32, #tpu.memory_space<vmem>>, vector<16xf32>,
      %swap3A_44 = vector.shape_cast %swap3A_43 : vector<16xf32> to vector<16xf32>
      %swap3A_45 = vector.shape_cast %broadcast_in_dim3A_16 : vector<16xf32> to vector<16xf32>
      tpu.vector_store %arg6[%swap3A], %swap3A_45 {strides = array<i32>} : memref<640xf32, #tpu.memory_space<vmem>>, vector<16xf32>,
    }
    %scan3A_23 = arith.constant 40 : i32
    %scan3A_24 = arith.constant 0 : i32
    %scan3A_25 = arith.constant 0 : i32
    %scan3A_26 = arith.constant 8 : i32
    %scan3A_27 = arith.addi %scan3A_25, %scan3A_26 : i32
    %scan3A_28 = arith.constant 1 : i32
    scf.for %scan3A_40 = %scan3A_25 to %scan3A_27 step %scan3A_28  : i32 {
      %mul3A_41 = arith.constant 16 : i32
      %mul3A_42 = arith.muli %scan3A_40, %mul3A_41 : i32
      %swap3A = arith.index_cast %mul3A_42 : i32 to index
      %swap3A_43 = tpu.vector_load %arg5[%swap3A] {strides = array<i32>} : memref<128xf32, #tpu.memory_space<vmem>>, vector<16xf32>,
      %swap3A_44 = vector.shape_cast %swap3A_43 : vector<16xf32> to vector<16xf32>
      %swap3A_45 = vector.shape_cast %broadcast_in_dim3A_18 : vector<16xf32> to vector<16xf32>
      tpu.vector_store %arg5[%swap3A], %swap3A_45 {strides = array<i32>} : memref<128xf32, #tpu.memory_space<vmem>>, vector<16xf32>,
    }
    %scan3A_29 = arith.constant 8 : i32
    "tpu.region"() ({
      %run_scoped3A = tpu.sem_alloc : memref<!tpu.dma_semaphore, #tpu.memory_space<semaphore_mem>>
      %dma_start3A = arith.constant 0 : i32
      %dma_start3A_40 = tpu.memref_slice %arg6[%dma_start3A] : memref<640xf32, #tpu.memory_space<vmem>> -> memref<632xf32, #tpu.memory_space<vmem>>
      %dma_start3A_41 = tpu.memref_slice %arg7[%mul3A_0] : memref<10112xf32, #tpu.memory_space<vmem_shared>> -> memref<632xf32, #tpu.memory_space<vmem_shared>>
      %dma_start3A_42 = tpu.memref_slice %arg7[%mul3A_0] : memref<10112xf32, #tpu.memory_space<vmem_shared>> -> memref<632xf32, #tpu.memory_space<vmem_shared>>
      %dma_start3A_43 = arith.constant 0 : i32
      %dma_start3A_44 = tpu.memref_slice %arg6[%dma_start3A_43] : memref<640xf32, #tpu.memory_space<vmem>> -> memref<632xf32, #tpu.memory_space<vmem>>
      tpu.enqueue_dma source(%dma_start3A_44 : memref<632xf32, #tpu.memory_space<vmem>>) target(%dma_start3A_42 : memref<632xf32, #tpu.memory_space<vmem_shared>>) target_semaphore(%run_scoped3A : memref<!tpu.dma_semaphore, #tpu.memory_space<semaphore_mem>>)
      %dma_wait3A = arith.constant 0 : i32
      %dma_wait3A_45 = tpu.memref_slice %arg6[%dma_wait3A] : memref<640xf32, #tpu.memory_space<vmem>> -> memref<632xf32, #tpu.memory_space<vmem>>
      %dma_wait3A_46 = tpu.memref_slice %arg7[%mul3A_0] : memref<10112xf32, #tpu.memory_space<vmem_shared>> -> memref<632xf32, #tpu.memory_space<vmem_shared>>
      %dma_wait3A_47 = tpu.memref_slice %arg7[%mul3A_0] : memref<10112xf32, #tpu.memory_space<vmem_shared>> -> memref<632xf32, #tpu.memory_space<vmem_shared>>
      %dma_wait3A_48 = arith.constant 0 : i32
      %dma_wait3A_49 = tpu.memref_slice %arg6[%dma_wait3A_48] : memref<640xf32, #tpu.memory_space<vmem>> -> memref<632xf32, #tpu.memory_space<vmem>>
      tpu.wait_dma2 semaphore(%run_scoped3A : memref<!tpu.dma_semaphore, #tpu.memory_space<semaphore_mem>>) src(%dma_wait3A_49 : memref<632xf32, #tpu.memory_space<vmem>>) dst(%dma_wait3A_47 : memref<632xf32, #tpu.memory_space<vmem_shared>>)
      tpu.yield
    }) : () -> ()
    "tpu.region"() ({
      %run_scoped3A = tpu.sem_alloc : memref<!tpu.dma_semaphore, #tpu.memory_space<semaphore_mem>>
      %dma_start3A = arith.constant 0 : i32
      %dma_start3A_40 = tpu.memref_slice %arg2[%select_n3A_10, %dma_start3A] : memref<2640x128xi32, #tpu.memory_space<hbm>> -> memref<80x128xi32, #tpu.memory_space<hbm>>
      %dma_start3A_41 = arith.constant 0 : i32
      %dma_start3A_42 = tpu.memref_slice %arg2[%select_n3A_10, %dma_start3A_41] : memref<2640x128xi32, #tpu.memory_space<hbm>> -> memref<80x128xi32, #tpu.memory_space<hbm>>
      tpu.enqueue_dma source(%dma_start3A_42 : memref<80x128xi32, #tpu.memory_space<hbm>>) target(%arg4 : memref<80x128xi32, #tpu.memory_space<vmem>>) target_semaphore(%run_scoped3A : memref<!tpu.dma_semaphore, #tpu.memory_space<semaphore_mem>>)
      %dma_wait3A = arith.constant 0 : i32
      %dma_wait3A_43 = tpu.memref_slice %arg2[%select_n3A_10, %dma_wait3A] : memref<2640x128xi32, #tpu.memory_space<hbm>> -> memref<80x128xi32, #tpu.memory_space<hbm>>
      %dma_wait3A_44 = arith.constant 0 : i32
      %dma_wait3A_45 = tpu.memref_slice %arg2[%select_n3A_10, %dma_wait3A_44] : memref<2640x128xi32, #tpu.memory_space<hbm>> -> memref<80x128xi32, #tpu.memory_space<hbm>>
      tpu.wait_dma2 semaphore(%run_scoped3A : memref<!tpu.dma_semaphore, #tpu.memory_space<semaphore_mem>>) src(%dma_wait3A_45 : memref<80x128xi32, #tpu.memory_space<hbm>>) dst(%arg4 : memref<80x128xi32, #tpu.memory_space<vmem>>)
      tpu.yield
    }) : () -> ()
    %barrier3A = arith.constant 0 : index
    tpu.barrier barrier_id(%barrier3A)
    %while3A = arith.constant 0 : i32
    %while3A_30 = arith.constant 0 : i32
    %while3A_31 = arith.subi %select_n3A, %while3A_30 : i32
    %while3A_32 = arith.addi %while3A_30, %while3A_31 : i32
    %while3A_33 = arith.constant 1 : i32
    %while3A_34 = arith.divsi %while3A_31, %while3A_33 : i32
    %while3A_35 = arith.muli %while3A_34, %while3A_33 : i32
    %while3A_36 = arith.addi %while3A_30, %while3A_35 : i32
    %while3A_37 = arith.constant 1 : i32
    scf.for %while3A_40 = %while3A_30 to %while3A_36 step %while3A_37  : i32 {
      "tpu.region"() ({
        %run_scoped3A = tpu.sem_alloc : memref<!tpu.dma_semaphore, #tpu.memory_space<semaphore_mem>>
        %dma_start3A = arith.constant 0 : i32
        %dma_start3A_41 = tpu.memref_slice %arg4[%while3A_40, %dma_start3A] : memref<80x128xi32, #tpu.memory_space<vmem>> -> memref<1x128xi32, #tpu.memory_space<vmem>>
        %dma_start3A_42 = tpu.memref_squeeze %dma_start3A_41 : memref<1x128xi32, #tpu.memory_space<vmem>> -> memref<128xi32, #tpu.memory_space<vmem>>
        %dma_start3A_43 = arith.constant 0 : i32
        %dma_start3A_44 = tpu.memref_slice %arg7[%dma_start3A_43] : memref<10112xf32, #tpu.memory_space<vmem_shared>> -> memref<10112xf32, #tpu.memory_space<vmem_shared>>
        tpu.enqueue_indirect_dma source(%arg5 : memref<128xf32, #tpu.memory_space<vmem>>) target(%dma_start3A_44 : memref<10112xf32, #tpu.memory_space<vmem_shared>>) offsets(%dma_start3A_42 : memref<128xi32, #tpu.memory_space<vmem>>) semaphore(%run_scoped3A : memref<!tpu.dma_semaphore, #tpu.memory_space<semaphore_mem>>) {add = true}
        %dma_wait3A = arith.constant 0 : i32
        %dma_wait3A_45 = tpu.memref_slice %arg4[%while3A_40, %dma_wait3A] : memref<80x128xi32, #tpu.memory_space<vmem>> -> memref<1x128xi32, #tpu.memory_space<vmem>>
        %dma_wait3A_46 = tpu.memref_squeeze %dma_wait3A_45 : memref<1x128xi32, #tpu.memory_space<vmem>> -> memref<128xi32, #tpu.memory_space<vmem>>
        %dma_wait3A_47 = arith.constant 0 : i32
        %dma_wait3A_48 = tpu.memref_slice %arg7[%dma_wait3A_47] : memref<10112xf32, #tpu.memory_space<vmem_shared>> -> memref<10112xf32, #tpu.memory_space<vmem_shared>>
        tpu.wait_indirect_dma semaphore(%run_scoped3A : memref<!tpu.dma_semaphore, #tpu.memory_space<semaphore_mem>>) src(%arg5 : memref<128xf32, #tpu.memory_space<vmem>>) dst(%dma_wait3A_48 : memref<10112xf32, #tpu.memory_space<vmem_shared>>)
        tpu.yield
      }) : () -> ()
    }
    %while3A_38 = arith.constant 1 : i32
    scf.for %while3A_40 = %while3A_36 to %while3A_32 step %while3A_38  : i32 {
      "tpu.region"() ({
        %run_scoped3A = tpu.sem_alloc : memref<!tpu.dma_semaphore, #tpu.memory_space<semaphore_mem>>
        %dma_start3A = arith.constant 0 : i32
        %dma_start3A_41 = tpu.memref_slice %arg4[%while3A_40, %dma_start3A] : memref<80x128xi32, #tpu.memory_space<vmem>> -> memref<1x128xi32, #tpu.memory_space<vmem>>
        %dma_start3A_42 = tpu.memref_squeeze %dma_start3A_41 : memref<1x128xi32, #tpu.memory_space<vmem>> -> memref<128xi32, #tpu.memory_space<vmem>>
        %dma_start3A_43 = arith.constant 0 : i32
        %dma_start3A_44 = tpu.memref_slice %arg7[%dma_start3A_43] : memref<10112xf32, #tpu.memory_space<vmem_shared>> -> memref<10112xf32, #tpu.memory_space<vmem_shared>>
        tpu.enqueue_indirect_dma source(%arg5 : memref<128xf32, #tpu.memory_space<vmem>>) target(%dma_start3A_44 : memref<10112xf32, #tpu.memory_space<vmem_shared>>) offsets(%dma_start3A_42 : memref<128xi32, #tpu.memory_space<vmem>>) semaphore(%run_scoped3A : memref<!tpu.dma_semaphore, #tpu.memory_space<semaphore_mem>>) {add = true}
        %dma_wait3A = arith.constant 0 : i32
        %dma_wait3A_45 = tpu.memref_slice %arg4[%while3A_40, %dma_wait3A] : memref<80x128xi32, #tpu.memory_space<vmem>> -> memref<1x128xi32, #tpu.memory_space<vmem>>
        %dma_wait3A_46 = tpu.memref_squeeze %dma_wait3A_45 : memref<1x128xi32, #tpu.memory_space<vmem>> -> memref<128xi32, #tpu.memory_space<vmem>>
        %dma_wait3A_47 = arith.constant 0 : i32
        %dma_wait3A_48 = tpu.memref_slice %arg7[%dma_wait3A_47] : memref<10112xf32, #tpu.memory_space<vmem_shared>> -> memref<10112xf32, #tpu.memory_space<vmem_shared>>
        tpu.wait_indirect_dma semaphore(%run_scoped3A : memref<!tpu.dma_semaphore, #tpu.memory_space<semaphore_mem>>) src(%arg5 : memref<128xf32, #tpu.memory_space<vmem>>) dst(%dma_wait3A_48 : memref<10112xf32, #tpu.memory_space<vmem_shared>>)
        tpu.yield
      }) : () -> ()
    }
    %barrier3A_39 = arith.constant 0 : index
    tpu.barrier barrier_id(%barrier3A_39)
    "tpu.region"() ({
      %run_scoped3A = tpu.sem_alloc : memref<!tpu.dma_semaphore, #tpu.memory_space<semaphore_mem>>
      %dma_start3A = arith.constant 0 : i32
      %dma_start3A_40 = tpu.memref_slice %arg6[%dma_start3A] : memref<640xf32, #tpu.memory_space<vmem>> -> memref<632xf32, #tpu.memory_space<vmem>>
      %dma_start3A_41 = tpu.memref_slice %arg7[%mul3A_0] : memref<10112xf32, #tpu.memory_space<vmem_shared>> -> memref<632xf32, #tpu.memory_space<vmem_shared>>
      %dma_start3A_42 = arith.constant 0 : i32
      %dma_start3A_43 = tpu.memref_slice %arg6[%dma_start3A_42] : memref<640xf32, #tpu.memory_space<vmem>> -> memref<632xf32, #tpu.memory_space<vmem>>
      %dma_start3A_44 = tpu.memref_slice %arg7[%mul3A_0] : memref<10112xf32, #tpu.memory_space<vmem_shared>> -> memref<632xf32, #tpu.memory_space<vmem_shared>>
      tpu.enqueue_dma source(%dma_start3A_44 : memref<632xf32, #tpu.memory_space<vmem_shared>>) target(%dma_start3A_43 : memref<632xf32, #tpu.memory_space<vmem>>) target_semaphore(%run_scoped3A : memref<!tpu.dma_semaphore, #tpu.memory_space<semaphore_mem>>)
      %dma_wait3A = arith.constant 0 : i32
      %dma_wait3A_45 = tpu.memref_slice %arg6[%dma_wait3A] : memref<640xf32, #tpu.memory_space<vmem>> -> memref<632xf32, #tpu.memory_space<vmem>>
      %dma_wait3A_46 = tpu.memref_slice %arg7[%mul3A_0] : memref<10112xf32, #tpu.memory_space<vmem_shared>> -> memref<632xf32, #tpu.memory_space<vmem_shared>>
      %dma_wait3A_47 = arith.constant 0 : i32
      %dma_wait3A_48 = tpu.memref_slice %arg6[%dma_wait3A_47] : memref<640xf32, #tpu.memory_space<vmem>> -> memref<632xf32, #tpu.memory_space<vmem>>
      %dma_wait3A_49 = tpu.memref_slice %arg7[%mul3A_0] : memref<10112xf32, #tpu.memory_space<vmem_shared>> -> memref<632xf32, #tpu.memory_space<vmem_shared>>
      tpu.wait_dma2 semaphore(%run_scoped3A : memref<!tpu.dma_semaphore, #tpu.memory_space<semaphore_mem>>) src(%dma_wait3A_49 : memref<632xf32, #tpu.memory_space<vmem_shared>>) dst(%dma_wait3A_48 : memref<632xf32, #tpu.memory_space<vmem>>)
      tpu.yield
    }) : () -> ()
    "tpu.region"() ({
      %run_scoped3A = tpu.sem_alloc : memref<!tpu.dma_semaphore, #tpu.memory_space<semaphore_mem>>
      %dma_start3A = arith.constant 0 : i32
      %dma_start3A_40 = tpu.memref_slice %arg6[%dma_start3A] : memref<640xf32, #tpu.memory_space<vmem>> -> memref<632xf32, #tpu.memory_space<vmem>>
      %dma_start3A_41 = arith.constant 0 : i32
      %dma_start3A_42 = tpu.memref_slice %arg3[%arg0, %dma_start3A_41] : memref<2x10112xf32, #tpu.memory_space<hbm>> -> memref<1x10112xf32, #tpu.memory_space<hbm>>
      %dma_start3A_43 = tpu.memref_squeeze %dma_start3A_42 : memref<1x10112xf32, #tpu.memory_space<hbm>> -> memref<10112xf32, #tpu.memory_space<hbm>>
      %dma_start3A_44 = tpu.memref_slice %dma_start3A_43[%mul3A_0] : memref<10112xf32, #tpu.memory_space<hbm>> -> memref<632xf32, #tpu.memory_space<hbm>>
      %dma_start3A_45 = arith.constant 0 : i32
      %dma_start3A_46 = tpu.memref_slice %arg3[%arg0, %dma_start3A_45] : memref<2x10112xf32, #tpu.memory_space<hbm>> -> memref<1x10112xf32, #tpu.memory_space<hbm>>
      %dma_start3A_47 = tpu.memref_squeeze %dma_start3A_46 : memref<1x10112xf32, #tpu.memory_space<hbm>> -> memref<10112xf32, #tpu.memory_space<hbm>>
      %dma_start3A_48 = tpu.memref_slice %dma_start3A_47[%mul3A_0] : memref<10112xf32, #tpu.memory_space<hbm>> -> memref<632xf32, #tpu.memory_space<hbm>>
      %dma_start3A_49 = arith.constant 0 : i32
      %dma_start3A_50 = tpu.memref_slice %arg6[%dma_start3A_49] : memref<640xf32, #tpu.memory_space<vmem>> -> memref<632xf32, #tpu.memory_space<vmem>>
      tpu.enqueue_dma source(%dma_start3A_50 : memref<632xf32, #tpu.memory_space<vmem>>) target(%dma_start3A_48 : memref<632xf32, #tpu.memory_space<hbm>>) target_semaphore(%run_scoped3A : memref<!tpu.dma_semaphore, #tpu.memory_space<semaphore_mem>>)
      %dma_wait3A = arith.constant 0 : i32
      %dma_wait3A_51 = tpu.memref_slice %arg6[%dma_wait3A] : memref<640xf32, #tpu.memory_space<vmem>> -> memref<632xf32, #tpu.memory_space<vmem>>
      %dma_wait3A_52 = arith.constant 0 : i32
      %dma_wait3A_53 = tpu.memref_slice %arg3[%arg0, %dma_wait3A_52] : memref<2x10112xf32, #tpu.memory_space<hbm>> -> memref<1x10112xf32, #tpu.memory_space<hbm>>
      %dma_wait3A_54 = tpu.memref_squeeze %dma_wait3A_53 : memref<1x10112xf32, #tpu.memory_space<hbm>> -> memref<10112xf32, #tpu.memory_space<hbm>>
      %dma_wait3A_55 = tpu.memref_slice %dma_wait3A_54[%mul3A_0] : memref<10112xf32, #tpu.memory_space<hbm>> -> memref<632xf32, #tpu.memory_space<hbm>>
      %dma_wait3A_56 = arith.constant 0 : i32
      %dma_wait3A_57 = tpu.memref_slice %arg3[%arg0, %dma_wait3A_56] : memref<2x10112xf32, #tpu.memory_space<hbm>> -> memref<1x10112xf32, #tpu.memory_space<hbm>>
      %dma_wait3A_58 = tpu.memref_squeeze %dma_wait3A_57 : memref<1x10112xf32, #tpu.memory_space<hbm>> -> memref<10112xf32, #tpu.memory_space<hbm>>
      %dma_wait3A_59 = tpu.memref_slice %dma_wait3A_58[%mul3A_0] : memref<10112xf32, #tpu.memory_space<hbm>> -> memref<632xf32, #tpu.memory_space<hbm>>
      %dma_wait3A_60 = arith.constant 0 : i32
      %dma_wait3A_61 = tpu.memref_slice %arg6[%dma_wait3A_60] : memref<640xf32, #tpu.memory_space<vmem>> -> memref<632xf32, #tpu.memory_space<vmem>>
      tpu.wait_dma2 semaphore(%run_scoped3A : memref<!tpu.dma_semaphore, #tpu.memory_space<semaphore_mem>>) src(%dma_wait3A_61 : memref<632xf32, #tpu.memory_space<vmem>>) dst(%dma_wait3A_59 : memref<632xf32, #tpu.memory_space<hbm>>)
      tpu.yield
    }) : () -> ()
    return
  }
}

#map = affine_map<(d0, d1) -> (0, 0)>
#map1 = affine_map<(d0, d1) -> (0, 0, 0)>
module attributes {stable_mosaic.version = 14 : i64} {
  func.func @agg(%arg0: i32, %arg1: i32, %arg2: memref<10000x16xf32, #tpu.memory_space<hbm>>, %arg3: memref<2640x128xi32, #tpu.memory_space<hbm>>, %arg4: memref<2640x128xi32, #tpu.memory_space<hbm>>, %arg5: memref<2x10112x16xf32, #tpu.memory_space<hbm>>, %arg6: memref<80x128xi32, #tpu.memory_space<vmem>>, %arg7: memref<80x128xi32, #tpu.memory_space<vmem>>, %arg8: memref<128x16xf32, #tpu.memory_space<vmem>>, %arg9: memref<128x16xf32, #tpu.memory_space<vmem>>, %arg10: memref<128x16xf32, #tpu.memory_space<vmem>>, %arg11: memref<128x16xf32, #tpu.memory_space<vmem>>, %arg12: memref<632x16xf32, #tpu.memory_space<vmem>>, %arg13: memref<10112x16xf32, #tpu.memory_space<vmem_shared>>, %arg14: memref<10112x16xf32, #tpu.memory_space<vmem_shared>>, %arg15: memref<!tpu.dma_semaphore, #tpu.memory_space<semaphore_mem>>, %arg16: memref<!tpu.dma_semaphore, #tpu.memory_space<semaphore_mem>>, %arg17: memref<!tpu.dma_semaphore, #tpu.memory_space<semaphore_mem>>, %arg18: memref<!tpu.dma_semaphore, #tpu.memory_space<semaphore_mem>>, %arg19: memref<!tpu.dma_semaphore, #tpu.memory_space<semaphore_mem>>, %arg20: memref<!tpu.dma_semaphore, #tpu.memory_space<semaphore_mem>>, %arg21: memref<!tpu.dma_semaphore, #tpu.memory_space<semaphore_mem>>, %arg22: memref<!tpu.dma_semaphore, #tpu.memory_space<semaphore_mem>>) attributes {dimension_semantics = [#tpu.dimension_semantics<core_parallel>, #tpu.dimension_semantics<subcore_parallel>], iteration_bounds = array<i64: 2, 16>, scalar_prefetch = 0 : i64, scratch_operands = 17 : i64, tpu.core_type = #tpu.core_type<sc_vector_subcore>, window_params = [{transform_indices = #map}, {transform_indices = #map}, {transform_indices = #map}, {transform_indices = #map1}]} {
    %mul3A = arith.constant 632 : i32
    %mul3A_0 = arith.muli %arg1, %mul3A : i32
    %eq3A = arith.constant 0 : i32
    %eq3A_1 = arith.cmpi eq, %arg0, %eq3A : i32
    %jit3A = arith.constant 80 : i32
    %jit3A_2 = arith.constant 80 : i32
    %select_n3A = arith.select %eq3A_1, %jit3A, %jit3A_2 : i32
    %eq3A_3 = arith.constant 0 : i32
    %eq3A_4 = arith.cmpi eq, %arg0, %eq3A_3 : i32
    %mul3A_5 = arith.constant 80 : i32
    %mul3A_6 = arith.muli %arg1, %mul3A_5 : i32
    %mul3A_7 = arith.constant 80 : i32
    %mul3A_8 = arith.muli %arg1, %mul3A_7 : i32
    %add3A = arith.constant 1280 : i32
    %add3A_9 = arith.addi %add3A, %mul3A_8 : i32
    %select_n3A_10 = arith.select %eq3A_4, %mul3A_6, %add3A_9 : i32
    %eq3A_11 = arith.constant 0 : i32
    %eq3A_12 = arith.cmpi eq, %arg0, %eq3A_11 : i32
    %jit3A_13 = arith.constant 20 : i32
    %jit3A_14 = arith.constant 20 : i32
    %select_n3A_15 = arith.select %eq3A_12, %jit3A_13, %jit3A_14 : i32
    %lt3A = arith.constant 15 : i32
    %lt3A_16 = arith.cmpi slt, %arg1, %lt3A : i32
    %convert_element_type3A = arith.extui %lt3A_16 : i1 to i32
    %cond3A = arith.constant 0 : i32
    %cond3A_17 = arith.cmpi ne, %convert_element_type3A, %cond3A : i32
    scf.if %cond3A_17 {
      "tpu.region"() ({
        %run_scoped3A = tpu.sem_alloc : memref<!tpu.dma_semaphore, #tpu.memory_space<semaphore_mem>>
        %dma_start3A_66 = arith.constant 0 : i32
        %dma_start3A_67 = tpu.memref_slice %arg2[%mul3A_0, %dma_start3A_66] : memref<10000x16xf32, #tpu.memory_space<hbm>> -> memref<632x16xf32, #tpu.memory_space<hbm>>
        %dma_start3A_68 = arith.constant 0 : i32
        %dma_start3A_69 = tpu.memref_slice %arg2[%mul3A_0, %dma_start3A_68] : memref<10000x16xf32, #tpu.memory_space<hbm>> -> memref<632x16xf32, #tpu.memory_space<hbm>>
        tpu.enqueue_dma source(%dma_start3A_69 : memref<632x16xf32, #tpu.memory_space<hbm>>) target(%arg12 : memref<632x16xf32, #tpu.memory_space<vmem>>) target_semaphore(%run_scoped3A : memref<!tpu.dma_semaphore, #tpu.memory_space<semaphore_mem>>)
        %dma_wait3A = arith.constant 0 : i32
        %dma_wait3A_70 = tpu.memref_slice %arg2[%mul3A_0, %dma_wait3A] : memref<10000x16xf32, #tpu.memory_space<hbm>> -> memref<632x16xf32, #tpu.memory_space<hbm>>
        %dma_wait3A_71 = arith.constant 0 : i32
        %dma_wait3A_72 = tpu.memref_slice %arg2[%mul3A_0, %dma_wait3A_71] : memref<10000x16xf32, #tpu.memory_space<hbm>> -> memref<632x16xf32, #tpu.memory_space<hbm>>
        tpu.wait_dma2 semaphore(%run_scoped3A : memref<!tpu.dma_semaphore, #tpu.memory_space<semaphore_mem>>) src(%dma_wait3A_72 : memref<632x16xf32, #tpu.memory_space<hbm>>) dst(%arg12 : memref<632x16xf32, #tpu.memory_space<vmem>>)
        tpu.yield
      }) : () -> ()
      "tpu.region"() ({
        %run_scoped3A = tpu.sem_alloc : memref<!tpu.dma_semaphore, #tpu.memory_space<semaphore_mem>>
        %dma_start3A_66 = arith.constant 0 : i32
        %dma_start3A_67 = tpu.memref_slice %arg14[%mul3A_0, %dma_start3A_66] : memref<10112x16xf32, #tpu.memory_space<vmem_shared>> -> memref<632x16xf32, #tpu.memory_space<vmem_shared>>
        %dma_start3A_68 = arith.constant 0 : i32
        %dma_start3A_69 = tpu.memref_slice %arg14[%mul3A_0, %dma_start3A_68] : memref<10112x16xf32, #tpu.memory_space<vmem_shared>> -> memref<632x16xf32, #tpu.memory_space<vmem_shared>>
        tpu.enqueue_dma source(%arg12 : memref<632x16xf32, #tpu.memory_space<vmem>>) target(%dma_start3A_69 : memref<632x16xf32, #tpu.memory_space<vmem_shared>>) target_semaphore(%run_scoped3A : memref<!tpu.dma_semaphore, #tpu.memory_space<semaphore_mem>>)
        %dma_wait3A = arith.constant 0 : i32
        %dma_wait3A_70 = tpu.memref_slice %arg14[%mul3A_0, %dma_wait3A] : memref<10112x16xf32, #tpu.memory_space<vmem_shared>> -> memref<632x16xf32, #tpu.memory_space<vmem_shared>>
        %dma_wait3A_71 = arith.constant 0 : i32
        %dma_wait3A_72 = tpu.memref_slice %arg14[%mul3A_0, %dma_wait3A_71] : memref<10112x16xf32, #tpu.memory_space<vmem_shared>> -> memref<632x16xf32, #tpu.memory_space<vmem_shared>>
        tpu.wait_dma2 semaphore(%run_scoped3A : memref<!tpu.dma_semaphore, #tpu.memory_space<semaphore_mem>>) src(%arg12 : memref<632x16xf32, #tpu.memory_space<vmem>>) dst(%dma_wait3A_72 : memref<632x16xf32, #tpu.memory_space<vmem_shared>>)
        tpu.yield
      }) : () -> ()
    } else {
    }
    %eq3A_18 = arith.constant 15 : i32
    %eq3A_19 = arith.cmpi eq, %arg1, %eq3A_18 : i32
    %convert_element_type3A_20 = arith.extui %eq3A_19 : i1 to i32
    %cond3A_21 = arith.constant 0 : i32
    %cond3A_22 = arith.cmpi ne, %convert_element_type3A_20, %cond3A_21 : i32
    scf.if %cond3A_22 {
      "tpu.region"() ({
        %run_scoped3A = tpu.sem_alloc : memref<!tpu.dma_semaphore, #tpu.memory_space<semaphore_mem>>
        %dma_start3A_66 = arith.constant 0 : i32
        %dma_start3A_67 = arith.constant 0 : i32
        %dma_start3A_68 = tpu.memref_slice %arg12[%dma_start3A_66, %dma_start3A_67] : memref<632x16xf32, #tpu.memory_space<vmem>> -> memref<520x16xf32, #tpu.memory_space<vmem>>
        %dma_start3A_69 = arith.constant 9480 : i32
        %dma_start3A_70 = arith.constant 0 : i32
        %dma_start3A_71 = tpu.memref_slice %arg2[%dma_start3A_69, %dma_start3A_70] : memref<10000x16xf32, #tpu.memory_space<hbm>> -> memref<520x16xf32, #tpu.memory_space<hbm>>
        %dma_start3A_72 = arith.constant 0 : i32
        %dma_start3A_73 = arith.constant 0 : i32
        %dma_start3A_74 = tpu.memref_slice %arg12[%dma_start3A_72, %dma_start3A_73] : memref<632x16xf32, #tpu.memory_space<vmem>> -> memref<520x16xf32, #tpu.memory_space<vmem>>
        %dma_start3A_75 = arith.constant 9480 : i32
        %dma_start3A_76 = arith.constant 0 : i32
        %dma_start3A_77 = tpu.memref_slice %arg2[%dma_start3A_75, %dma_start3A_76] : memref<10000x16xf32, #tpu.memory_space<hbm>> -> memref<520x16xf32, #tpu.memory_space<hbm>>
        tpu.enqueue_dma source(%dma_start3A_77 : memref<520x16xf32, #tpu.memory_space<hbm>>) target(%dma_start3A_74 : memref<520x16xf32, #tpu.memory_space<vmem>>) target_semaphore(%run_scoped3A : memref<!tpu.dma_semaphore, #tpu.memory_space<semaphore_mem>>)
        %dma_wait3A = arith.constant 0 : i32
        %dma_wait3A_78 = arith.constant 0 : i32
        %dma_wait3A_79 = tpu.memref_slice %arg12[%dma_wait3A, %dma_wait3A_78] : memref<632x16xf32, #tpu.memory_space<vmem>> -> memref<520x16xf32, #tpu.memory_space<vmem>>
        %dma_wait3A_80 = arith.constant 9480 : i32
        %dma_wait3A_81 = arith.constant 0 : i32
        %dma_wait3A_82 = tpu.memref_slice %arg2[%dma_wait3A_80, %dma_wait3A_81] : memref<10000x16xf32, #tpu.memory_space<hbm>> -> memref<520x16xf32, #tpu.memory_space<hbm>>
        %dma_wait3A_83 = arith.constant 0 : i32
        %dma_wait3A_84 = arith.constant 0 : i32
        %dma_wait3A_85 = tpu.memref_slice %arg12[%dma_wait3A_83, %dma_wait3A_84] : memref<632x16xf32, #tpu.memory_space<vmem>> -> memref<520x16xf32, #tpu.memory_space<vmem>>
        %dma_wait3A_86 = arith.constant 9480 : i32
        %dma_wait3A_87 = arith.constant 0 : i32
        %dma_wait3A_88 = tpu.memref_slice %arg2[%dma_wait3A_86, %dma_wait3A_87] : memref<10000x16xf32, #tpu.memory_space<hbm>> -> memref<520x16xf32, #tpu.memory_space<hbm>>
        tpu.wait_dma2 semaphore(%run_scoped3A : memref<!tpu.dma_semaphore, #tpu.memory_space<semaphore_mem>>) src(%dma_wait3A_88 : memref<520x16xf32, #tpu.memory_space<hbm>>) dst(%dma_wait3A_85 : memref<520x16xf32, #tpu.memory_space<vmem>>)
        tpu.yield
      }) : () -> ()
      "tpu.region"() ({
        %run_scoped3A = tpu.sem_alloc : memref<!tpu.dma_semaphore, #tpu.memory_space<semaphore_mem>>
        %dma_start3A_66 = arith.constant 0 : i32
        %dma_start3A_67 = arith.constant 0 : i32
        %dma_start3A_68 = tpu.memref_slice %arg12[%dma_start3A_66, %dma_start3A_67] : memref<632x16xf32, #tpu.memory_space<vmem>> -> memref<520x16xf32, #tpu.memory_space<vmem>>
        %dma_start3A_69 = arith.constant 9480 : i32
        %dma_start3A_70 = arith.constant 0 : i32
        %dma_start3A_71 = tpu.memref_slice %arg14[%dma_start3A_69, %dma_start3A_70] : memref<10112x16xf32, #tpu.memory_space<vmem_shared>> -> memref<520x16xf32, #tpu.memory_space<vmem_shared>>
        %dma_start3A_72 = arith.constant 9480 : i32
        %dma_start3A_73 = arith.constant 0 : i32
        %dma_start3A_74 = tpu.memref_slice %arg14[%dma_start3A_72, %dma_start3A_73] : memref<10112x16xf32, #tpu.memory_space<vmem_shared>> -> memref<520x16xf32, #tpu.memory_space<vmem_shared>>
        %dma_start3A_75 = arith.constant 0 : i32
        %dma_start3A_76 = arith.constant 0 : i32
        %dma_start3A_77 = tpu.memref_slice %arg12[%dma_start3A_75, %dma_start3A_76] : memref<632x16xf32, #tpu.memory_space<vmem>> -> memref<520x16xf32, #tpu.memory_space<vmem>>
        tpu.enqueue_dma source(%dma_start3A_77 : memref<520x16xf32, #tpu.memory_space<vmem>>) target(%dma_start3A_74 : memref<520x16xf32, #tpu.memory_space<vmem_shared>>) target_semaphore(%run_scoped3A : memref<!tpu.dma_semaphore, #tpu.memory_space<semaphore_mem>>)
        %dma_wait3A = arith.constant 0 : i32
        %dma_wait3A_78 = arith.constant 0 : i32
        %dma_wait3A_79 = tpu.memref_slice %arg12[%dma_wait3A, %dma_wait3A_78] : memref<632x16xf32, #tpu.memory_space<vmem>> -> memref<520x16xf32, #tpu.memory_space<vmem>>
        %dma_wait3A_80 = arith.constant 9480 : i32
        %dma_wait3A_81 = arith.constant 0 : i32
        %dma_wait3A_82 = tpu.memref_slice %arg14[%dma_wait3A_80, %dma_wait3A_81] : memref<10112x16xf32, #tpu.memory_space<vmem_shared>> -> memref<520x16xf32, #tpu.memory_space<vmem_shared>>
        %dma_wait3A_83 = arith.constant 9480 : i32
        %dma_wait3A_84 = arith.constant 0 : i32
        %dma_wait3A_85 = tpu.memref_slice %arg14[%dma_wait3A_83, %dma_wait3A_84] : memref<10112x16xf32, #tpu.memory_space<vmem_shared>> -> memref<520x16xf32, #tpu.memory_space<vmem_shared>>
        %dma_wait3A_86 = arith.constant 0 : i32
        %dma_wait3A_87 = arith.constant 0 : i32
        %dma_wait3A_88 = tpu.memref_slice %arg12[%dma_wait3A_86, %dma_wait3A_87] : memref<632x16xf32, #tpu.memory_space<vmem>> -> memref<520x16xf32, #tpu.memory_space<vmem>>
        tpu.wait_dma2 semaphore(%run_scoped3A : memref<!tpu.dma_semaphore, #tpu.memory_space<semaphore_mem>>) src(%dma_wait3A_88 : memref<520x16xf32, #tpu.memory_space<vmem>>) dst(%dma_wait3A_85 : memref<520x16xf32, #tpu.memory_space<vmem_shared>>)
        tpu.yield
      }) : () -> ()
    } else {
    }
    %broadcast_in_dim3A = arith.constant 0.000000e+00 : f32
    %broadcast_in_dim3A_23 = vector.broadcast %broadcast_in_dim3A : f32 to vector<16xf32>
    %scan3A = arith.constant 0 : i32
    %scan3A_24 = arith.constant 0 : i32
    %scan3A_25 = arith.constant 632 : i32
    %scan3A_26 = arith.addi %scan3A_24, %scan3A_25 : i32
    %scan3A_27 = arith.constant 1 : i32
    scf.for %scan3A_66 = %scan3A_24 to %scan3A_26 step %scan3A_27  : i32 {
      %swap3A = arith.index_cast %scan3A_66 : i32 to index
      %swap3A_67 = arith.constant 0 : index
      %swap3A_68 = tpu.vector_load %arg12[%swap3A, %swap3A_67] {strides = array<i32>} : memref<632x16xf32, #tpu.memory_space<vmem>>, vector<1x16xf32>,
      %swap3A_69 = vector.shape_cast %swap3A_68 : vector<1x16xf32> to vector<16xf32>
      %swap3A_70 = vector.shape_cast %broadcast_in_dim3A_23 : vector<16xf32> to vector<1x16xf32>
      tpu.vector_store %arg12[%swap3A, %swap3A_67], %swap3A_70 {strides = array<i32>} : memref<632x16xf32, #tpu.memory_space<vmem>>, vector<1x16xf32>,
    }
    %scan3A_28 = arith.constant 632 : i32
    "tpu.region"() ({
      %run_scoped3A = tpu.sem_alloc : memref<!tpu.dma_semaphore, #tpu.memory_space<semaphore_mem>>
      %dma_start3A_66 = arith.constant 0 : i32
      %dma_start3A_67 = tpu.memref_slice %arg13[%mul3A_0, %dma_start3A_66] : memref<10112x16xf32, #tpu.memory_space<vmem_shared>> -> memref<632x16xf32, #tpu.memory_space<vmem_shared>>
      %dma_start3A_68 = arith.constant 0 : i32
      %dma_start3A_69 = tpu.memref_slice %arg13[%mul3A_0, %dma_start3A_68] : memref<10112x16xf32, #tpu.memory_space<vmem_shared>> -> memref<632x16xf32, #tpu.memory_space<vmem_shared>>
      tpu.enqueue_dma source(%arg12 : memref<632x16xf32, #tpu.memory_space<vmem>>) target(%dma_start3A_69 : memref<632x16xf32, #tpu.memory_space<vmem_shared>>) target_semaphore(%run_scoped3A : memref<!tpu.dma_semaphore, #tpu.memory_space<semaphore_mem>>)
      %dma_wait3A = arith.constant 0 : i32
      %dma_wait3A_70 = tpu.memref_slice %arg13[%mul3A_0, %dma_wait3A] : memref<10112x16xf32, #tpu.memory_space<vmem_shared>> -> memref<632x16xf32, #tpu.memory_space<vmem_shared>>
      %dma_wait3A_71 = arith.constant 0 : i32
      %dma_wait3A_72 = tpu.memref_slice %arg13[%mul3A_0, %dma_wait3A_71] : memref<10112x16xf32, #tpu.memory_space<vmem_shared>> -> memref<632x16xf32, #tpu.memory_space<vmem_shared>>
      tpu.wait_dma2 semaphore(%run_scoped3A : memref<!tpu.dma_semaphore, #tpu.memory_space<semaphore_mem>>) src(%arg12 : memref<632x16xf32, #tpu.memory_space<vmem>>) dst(%dma_wait3A_72 : memref<632x16xf32, #tpu.memory_space<vmem_shared>>)
      tpu.yield
    }) : () -> ()
    "tpu.region"() ({
      %run_scoped3A = tpu.sem_alloc : memref<!tpu.dma_semaphore, #tpu.memory_space<semaphore_mem>>
      %dma_start3A_66 = arith.constant 0 : i32
      %dma_start3A_67 = tpu.memref_slice %arg3[%select_n3A_10, %dma_start3A_66] : memref<2640x128xi32, #tpu.memory_space<hbm>> -> memref<80x128xi32, #tpu.memory_space<hbm>>
      %dma_start3A_68 = arith.constant 0 : i32
      %dma_start3A_69 = tpu.memref_slice %arg3[%select_n3A_10, %dma_start3A_68] : memref<2640x128xi32, #tpu.memory_space<hbm>> -> memref<80x128xi32, #tpu.memory_space<hbm>>
      tpu.enqueue_dma source(%dma_start3A_69 : memref<80x128xi32, #tpu.memory_space<hbm>>) target(%arg6 : memref<80x128xi32, #tpu.memory_space<vmem>>) target_semaphore(%run_scoped3A : memref<!tpu.dma_semaphore, #tpu.memory_space<semaphore_mem>>)
      %dma_wait3A = arith.constant 0 : i32
      %dma_wait3A_70 = tpu.memref_slice %arg3[%select_n3A_10, %dma_wait3A] : memref<2640x128xi32, #tpu.memory_space<hbm>> -> memref<80x128xi32, #tpu.memory_space<hbm>>
      %dma_wait3A_71 = arith.constant 0 : i32
      %dma_wait3A_72 = tpu.memref_slice %arg3[%select_n3A_10, %dma_wait3A_71] : memref<2640x128xi32, #tpu.memory_space<hbm>> -> memref<80x128xi32, #tpu.memory_space<hbm>>
      tpu.wait_dma2 semaphore(%run_scoped3A : memref<!tpu.dma_semaphore, #tpu.memory_space<semaphore_mem>>) src(%dma_wait3A_72 : memref<80x128xi32, #tpu.memory_space<hbm>>) dst(%arg6 : memref<80x128xi32, #tpu.memory_space<vmem>>)
      tpu.yield
    }) : () -> ()
    "tpu.region"() ({
      %run_scoped3A = tpu.sem_alloc : memref<!tpu.dma_semaphore, #tpu.memory_space<semaphore_mem>>
      %dma_start3A_66 = arith.constant 0 : i32
      %dma_start3A_67 = tpu.memref_slice %arg4[%select_n3A_10, %dma_start3A_66] : memref<2640x128xi32, #tpu.memory_space<hbm>> -> memref<80x128xi32, #tpu.memory_space<hbm>>
      %dma_start3A_68 = arith.constant 0 : i32
      %dma_start3A_69 = tpu.memref_slice %arg4[%select_n3A_10, %dma_start3A_68] : memref<2640x128xi32, #tpu.memory_space<hbm>> -> memref<80x128xi32, #tpu.memory_space<hbm>>
      tpu.enqueue_dma source(%dma_start3A_69 : memref<80x128xi32, #tpu.memory_space<hbm>>) target(%arg7 : memref<80x128xi32, #tpu.memory_space<vmem>>) target_semaphore(%run_scoped3A : memref<!tpu.dma_semaphore, #tpu.memory_space<semaphore_mem>>)
      %dma_wait3A = arith.constant 0 : i32
      %dma_wait3A_70 = tpu.memref_slice %arg4[%select_n3A_10, %dma_wait3A] : memref<2640x128xi32, #tpu.memory_space<hbm>> -> memref<80x128xi32, #tpu.memory_space<hbm>>
      %dma_wait3A_71 = arith.constant 0 : i32
      %dma_wait3A_72 = tpu.memref_slice %arg4[%select_n3A_10, %dma_wait3A_71] : memref<2640x128xi32, #tpu.memory_space<hbm>> -> memref<80x128xi32, #tpu.memory_space<hbm>>
      tpu.wait_dma2 semaphore(%run_scoped3A : memref<!tpu.dma_semaphore, #tpu.memory_space<semaphore_mem>>) src(%dma_wait3A_72 : memref<80x128xi32, #tpu.memory_space<hbm>>) dst(%arg7 : memref<80x128xi32, #tpu.memory_space<vmem>>)
      tpu.yield
    }) : () -> ()
    %barrier3A = arith.constant 0 : index
    tpu.barrier barrier_id(%barrier3A)
    %dma_start3A = arith.constant 0 : i32
    %dma_start3A_29 = arith.constant 0 : i32
    %dma_start3A_30 = tpu.memref_slice %arg6[%dma_start3A, %dma_start3A_29] : memref<80x128xi32, #tpu.memory_space<vmem>> -> memref<1x128xi32, #tpu.memory_space<vmem>>
    %dma_start3A_31 = tpu.memref_squeeze %dma_start3A_30 : memref<1x128xi32, #tpu.memory_space<vmem>> -> memref<128xi32, #tpu.memory_space<vmem>>
    %dma_start3A_32 = arith.constant 0 : i32
    %dma_start3A_33 = arith.constant 0 : i32
    %dma_start3A_34 = tpu.memref_slice %arg14[%dma_start3A_32, %dma_start3A_33] : memref<10112x16xf32, #tpu.memory_space<vmem_shared>> -> memref<10112x16xf32, #tpu.memory_space<vmem_shared>>
    tpu.enqueue_indirect_dma source(%dma_start3A_34 : memref<10112x16xf32, #tpu.memory_space<vmem_shared>>) target(%arg8 : memref<128x16xf32, #tpu.memory_space<vmem>>) offsets(%dma_start3A_31 : memref<128xi32, #tpu.memory_space<vmem>>) semaphore(%arg15 : memref<!tpu.dma_semaphore, #tpu.memory_space<semaphore_mem>>)
    %dma_start3A_35 = arith.constant 1 : i32
    %dma_start3A_36 = arith.constant 0 : i32
    %dma_start3A_37 = tpu.memref_slice %arg6[%dma_start3A_35, %dma_start3A_36] : memref<80x128xi32, #tpu.memory_space<vmem>> -> memref<1x128xi32, #tpu.memory_space<vmem>>
    %dma_start3A_38 = tpu.memref_squeeze %dma_start3A_37 : memref<1x128xi32, #tpu.memory_space<vmem>> -> memref<128xi32, #tpu.memory_space<vmem>>
    %dma_start3A_39 = arith.constant 0 : i32
    %dma_start3A_40 = arith.constant 0 : i32
    %dma_start3A_41 = tpu.memref_slice %arg14[%dma_start3A_39, %dma_start3A_40] : memref<10112x16xf32, #tpu.memory_space<vmem_shared>> -> memref<10112x16xf32, #tpu.memory_space<vmem_shared>>
    tpu.enqueue_indirect_dma source(%dma_start3A_41 : memref<10112x16xf32, #tpu.memory_space<vmem_shared>>) target(%arg9 : memref<128x16xf32, #tpu.memory_space<vmem>>) offsets(%dma_start3A_38 : memref<128xi32, #tpu.memory_space<vmem>>) semaphore(%arg16 : memref<!tpu.dma_semaphore, #tpu.memory_space<semaphore_mem>>)
    %dma_start3A_42 = arith.constant 2 : i32
    %dma_start3A_43 = arith.constant 0 : i32
    %dma_start3A_44 = tpu.memref_slice %arg6[%dma_start3A_42, %dma_start3A_43] : memref<80x128xi32, #tpu.memory_space<vmem>> -> memref<1x128xi32, #tpu.memory_space<vmem>>
    %dma_start3A_45 = tpu.memref_squeeze %dma_start3A_44 : memref<1x128xi32, #tpu.memory_space<vmem>> -> memref<128xi32, #tpu.memory_space<vmem>>
    %dma_start3A_46 = arith.constant 0 : i32
    %dma_start3A_47 = arith.constant 0 : i32
    %dma_start3A_48 = tpu.memref_slice %arg14[%dma_start3A_46, %dma_start3A_47] : memref<10112x16xf32, #tpu.memory_space<vmem_shared>> -> memref<10112x16xf32, #tpu.memory_space<vmem_shared>>
    tpu.enqueue_indirect_dma source(%dma_start3A_48 : memref<10112x16xf32, #tpu.memory_space<vmem_shared>>) target(%arg10 : memref<128x16xf32, #tpu.memory_space<vmem>>) offsets(%dma_start3A_45 : memref<128xi32, #tpu.memory_space<vmem>>) semaphore(%arg17 : memref<!tpu.dma_semaphore, #tpu.memory_space<semaphore_mem>>)
    %dma_start3A_49 = arith.constant 3 : i32
    %dma_start3A_50 = arith.constant 0 : i32
    %dma_start3A_51 = tpu.memref_slice %arg6[%dma_start3A_49, %dma_start3A_50] : memref<80x128xi32, #tpu.memory_space<vmem>> -> memref<1x128xi32, #tpu.memory_space<vmem>>
    %dma_start3A_52 = tpu.memref_squeeze %dma_start3A_51 : memref<1x128xi32, #tpu.memory_space<vmem>> -> memref<128xi32, #tpu.memory_space<vmem>>
    %dma_start3A_53 = arith.constant 0 : i32
    %dma_start3A_54 = arith.constant 0 : i32
    %dma_start3A_55 = tpu.memref_slice %arg14[%dma_start3A_53, %dma_start3A_54] : memref<10112x16xf32, #tpu.memory_space<vmem_shared>> -> memref<10112x16xf32, #tpu.memory_space<vmem_shared>>
    tpu.enqueue_indirect_dma source(%dma_start3A_55 : memref<10112x16xf32, #tpu.memory_space<vmem_shared>>) target(%arg11 : memref<128x16xf32, #tpu.memory_space<vmem>>) offsets(%dma_start3A_52 : memref<128xi32, #tpu.memory_space<vmem>>) semaphore(%arg18 : memref<!tpu.dma_semaphore, #tpu.memory_space<semaphore_mem>>)
    %while3A = arith.constant 0 : i32
    %while3A_56 = arith.constant 0 : i32
    %while3A_57 = arith.subi %select_n3A_15, %while3A_56 : i32
    %while3A_58 = arith.addi %while3A_56, %while3A_57 : i32
    %while3A_59 = arith.constant 1 : i32
    %while3A_60 = arith.divsi %while3A_57, %while3A_59 : i32
    %while3A_61 = arith.muli %while3A_60, %while3A_59 : i32
    %while3A_62 = arith.addi %while3A_56, %while3A_61 : i32
    %while3A_63 = arith.constant 1 : i32
    scf.for %while3A_66 = %while3A_56 to %while3A_62 step %while3A_63  : i32 {
      %mul3A_67 = arith.constant 4 : i32
      %mul3A_68 = arith.muli %while3A_66, %mul3A_67 : i32
      %add3A_69 = arith.constant 0 : i32
      %add3A_70 = arith.addi %mul3A_68, %add3A_69 : i32
      %dma_wait3A = arith.constant 0 : i32
      %dma_wait3A_71 = arith.constant 0 : i32
      %dma_wait3A_72 = tpu.memref_slice %arg2[%dma_wait3A, %dma_wait3A_71] : memref<10000x16xf32, #tpu.memory_space<hbm>> -> memref<128x16xf32, #tpu.memory_space<hbm>>
      %dma_wait3A_73 = arith.constant 0 : i32
      %dma_wait3A_74 = arith.constant 0 : i32
      %dma_wait3A_75 = tpu.memref_slice %arg2[%dma_wait3A_73, %dma_wait3A_74] : memref<10000x16xf32, #tpu.memory_space<hbm>> -> memref<128x16xf32, #tpu.memory_space<hbm>>
      tpu.wait_dma2 semaphore(%arg15 : memref<!tpu.dma_semaphore, #tpu.memory_space<semaphore_mem>>) src(%dma_wait3A_75 : memref<128x16xf32, #tpu.memory_space<hbm>>) dst(%arg8 : memref<128x16xf32, #tpu.memory_space<vmem>>)
      %dma_start3A_76 = arith.constant 0 : i32
      %dma_start3A_77 = tpu.memref_slice %arg7[%add3A_70, %dma_start3A_76] : memref<80x128xi32, #tpu.memory_space<vmem>> -> memref<1x128xi32, #tpu.memory_space<vmem>>
      %dma_start3A_78 = tpu.memref_squeeze %dma_start3A_77 : memref<1x128xi32, #tpu.memory_space<vmem>> -> memref<128xi32, #tpu.memory_space<vmem>>
      %dma_start3A_79 = arith.constant 0 : i32
      %dma_start3A_80 = arith.constant 0 : i32
      %dma_start3A_81 = tpu.memref_slice %arg13[%dma_start3A_79, %dma_start3A_80] : memref<10112x16xf32, #tpu.memory_space<vmem_shared>> -> memref<10112x16xf32, #tpu.memory_space<vmem_shared>>
      tpu.enqueue_indirect_dma source(%arg8 : memref<128x16xf32, #tpu.memory_space<vmem>>) target(%dma_start3A_81 : memref<10112x16xf32, #tpu.memory_space<vmem_shared>>) offsets(%dma_start3A_78 : memref<128xi32, #tpu.memory_space<vmem>>) semaphore(%arg19 : memref<!tpu.dma_semaphore, #tpu.memory_space<semaphore_mem>>) {add = true}
      %mul3A_82 = arith.constant 4 : i32
      %mul3A_83 = arith.muli %while3A_66, %mul3A_82 : i32
      %add3A_84 = arith.constant 1 : i32
      %add3A_85 = arith.addi %mul3A_83, %add3A_84 : i32
      %dma_wait3A_86 = arith.constant 0 : i32
      %dma_wait3A_87 = arith.constant 0 : i32
      %dma_wait3A_88 = tpu.memref_slice %arg2[%dma_wait3A_86, %dma_wait3A_87] : memref<10000x16xf32, #tpu.memory_space<hbm>> -> memref<128x16xf32, #tpu.memory_space<hbm>>
      %dma_wait3A_89 = arith.constant 0 : i32
      %dma_wait3A_90 = arith.constant 0 : i32
      %dma_wait3A_91 = tpu.memref_slice %arg2[%dma_wait3A_89, %dma_wait3A_90] : memref<10000x16xf32, #tpu.memory_space<hbm>> -> memref<128x16xf32, #tpu.memory_space<hbm>>
      tpu.wait_dma2 semaphore(%arg16 : memref<!tpu.dma_semaphore, #tpu.memory_space<semaphore_mem>>) src(%dma_wait3A_91 : memref<128x16xf32, #tpu.memory_space<hbm>>) dst(%arg9 : memref<128x16xf32, #tpu.memory_space<vmem>>)
      %dma_start3A_92 = arith.constant 0 : i32
      %dma_start3A_93 = tpu.memref_slice %arg7[%add3A_85, %dma_start3A_92] : memref<80x128xi32, #tpu.memory_space<vmem>> -> memref<1x128xi32, #tpu.memory_space<vmem>>
      %dma_start3A_94 = tpu.memref_squeeze %dma_start3A_93 : memref<1x128xi32, #tpu.memory_space<vmem>> -> memref<128xi32, #tpu.memory_space<vmem>>
      %dma_start3A_95 = arith.constant 0 : i32
      %dma_start3A_96 = arith.constant 0 : i32
      %dma_start3A_97 = tpu.memref_slice %arg13[%dma_start3A_95, %dma_start3A_96] : memref<10112x16xf32, #tpu.memory_space<vmem_shared>> -> memref<10112x16xf32, #tpu.memory_space<vmem_shared>>
      tpu.enqueue_indirect_dma source(%arg9 : memref<128x16xf32, #tpu.memory_space<vmem>>) target(%dma_start3A_97 : memref<10112x16xf32, #tpu.memory_space<vmem_shared>>) offsets(%dma_start3A_94 : memref<128xi32, #tpu.memory_space<vmem>>) semaphore(%arg20 : memref<!tpu.dma_semaphore, #tpu.memory_space<semaphore_mem>>) {add = true}
      %mul3A_98 = arith.constant 4 : i32
      %mul3A_99 = arith.muli %while3A_66, %mul3A_98 : i32
      %add3A_100 = arith.constant 2 : i32
      %add3A_101 = arith.addi %mul3A_99, %add3A_100 : i32
      %dma_wait3A_102 = arith.constant 0 : i32
      %dma_wait3A_103 = arith.constant 0 : i32
      %dma_wait3A_104 = tpu.memref_slice %arg2[%dma_wait3A_102, %dma_wait3A_103] : memref<10000x16xf32, #tpu.memory_space<hbm>> -> memref<128x16xf32, #tpu.memory_space<hbm>>
      %dma_wait3A_105 = arith.constant 0 : i32
      %dma_wait3A_106 = arith.constant 0 : i32
      %dma_wait3A_107 = tpu.memref_slice %arg2[%dma_wait3A_105, %dma_wait3A_106] : memref<10000x16xf32, #tpu.memory_space<hbm>> -> memref<128x16xf32, #tpu.memory_space<hbm>>
      tpu.wait_dma2 semaphore(%arg17 : memref<!tpu.dma_semaphore, #tpu.memory_space<semaphore_mem>>) src(%dma_wait3A_107 : memref<128x16xf32, #tpu.memory_space<hbm>>) dst(%arg10 : memref<128x16xf32, #tpu.memory_space<vmem>>)
      %dma_start3A_108 = arith.constant 0 : i32
      %dma_start3A_109 = tpu.memref_slice %arg7[%add3A_101, %dma_start3A_108] : memref<80x128xi32, #tpu.memory_space<vmem>> -> memref<1x128xi32, #tpu.memory_space<vmem>>
      %dma_start3A_110 = tpu.memref_squeeze %dma_start3A_109 : memref<1x128xi32, #tpu.memory_space<vmem>> -> memref<128xi32, #tpu.memory_space<vmem>>
      %dma_start3A_111 = arith.constant 0 : i32
      %dma_start3A_112 = arith.constant 0 : i32
      %dma_start3A_113 = tpu.memref_slice %arg13[%dma_start3A_111, %dma_start3A_112] : memref<10112x16xf32, #tpu.memory_space<vmem_shared>> -> memref<10112x16xf32, #tpu.memory_space<vmem_shared>>
      tpu.enqueue_indirect_dma source(%arg10 : memref<128x16xf32, #tpu.memory_space<vmem>>) target(%dma_start3A_113 : memref<10112x16xf32, #tpu.memory_space<vmem_shared>>) offsets(%dma_start3A_110 : memref<128xi32, #tpu.memory_space<vmem>>) semaphore(%arg21 : memref<!tpu.dma_semaphore, #tpu.memory_space<semaphore_mem>>) {add = true}
      %mul3A_114 = arith.constant 4 : i32
      %mul3A_115 = arith.muli %while3A_66, %mul3A_114 : i32
      %add3A_116 = arith.constant 3 : i32
      %add3A_117 = arith.addi %mul3A_115, %add3A_116 : i32
      %dma_wait3A_118 = arith.constant 0 : i32
      %dma_wait3A_119 = arith.constant 0 : i32
      %dma_wait3A_120 = tpu.memref_slice %arg2[%dma_wait3A_118, %dma_wait3A_119] : memref<10000x16xf32, #tpu.memory_space<hbm>> -> memref<128x16xf32, #tpu.memory_space<hbm>>
      %dma_wait3A_121 = arith.constant 0 : i32
      %dma_wait3A_122 = arith.constant 0 : i32
      %dma_wait3A_123 = tpu.memref_slice %arg2[%dma_wait3A_121, %dma_wait3A_122] : memref<10000x16xf32, #tpu.memory_space<hbm>> -> memref<128x16xf32, #tpu.memory_space<hbm>>
      tpu.wait_dma2 semaphore(%arg18 : memref<!tpu.dma_semaphore, #tpu.memory_space<semaphore_mem>>) src(%dma_wait3A_123 : memref<128x16xf32, #tpu.memory_space<hbm>>) dst(%arg11 : memref<128x16xf32, #tpu.memory_space<vmem>>)
      %dma_start3A_124 = arith.constant 0 : i32
      %dma_start3A_125 = tpu.memref_slice %arg7[%add3A_117, %dma_start3A_124] : memref<80x128xi32, #tpu.memory_space<vmem>> -> memref<1x128xi32, #tpu.memory_space<vmem>>
      %dma_start3A_126 = tpu.memref_squeeze %dma_start3A_125 : memref<1x128xi32, #tpu.memory_space<vmem>> -> memref<128xi32, #tpu.memory_space<vmem>>
      %dma_start3A_127 = arith.constant 0 : i32
      %dma_start3A_128 = arith.constant 0 : i32
      %dma_start3A_129 = tpu.memref_slice %arg13[%dma_start3A_127, %dma_start3A_128] : memref<10112x16xf32, #tpu.memory_space<vmem_shared>> -> memref<10112x16xf32, #tpu.memory_space<vmem_shared>>
      tpu.enqueue_indirect_dma source(%arg11 : memref<128x16xf32, #tpu.memory_space<vmem>>) target(%dma_start3A_129 : memref<10112x16xf32, #tpu.memory_space<vmem_shared>>) offsets(%dma_start3A_126 : memref<128xi32, #tpu.memory_space<vmem>>) semaphore(%arg22 : memref<!tpu.dma_semaphore, #tpu.memory_space<semaphore_mem>>) {add = true}
      %dma_wait3A_130 = arith.constant 0 : i32
      %dma_wait3A_131 = arith.constant 0 : i32
      %dma_wait3A_132 = tpu.memref_slice %arg2[%dma_wait3A_130, %dma_wait3A_131] : memref<10000x16xf32, #tpu.memory_space<hbm>> -> memref<128x16xf32, #tpu.memory_space<hbm>>
      %dma_wait3A_133 = arith.constant 0 : i32
      %dma_wait3A_134 = arith.constant 0 : i32
      %dma_wait3A_135 = tpu.memref_slice %arg2[%dma_wait3A_133, %dma_wait3A_134] : memref<10000x16xf32, #tpu.memory_space<hbm>> -> memref<128x16xf32, #tpu.memory_space<hbm>>
      tpu.wait_dma2 semaphore(%arg19 : memref<!tpu.dma_semaphore, #tpu.memory_space<semaphore_mem>>) src(%dma_wait3A_135 : memref<128x16xf32, #tpu.memory_space<hbm>>) dst(%arg8 : memref<128x16xf32, #tpu.memory_space<vmem>>)
      %sub3A = arith.constant 1 : i32
      %sub3A_136 = arith.subi %select_n3A_15, %sub3A : i32
      %lt3A_137 = arith.cmpi slt, %while3A_66, %sub3A_136 : i32
      %convert_element_type3A_138 = arith.extui %lt3A_137 : i1 to i32
      %cond3A_139 = arith.constant 0 : i32
      %cond3A_140 = arith.cmpi ne, %convert_element_type3A_138, %cond3A_139 : i32
      scf.if %cond3A_140 {
        %add3A_177 = arith.constant 1 : i32
        %add3A_178 = arith.addi %while3A_66, %add3A_177 : i32
        %mul3A_179 = arith.constant 4 : i32
        %mul3A_180 = arith.muli %add3A_178, %mul3A_179 : i32
        %add3A_181 = arith.constant 0 : i32
        %add3A_182 = arith.addi %mul3A_180, %add3A_181 : i32
        %dma_start3A_183 = arith.constant 0 : i32
        %dma_start3A_184 = tpu.memref_slice %arg6[%add3A_182, %dma_start3A_183] : memref<80x128xi32, #tpu.memory_space<vmem>> -> memref<1x128xi32, #tpu.memory_space<vmem>>
        %dma_start3A_185 = tpu.memref_squeeze %dma_start3A_184 : memref<1x128xi32, #tpu.memory_space<vmem>> -> memref<128xi32, #tpu.memory_space<vmem>>
        %dma_start3A_186 = arith.constant 0 : i32
        %dma_start3A_187 = arith.constant 0 : i32
        %dma_start3A_188 = tpu.memref_slice %arg14[%dma_start3A_186, %dma_start3A_187] : memref<10112x16xf32, #tpu.memory_space<vmem_shared>> -> memref<10112x16xf32, #tpu.memory_space<vmem_shared>>
        tpu.enqueue_indirect_dma source(%dma_start3A_188 : memref<10112x16xf32, #tpu.memory_space<vmem_shared>>) target(%arg8 : memref<128x16xf32, #tpu.memory_space<vmem>>) offsets(%dma_start3A_185 : memref<128xi32, #tpu.memory_space<vmem>>) semaphore(%arg15 : memref<!tpu.dma_semaphore, #tpu.memory_space<semaphore_mem>>)
      } else {
      }
      %dma_wait3A_141 = arith.constant 0 : i32
      %dma_wait3A_142 = arith.constant 0 : i32
      %dma_wait3A_143 = tpu.memref_slice %arg2[%dma_wait3A_141, %dma_wait3A_142] : memref<10000x16xf32, #tpu.memory_space<hbm>> -> memref<128x16xf32, #tpu.memory_space<hbm>>
      %dma_wait3A_144 = arith.constant 0 : i32
      %dma_wait3A_145 = arith.constant 0 : i32
      %dma_wait3A_146 = tpu.memref_slice %arg2[%dma_wait3A_144, %dma_wait3A_145] : memref<10000x16xf32, #tpu.memory_space<hbm>> -> memref<128x16xf32, #tpu.memory_space<hbm>>
      tpu.wait_dma2 semaphore(%arg20 : memref<!tpu.dma_semaphore, #tpu.memory_space<semaphore_mem>>) src(%dma_wait3A_146 : memref<128x16xf32, #tpu.memory_space<hbm>>) dst(%arg9 : memref<128x16xf32, #tpu.memory_space<vmem>>)
      %sub3A_147 = arith.constant 1 : i32
      %sub3A_148 = arith.subi %select_n3A_15, %sub3A_147 : i32
      %lt3A_149 = arith.cmpi slt, %while3A_66, %sub3A_148 : i32
      %convert_element_type3A_150 = arith.extui %lt3A_149 : i1 to i32
      %cond3A_151 = arith.constant 0 : i32
      %cond3A_152 = arith.cmpi ne, %convert_element_type3A_150, %cond3A_151 : i32
      scf.if %cond3A_152 {
        %add3A_177 = arith.constant 1 : i32
        %add3A_178 = arith.addi %while3A_66, %add3A_177 : i32
        %mul3A_179 = arith.constant 4 : i32
        %mul3A_180 = arith.muli %add3A_178, %mul3A_179 : i32
        %add3A_181 = arith.constant 1 : i32
        %add3A_182 = arith.addi %mul3A_180, %add3A_181 : i32
        %dma_start3A_183 = arith.constant 0 : i32
        %dma_start3A_184 = tpu.memref_slice %arg6[%add3A_182, %dma_start3A_183] : memref<80x128xi32, #tpu.memory_space<vmem>> -> memref<1x128xi32, #tpu.memory_space<vmem>>
        %dma_start3A_185 = tpu.memref_squeeze %dma_start3A_184 : memref<1x128xi32, #tpu.memory_space<vmem>> -> memref<128xi32, #tpu.memory_space<vmem>>
        %dma_start3A_186 = arith.constant 0 : i32
        %dma_start3A_187 = arith.constant 0 : i32
        %dma_start3A_188 = tpu.memref_slice %arg14[%dma_start3A_186, %dma_start3A_187] : memref<10112x16xf32, #tpu.memory_space<vmem_shared>> -> memref<10112x16xf32, #tpu.memory_space<vmem_shared>>
        tpu.enqueue_indirect_dma source(%dma_start3A_188 : memref<10112x16xf32, #tpu.memory_space<vmem_shared>>) target(%arg9 : memref<128x16xf32, #tpu.memory_space<vmem>>) offsets(%dma_start3A_185 : memref<128xi32, #tpu.memory_space<vmem>>) semaphore(%arg16 : memref<!tpu.dma_semaphore, #tpu.memory_space<semaphore_mem>>)
      } else {
      }
      %dma_wait3A_153 = arith.constant 0 : i32
      %dma_wait3A_154 = arith.constant 0 : i32
      %dma_wait3A_155 = tpu.memref_slice %arg2[%dma_wait3A_153, %dma_wait3A_154] : memref<10000x16xf32, #tpu.memory_space<hbm>> -> memref<128x16xf32, #tpu.memory_space<hbm>>
      %dma_wait3A_156 = arith.constant 0 : i32
      %dma_wait3A_157 = arith.constant 0 : i32
      %dma_wait3A_158 = tpu.memref_slice %arg2[%dma_wait3A_156, %dma_wait3A_157] : memref<10000x16xf32, #tpu.memory_space<hbm>> -> memref<128x16xf32, #tpu.memory_space<hbm>>
      tpu.wait_dma2 semaphore(%arg21 : memref<!tpu.dma_semaphore, #tpu.memory_space<semaphore_mem>>) src(%dma_wait3A_158 : memref<128x16xf32, #tpu.memory_space<hbm>>) dst(%arg10 : memref<128x16xf32, #tpu.memory_space<vmem>>)
      %sub3A_159 = arith.constant 1 : i32
      %sub3A_160 = arith.subi %select_n3A_15, %sub3A_159 : i32
      %lt3A_161 = arith.cmpi slt, %while3A_66, %sub3A_160 : i32
      %convert_element_type3A_162 = arith.extui %lt3A_161 : i1 to i32
      %cond3A_163 = arith.constant 0 : i32
      %cond3A_164 = arith.cmpi ne, %convert_element_type3A_162, %cond3A_163 : i32
      scf.if %cond3A_164 {
        %add3A_177 = arith.constant 1 : i32
        %add3A_178 = arith.addi %while3A_66, %add3A_177 : i32
        %mul3A_179 = arith.constant 4 : i32
        %mul3A_180 = arith.muli %add3A_178, %mul3A_179 : i32
        %add3A_181 = arith.constant 2 : i32
        %add3A_182 = arith.addi %mul3A_180, %add3A_181 : i32
        %dma_start3A_183 = arith.constant 0 : i32
        %dma_start3A_184 = tpu.memref_slice %arg6[%add3A_182, %dma_start3A_183] : memref<80x128xi32, #tpu.memory_space<vmem>> -> memref<1x128xi32, #tpu.memory_space<vmem>>
        %dma_start3A_185 = tpu.memref_squeeze %dma_start3A_184 : memref<1x128xi32, #tpu.memory_space<vmem>> -> memref<128xi32, #tpu.memory_space<vmem>>
        %dma_start3A_186 = arith.constant 0 : i32
        %dma_start3A_187 = arith.constant 0 : i32
        %dma_start3A_188 = tpu.memref_slice %arg14[%dma_start3A_186, %dma_start3A_187] : memref<10112x16xf32, #tpu.memory_space<vmem_shared>> -> memref<10112x16xf32, #tpu.memory_space<vmem_shared>>
        tpu.enqueue_indirect_dma source(%dma_start3A_188 : memref<10112x16xf32, #tpu.memory_space<vmem_shared>>) target(%arg10 : memref<128x16xf32, #tpu.memory_space<vmem>>) offsets(%dma_start3A_185 : memref<128xi32, #tpu.memory_space<vmem>>) semaphore(%arg17 : memref<!tpu.dma_semaphore, #tpu.memory_space<semaphore_mem>>)
      } else {
      }
      %dma_wait3A_165 = arith.constant 0 : i32
      %dma_wait3A_166 = arith.constant 0 : i32
      %dma_wait3A_167 = tpu.memref_slice %arg2[%dma_wait3A_165, %dma_wait3A_166] : memref<10000x16xf32, #tpu.memory_space<hbm>> -> memref<128x16xf32, #tpu.memory_space<hbm>>
      %dma_wait3A_168 = arith.constant 0 : i32
      %dma_wait3A_169 = arith.constant 0 : i32
      %dma_wait3A_170 = tpu.memref_slice %arg2[%dma_wait3A_168, %dma_wait3A_169] : memref<10000x16xf32, #tpu.memory_space<hbm>> -> memref<128x16xf32, #tpu.memory_space<hbm>>
      tpu.wait_dma2 semaphore(%arg22 : memref<!tpu.dma_semaphore, #tpu.memory_space<semaphore_mem>>) src(%dma_wait3A_170 : memref<128x16xf32, #tpu.memory_space<hbm>>) dst(%arg11 : memref<128x16xf32, #tpu.memory_space<vmem>>)
      %sub3A_171 = arith.constant 1 : i32
      %sub3A_172 = arith.subi %select_n3A_15, %sub3A_171 : i32
      %lt3A_173 = arith.cmpi slt, %while3A_66, %sub3A_172 : i32
      %convert_element_type3A_174 = arith.extui %lt3A_173 : i1 to i32
      %cond3A_175 = arith.constant 0 : i32
      %cond3A_176 = arith.cmpi ne, %convert_element_type3A_174, %cond3A_175 : i32
      scf.if %cond3A_176 {
        %add3A_177 = arith.constant 1 : i32
        %add3A_178 = arith.addi %while3A_66, %add3A_177 : i32
        %mul3A_179 = arith.constant 4 : i32
        %mul3A_180 = arith.muli %add3A_178, %mul3A_179 : i32
        %add3A_181 = arith.constant 3 : i32
        %add3A_182 = arith.addi %mul3A_180, %add3A_181 : i32
        %dma_start3A_183 = arith.constant 0 : i32
        %dma_start3A_184 = tpu.memref_slice %arg6[%add3A_182, %dma_start3A_183] : memref<80x128xi32, #tpu.memory_space<vmem>> -> memref<1x128xi32, #tpu.memory_space<vmem>>
        %dma_start3A_185 = tpu.memref_squeeze %dma_start3A_184 : memref<1x128xi32, #tpu.memory_space<vmem>> -> memref<128xi32, #tpu.memory_space<vmem>>
        %dma_start3A_186 = arith.constant 0 : i32
        %dma_start3A_187 = arith.constant 0 : i32
        %dma_start3A_188 = tpu.memref_slice %arg14[%dma_start3A_186, %dma_start3A_187] : memref<10112x16xf32, #tpu.memory_space<vmem_shared>> -> memref<10112x16xf32, #tpu.memory_space<vmem_shared>>
        tpu.enqueue_indirect_dma source(%dma_start3A_188 : memref<10112x16xf32, #tpu.memory_space<vmem_shared>>) target(%arg11 : memref<128x16xf32, #tpu.memory_space<vmem>>) offsets(%dma_start3A_185 : memref<128xi32, #tpu.memory_space<vmem>>) semaphore(%arg18 : memref<!tpu.dma_semaphore, #tpu.memory_space<semaphore_mem>>)
      } else {
      }
    }
    %while3A_64 = arith.constant 1 : i32
    scf.for %while3A_66 = %while3A_62 to %while3A_58 step %while3A_64  : i32 {
      %mul3A_67 = arith.constant 4 : i32
      %mul3A_68 = arith.muli %while3A_66, %mul3A_67 : i32
      %add3A_69 = arith.constant 0 : i32
      %add3A_70 = arith.addi %mul3A_68, %add3A_69 : i32
      %dma_wait3A = arith.constant 0 : i32
      %dma_wait3A_71 = arith.constant 0 : i32
      %dma_wait3A_72 = tpu.memref_slice %arg2[%dma_wait3A, %dma_wait3A_71] : memref<10000x16xf32, #tpu.memory_space<hbm>> -> memref<128x16xf32, #tpu.memory_space<hbm>>
      %dma_wait3A_73 = arith.constant 0 : i32
      %dma_wait3A_74 = arith.constant 0 : i32
      %dma_wait3A_75 = tpu.memref_slice %arg2[%dma_wait3A_73, %dma_wait3A_74] : memref<10000x16xf32, #tpu.memory_space<hbm>> -> memref<128x16xf32, #tpu.memory_space<hbm>>
      tpu.wait_dma2 semaphore(%arg15 : memref<!tpu.dma_semaphore, #tpu.memory_space<semaphore_mem>>) src(%dma_wait3A_75 : memref<128x16xf32, #tpu.memory_space<hbm>>) dst(%arg8 : memref<128x16xf32, #tpu.memory_space<vmem>>)
      %dma_start3A_76 = arith.constant 0 : i32
      %dma_start3A_77 = tpu.memref_slice %arg7[%add3A_70, %dma_start3A_76] : memref<80x128xi32, #tpu.memory_space<vmem>> -> memref<1x128xi32, #tpu.memory_space<vmem>>
      %dma_start3A_78 = tpu.memref_squeeze %dma_start3A_77 : memref<1x128xi32, #tpu.memory_space<vmem>> -> memref<128xi32, #tpu.memory_space<vmem>>
      %dma_start3A_79 = arith.constant 0 : i32
      %dma_start3A_80 = arith.constant 0 : i32
      %dma_start3A_81 = tpu.memref_slice %arg13[%dma_start3A_79, %dma_start3A_80] : memref<10112x16xf32, #tpu.memory_space<vmem_shared>> -> memref<10112x16xf32, #tpu.memory_space<vmem_shared>>
      tpu.enqueue_indirect_dma source(%arg8 : memref<128x16xf32, #tpu.memory_space<vmem>>) target(%dma_start3A_81 : memref<10112x16xf32, #tpu.memory_space<vmem_shared>>) offsets(%dma_start3A_78 : memref<128xi32, #tpu.memory_space<vmem>>) semaphore(%arg19 : memref<!tpu.dma_semaphore, #tpu.memory_space<semaphore_mem>>) {add = true}
      %mul3A_82 = arith.constant 4 : i32
      %mul3A_83 = arith.muli %while3A_66, %mul3A_82 : i32
      %add3A_84 = arith.constant 1 : i32
      %add3A_85 = arith.addi %mul3A_83, %add3A_84 : i32
      %dma_wait3A_86 = arith.constant 0 : i32
      %dma_wait3A_87 = arith.constant 0 : i32
      %dma_wait3A_88 = tpu.memref_slice %arg2[%dma_wait3A_86, %dma_wait3A_87] : memref<10000x16xf32, #tpu.memory_space<hbm>> -> memref<128x16xf32, #tpu.memory_space<hbm>>
      %dma_wait3A_89 = arith.constant 0 : i32
      %dma_wait3A_90 = arith.constant 0 : i32
      %dma_wait3A_91 = tpu.memref_slice %arg2[%dma_wait3A_89, %dma_wait3A_90] : memref<10000x16xf32, #tpu.memory_space<hbm>> -> memref<128x16xf32, #tpu.memory_space<hbm>>
      tpu.wait_dma2 semaphore(%arg16 : memref<!tpu.dma_semaphore, #tpu.memory_space<semaphore_mem>>) src(%dma_wait3A_91 : memref<128x16xf32, #tpu.memory_space<hbm>>) dst(%arg9 : memref<128x16xf32, #tpu.memory_space<vmem>>)
      %dma_start3A_92 = arith.constant 0 : i32
      %dma_start3A_93 = tpu.memref_slice %arg7[%add3A_85, %dma_start3A_92] : memref<80x128xi32, #tpu.memory_space<vmem>> -> memref<1x128xi32, #tpu.memory_space<vmem>>
      %dma_start3A_94 = tpu.memref_squeeze %dma_start3A_93 : memref<1x128xi32, #tpu.memory_space<vmem>> -> memref<128xi32, #tpu.memory_space<vmem>>
      %dma_start3A_95 = arith.constant 0 : i32
      %dma_start3A_96 = arith.constant 0 : i32
      %dma_start3A_97 = tpu.memref_slice %arg13[%dma_start3A_95, %dma_start3A_96] : memref<10112x16xf32, #tpu.memory_space<vmem_shared>> -> memref<10112x16xf32, #tpu.memory_space<vmem_shared>>
      tpu.enqueue_indirect_dma source(%arg9 : memref<128x16xf32, #tpu.memory_space<vmem>>) target(%dma_start3A_97 : memref<10112x16xf32, #tpu.memory_space<vmem_shared>>) offsets(%dma_start3A_94 : memref<128xi32, #tpu.memory_space<vmem>>) semaphore(%arg20 : memref<!tpu.dma_semaphore, #tpu.memory_space<semaphore_mem>>) {add = true}
      %mul3A_98 = arith.constant 4 : i32
      %mul3A_99 = arith.muli %while3A_66, %mul3A_98 : i32
      %add3A_100 = arith.constant 2 : i32
      %add3A_101 = arith.addi %mul3A_99, %add3A_100 : i32
      %dma_wait3A_102 = arith.constant 0 : i32
      %dma_wait3A_103 = arith.constant 0 : i32
      %dma_wait3A_104 = tpu.memref_slice %arg2[%dma_wait3A_102, %dma_wait3A_103] : memref<10000x16xf32, #tpu.memory_space<hbm>> -> memref<128x16xf32, #tpu.memory_space<hbm>>
      %dma_wait3A_105 = arith.constant 0 : i32
      %dma_wait3A_106 = arith.constant 0 : i32
      %dma_wait3A_107 = tpu.memref_slice %arg2[%dma_wait3A_105, %dma_wait3A_106] : memref<10000x16xf32, #tpu.memory_space<hbm>> -> memref<128x16xf32, #tpu.memory_space<hbm>>
      tpu.wait_dma2 semaphore(%arg17 : memref<!tpu.dma_semaphore, #tpu.memory_space<semaphore_mem>>) src(%dma_wait3A_107 : memref<128x16xf32, #tpu.memory_space<hbm>>) dst(%arg10 : memref<128x16xf32, #tpu.memory_space<vmem>>)
      %dma_start3A_108 = arith.constant 0 : i32
      %dma_start3A_109 = tpu.memref_slice %arg7[%add3A_101, %dma_start3A_108] : memref<80x128xi32, #tpu.memory_space<vmem>> -> memref<1x128xi32, #tpu.memory_space<vmem>>
      %dma_start3A_110 = tpu.memref_squeeze %dma_start3A_109 : memref<1x128xi32, #tpu.memory_space<vmem>> -> memref<128xi32, #tpu.memory_space<vmem>>
      %dma_start3A_111 = arith.constant 0 : i32
      %dma_start3A_112 = arith.constant 0 : i32
      %dma_start3A_113 = tpu.memref_slice %arg13[%dma_start3A_111, %dma_start3A_112] : memref<10112x16xf32, #tpu.memory_space<vmem_shared>> -> memref<10112x16xf32, #tpu.memory_space<vmem_shared>>
      tpu.enqueue_indirect_dma source(%arg10 : memref<128x16xf32, #tpu.memory_space<vmem>>) target(%dma_start3A_113 : memref<10112x16xf32, #tpu.memory_space<vmem_shared>>) offsets(%dma_start3A_110 : memref<128xi32, #tpu.memory_space<vmem>>) semaphore(%arg21 : memref<!tpu.dma_semaphore, #tpu.memory_space<semaphore_mem>>) {add = true}
      %mul3A_114 = arith.constant 4 : i32
      %mul3A_115 = arith.muli %while3A_66, %mul3A_114 : i32
      %add3A_116 = arith.constant 3 : i32
      %add3A_117 = arith.addi %mul3A_115, %add3A_116 : i32
      %dma_wait3A_118 = arith.constant 0 : i32
      %dma_wait3A_119 = arith.constant 0 : i32
      %dma_wait3A_120 = tpu.memref_slice %arg2[%dma_wait3A_118, %dma_wait3A_119] : memref<10000x16xf32, #tpu.memory_space<hbm>> -> memref<128x16xf32, #tpu.memory_space<hbm>>
      %dma_wait3A_121 = arith.constant 0 : i32
      %dma_wait3A_122 = arith.constant 0 : i32
      %dma_wait3A_123 = tpu.memref_slice %arg2[%dma_wait3A_121, %dma_wait3A_122] : memref<10000x16xf32, #tpu.memory_space<hbm>> -> memref<128x16xf32, #tpu.memory_space<hbm>>
      tpu.wait_dma2 semaphore(%arg18 : memref<!tpu.dma_semaphore, #tpu.memory_space<semaphore_mem>>) src(%dma_wait3A_123 : memref<128x16xf32, #tpu.memory_space<hbm>>) dst(%arg11 : memref<128x16xf32, #tpu.memory_space<vmem>>)
      %dma_start3A_124 = arith.constant 0 : i32
      %dma_start3A_125 = tpu.memref_slice %arg7[%add3A_117, %dma_start3A_124] : memref<80x128xi32, #tpu.memory_space<vmem>> -> memref<1x128xi32, #tpu.memory_space<vmem>>
      %dma_start3A_126 = tpu.memref_squeeze %dma_start3A_125 : memref<1x128xi32, #tpu.memory_space<vmem>> -> memref<128xi32, #tpu.memory_space<vmem>>
      %dma_start3A_127 = arith.constant 0 : i32
      %dma_start3A_128 = arith.constant 0 : i32
      %dma_start3A_129 = tpu.memref_slice %arg13[%dma_start3A_127, %dma_start3A_128] : memref<10112x16xf32, #tpu.memory_space<vmem_shared>> -> memref<10112x16xf32, #tpu.memory_space<vmem_shared>>
      tpu.enqueue_indirect_dma source(%arg11 : memref<128x16xf32, #tpu.memory_space<vmem>>) target(%dma_start3A_129 : memref<10112x16xf32, #tpu.memory_space<vmem_shared>>) offsets(%dma_start3A_126 : memref<128xi32, #tpu.memory_space<vmem>>) semaphore(%arg22 : memref<!tpu.dma_semaphore, #tpu.memory_space<semaphore_mem>>) {add = true}
      %dma_wait3A_130 = arith.constant 0 : i32
      %dma_wait3A_131 = arith.constant 0 : i32
      %dma_wait3A_132 = tpu.memref_slice %arg2[%dma_wait3A_130, %dma_wait3A_131] : memref<10000x16xf32, #tpu.memory_space<hbm>> -> memref<128x16xf32, #tpu.memory_space<hbm>>
      %dma_wait3A_133 = arith.constant 0 : i32
      %dma_wait3A_134 = arith.constant 0 : i32
      %dma_wait3A_135 = tpu.memref_slice %arg2[%dma_wait3A_133, %dma_wait3A_134] : memref<10000x16xf32, #tpu.memory_space<hbm>> -> memref<128x16xf32, #tpu.memory_space<hbm>>
      tpu.wait_dma2 semaphore(%arg19 : memref<!tpu.dma_semaphore, #tpu.memory_space<semaphore_mem>>) src(%dma_wait3A_135 : memref<128x16xf32, #tpu.memory_space<hbm>>) dst(%arg8 : memref<128x16xf32, #tpu.memory_space<vmem>>)
      %sub3A = arith.constant 1 : i32
      %sub3A_136 = arith.subi %select_n3A_15, %sub3A : i32
      %lt3A_137 = arith.cmpi slt, %while3A_66, %sub3A_136 : i32
      %convert_element_type3A_138 = arith.extui %lt3A_137 : i1 to i32
      %cond3A_139 = arith.constant 0 : i32
      %cond3A_140 = arith.cmpi ne, %convert_element_type3A_138, %cond3A_139 : i32
      scf.if %cond3A_140 {
        %add3A_177 = arith.constant 1 : i32
        %add3A_178 = arith.addi %while3A_66, %add3A_177 : i32
        %mul3A_179 = arith.constant 4 : i32
        %mul3A_180 = arith.muli %add3A_178, %mul3A_179 : i32
        %add3A_181 = arith.constant 0 : i32
        %add3A_182 = arith.addi %mul3A_180, %add3A_181 : i32
        %dma_start3A_183 = arith.constant 0 : i32
        %dma_start3A_184 = tpu.memref_slice %arg6[%add3A_182, %dma_start3A_183] : memref<80x128xi32, #tpu.memory_space<vmem>> -> memref<1x128xi32, #tpu.memory_space<vmem>>
        %dma_start3A_185 = tpu.memref_squeeze %dma_start3A_184 : memref<1x128xi32, #tpu.memory_space<vmem>> -> memref<128xi32, #tpu.memory_space<vmem>>
        %dma_start3A_186 = arith.constant 0 : i32
        %dma_start3A_187 = arith.constant 0 : i32
        %dma_start3A_188 = tpu.memref_slice %arg14[%dma_start3A_186, %dma_start3A_187] : memref<10112x16xf32, #tpu.memory_space<vmem_shared>> -> memref<10112x16xf32, #tpu.memory_space<vmem_shared>>
        tpu.enqueue_indirect_dma source(%dma_start3A_188 : memref<10112x16xf32, #tpu.memory_space<vmem_shared>>) target(%arg8 : memref<128x16xf32, #tpu.memory_space<vmem>>) offsets(%dma_start3A_185 : memref<128xi32, #tpu.memory_space<vmem>>) semaphore(%arg15 : memref<!tpu.dma_semaphore, #tpu.memory_space<semaphore_mem>>)
      } else {
      }
      %dma_wait3A_141 = arith.constant 0 : i32
      %dma_wait3A_142 = arith.constant 0 : i32
      %dma_wait3A_143 = tpu.memref_slice %arg2[%dma_wait3A_141, %dma_wait3A_142] : memref<10000x16xf32, #tpu.memory_space<hbm>> -> memref<128x16xf32, #tpu.memory_space<hbm>>
      %dma_wait3A_144 = arith.constant 0 : i32
      %dma_wait3A_145 = arith.constant 0 : i32
      %dma_wait3A_146 = tpu.memref_slice %arg2[%dma_wait3A_144, %dma_wait3A_145] : memref<10000x16xf32, #tpu.memory_space<hbm>> -> memref<128x16xf32, #tpu.memory_space<hbm>>
      tpu.wait_dma2 semaphore(%arg20 : memref<!tpu.dma_semaphore, #tpu.memory_space<semaphore_mem>>) src(%dma_wait3A_146 : memref<128x16xf32, #tpu.memory_space<hbm>>) dst(%arg9 : memref<128x16xf32, #tpu.memory_space<vmem>>)
      %sub3A_147 = arith.constant 1 : i32
      %sub3A_148 = arith.subi %select_n3A_15, %sub3A_147 : i32
      %lt3A_149 = arith.cmpi slt, %while3A_66, %sub3A_148 : i32
      %convert_element_type3A_150 = arith.extui %lt3A_149 : i1 to i32
      %cond3A_151 = arith.constant 0 : i32
      %cond3A_152 = arith.cmpi ne, %convert_element_type3A_150, %cond3A_151 : i32
      scf.if %cond3A_152 {
        %add3A_177 = arith.constant 1 : i32
        %add3A_178 = arith.addi %while3A_66, %add3A_177 : i32
        %mul3A_179 = arith.constant 4 : i32
        %mul3A_180 = arith.muli %add3A_178, %mul3A_179 : i32
        %add3A_181 = arith.constant 1 : i32
        %add3A_182 = arith.addi %mul3A_180, %add3A_181 : i32
        %dma_start3A_183 = arith.constant 0 : i32
        %dma_start3A_184 = tpu.memref_slice %arg6[%add3A_182, %dma_start3A_183] : memref<80x128xi32, #tpu.memory_space<vmem>> -> memref<1x128xi32, #tpu.memory_space<vmem>>
        %dma_start3A_185 = tpu.memref_squeeze %dma_start3A_184 : memref<1x128xi32, #tpu.memory_space<vmem>> -> memref<128xi32, #tpu.memory_space<vmem>>
        %dma_start3A_186 = arith.constant 0 : i32
        %dma_start3A_187 = arith.constant 0 : i32
        %dma_start3A_188 = tpu.memref_slice %arg14[%dma_start3A_186, %dma_start3A_187] : memref<10112x16xf32, #tpu.memory_space<vmem_shared>> -> memref<10112x16xf32, #tpu.memory_space<vmem_shared>>
        tpu.enqueue_indirect_dma source(%dma_start3A_188 : memref<10112x16xf32, #tpu.memory_space<vmem_shared>>) target(%arg9 : memref<128x16xf32, #tpu.memory_space<vmem>>) offsets(%dma_start3A_185 : memref<128xi32, #tpu.memory_space<vmem>>) semaphore(%arg16 : memref<!tpu.dma_semaphore, #tpu.memory_space<semaphore_mem>>)
      } else {
      }
      %dma_wait3A_153 = arith.constant 0 : i32
      %dma_wait3A_154 = arith.constant 0 : i32
      %dma_wait3A_155 = tpu.memref_slice %arg2[%dma_wait3A_153, %dma_wait3A_154] : memref<10000x16xf32, #tpu.memory_space<hbm>> -> memref<128x16xf32, #tpu.memory_space<hbm>>
      %dma_wait3A_156 = arith.constant 0 : i32
      %dma_wait3A_157 = arith.constant 0 : i32
      %dma_wait3A_158 = tpu.memref_slice %arg2[%dma_wait3A_156, %dma_wait3A_157] : memref<10000x16xf32, #tpu.memory_space<hbm>> -> memref<128x16xf32, #tpu.memory_space<hbm>>
      tpu.wait_dma2 semaphore(%arg21 : memref<!tpu.dma_semaphore, #tpu.memory_space<semaphore_mem>>) src(%dma_wait3A_158 : memref<128x16xf32, #tpu.memory_space<hbm>>) dst(%arg10 : memref<128x16xf32, #tpu.memory_space<vmem>>)
      %sub3A_159 = arith.constant 1 : i32
      %sub3A_160 = arith.subi %select_n3A_15, %sub3A_159 : i32
      %lt3A_161 = arith.cmpi slt, %while3A_66, %sub3A_160 : i32
      %convert_element_type3A_162 = arith.extui %lt3A_161 : i1 to i32
      %cond3A_163 = arith.constant 0 : i32
      %cond3A_164 = arith.cmpi ne, %convert_element_type3A_162, %cond3A_163 : i32
      scf.if %cond3A_164 {
        %add3A_177 = arith.constant 1 : i32
        %add3A_178 = arith.addi %while3A_66, %add3A_177 : i32
        %mul3A_179 = arith.constant 4 : i32
        %mul3A_180 = arith.muli %add3A_178, %mul3A_179 : i32
        %add3A_181 = arith.constant 2 : i32
        %add3A_182 = arith.addi %mul3A_180, %add3A_181 : i32
        %dma_start3A_183 = arith.constant 0 : i32
        %dma_start3A_184 = tpu.memref_slice %arg6[%add3A_182, %dma_start3A_183] : memref<80x128xi32, #tpu.memory_space<vmem>> -> memref<1x128xi32, #tpu.memory_space<vmem>>
        %dma_start3A_185 = tpu.memref_squeeze %dma_start3A_184 : memref<1x128xi32, #tpu.memory_space<vmem>> -> memref<128xi32, #tpu.memory_space<vmem>>
        %dma_start3A_186 = arith.constant 0 : i32
        %dma_start3A_187 = arith.constant 0 : i32
        %dma_start3A_188 = tpu.memref_slice %arg14[%dma_start3A_186, %dma_start3A_187] : memref<10112x16xf32, #tpu.memory_space<vmem_shared>> -> memref<10112x16xf32, #tpu.memory_space<vmem_shared>>
        tpu.enqueue_indirect_dma source(%dma_start3A_188 : memref<10112x16xf32, #tpu.memory_space<vmem_shared>>) target(%arg10 : memref<128x16xf32, #tpu.memory_space<vmem>>) offsets(%dma_start3A_185 : memref<128xi32, #tpu.memory_space<vmem>>) semaphore(%arg17 : memref<!tpu.dma_semaphore, #tpu.memory_space<semaphore_mem>>)
      } else {
      }
      %dma_wait3A_165 = arith.constant 0 : i32
      %dma_wait3A_166 = arith.constant 0 : i32
      %dma_wait3A_167 = tpu.memref_slice %arg2[%dma_wait3A_165, %dma_wait3A_166] : memref<10000x16xf32, #tpu.memory_space<hbm>> -> memref<128x16xf32, #tpu.memory_space<hbm>>
      %dma_wait3A_168 = arith.constant 0 : i32
      %dma_wait3A_169 = arith.constant 0 : i32
      %dma_wait3A_170 = tpu.memref_slice %arg2[%dma_wait3A_168, %dma_wait3A_169] : memref<10000x16xf32, #tpu.memory_space<hbm>> -> memref<128x16xf32, #tpu.memory_space<hbm>>
      tpu.wait_dma2 semaphore(%arg22 : memref<!tpu.dma_semaphore, #tpu.memory_space<semaphore_mem>>) src(%dma_wait3A_170 : memref<128x16xf32, #tpu.memory_space<hbm>>) dst(%arg11 : memref<128x16xf32, #tpu.memory_space<vmem>>)
      %sub3A_171 = arith.constant 1 : i32
      %sub3A_172 = arith.subi %select_n3A_15, %sub3A_171 : i32
      %lt3A_173 = arith.cmpi slt, %while3A_66, %sub3A_172 : i32
      %convert_element_type3A_174 = arith.extui %lt3A_173 : i1 to i32
      %cond3A_175 = arith.constant 0 : i32
      %cond3A_176 = arith.cmpi ne, %convert_element_type3A_174, %cond3A_175 : i32
      scf.if %cond3A_176 {
        %add3A_177 = arith.constant 1 : i32
        %add3A_178 = arith.addi %while3A_66, %add3A_177 : i32
        %mul3A_179 = arith.constant 4 : i32
        %mul3A_180 = arith.muli %add3A_178, %mul3A_179 : i32
        %add3A_181 = arith.constant 3 : i32
        %add3A_182 = arith.addi %mul3A_180, %add3A_181 : i32
        %dma_start3A_183 = arith.constant 0 : i32
        %dma_start3A_184 = tpu.memref_slice %arg6[%add3A_182, %dma_start3A_183] : memref<80x128xi32, #tpu.memory_space<vmem>> -> memref<1x128xi32, #tpu.memory_space<vmem>>
        %dma_start3A_185 = tpu.memref_squeeze %dma_start3A_184 : memref<1x128xi32, #tpu.memory_space<vmem>> -> memref<128xi32, #tpu.memory_space<vmem>>
        %dma_start3A_186 = arith.constant 0 : i32
        %dma_start3A_187 = arith.constant 0 : i32
        %dma_start3A_188 = tpu.memref_slice %arg14[%dma_start3A_186, %dma_start3A_187] : memref<10112x16xf32, #tpu.memory_space<vmem_shared>> -> memref<10112x16xf32, #tpu.memory_space<vmem_shared>>
        tpu.enqueue_indirect_dma source(%dma_start3A_188 : memref<10112x16xf32, #tpu.memory_space<vmem_shared>>) target(%arg11 : memref<128x16xf32, #tpu.memory_space<vmem>>) offsets(%dma_start3A_185 : memref<128xi32, #tpu.memory_space<vmem>>) semaphore(%arg18 : memref<!tpu.dma_semaphore, #tpu.memory_space<semaphore_mem>>)
      } else {
      }
    }
    %barrier3A_65 = arith.constant 0 : index
    tpu.barrier barrier_id(%barrier3A_65)
    "tpu.region"() ({
      %run_scoped3A = tpu.sem_alloc : memref<!tpu.dma_semaphore, #tpu.memory_space<semaphore_mem>>
      %dma_start3A_66 = arith.constant 0 : i32
      %dma_start3A_67 = tpu.memref_slice %arg13[%mul3A_0, %dma_start3A_66] : memref<10112x16xf32, #tpu.memory_space<vmem_shared>> -> memref<632x16xf32, #tpu.memory_space<vmem_shared>>
      %dma_start3A_68 = arith.constant 0 : i32
      %dma_start3A_69 = tpu.memref_slice %arg13[%mul3A_0, %dma_start3A_68] : memref<10112x16xf32, #tpu.memory_space<vmem_shared>> -> memref<632x16xf32, #tpu.memory_space<vmem_shared>>
      tpu.enqueue_dma source(%dma_start3A_69 : memref<632x16xf32, #tpu.memory_space<vmem_shared>>) target(%arg12 : memref<632x16xf32, #tpu.memory_space<vmem>>) target_semaphore(%run_scoped3A : memref<!tpu.dma_semaphore, #tpu.memory_space<semaphore_mem>>)
      %dma_wait3A = arith.constant 0 : i32
      %dma_wait3A_70 = tpu.memref_slice %arg13[%mul3A_0, %dma_wait3A] : memref<10112x16xf32, #tpu.memory_space<vmem_shared>> -> memref<632x16xf32, #tpu.memory_space<vmem_shared>>
      %dma_wait3A_71 = arith.constant 0 : i32
      %dma_wait3A_72 = tpu.memref_slice %arg13[%mul3A_0, %dma_wait3A_71] : memref<10112x16xf32, #tpu.memory_space<vmem_shared>> -> memref<632x16xf32, #tpu.memory_space<vmem_shared>>
      tpu.wait_dma2 semaphore(%run_scoped3A : memref<!tpu.dma_semaphore, #tpu.memory_space<semaphore_mem>>) src(%dma_wait3A_72 : memref<632x16xf32, #tpu.memory_space<vmem_shared>>) dst(%arg12 : memref<632x16xf32, #tpu.memory_space<vmem>>)
      tpu.yield
    }) : () -> ()
    "tpu.region"() ({
      %run_scoped3A = tpu.sem_alloc : memref<!tpu.dma_semaphore, #tpu.memory_space<semaphore_mem>>
      %dma_start3A_66 = arith.constant 0 : i32
      %dma_start3A_67 = arith.constant 0 : i32
      %dma_start3A_68 = tpu.memref_slice %arg5[%arg0, %dma_start3A_66, %dma_start3A_67] : memref<2x10112x16xf32, #tpu.memory_space<hbm>> -> memref<1x10112x16xf32, #tpu.memory_space<hbm>>
      %dma_start3A_69 = tpu.memref_squeeze %dma_start3A_68 : memref<1x10112x16xf32, #tpu.memory_space<hbm>> -> memref<10112x16xf32, #tpu.memory_space<hbm>>
      %dma_start3A_70 = arith.constant 0 : i32
      %dma_start3A_71 = tpu.memref_slice %dma_start3A_69[%mul3A_0, %dma_start3A_70] : memref<10112x16xf32, #tpu.memory_space<hbm>> -> memref<632x16xf32, #tpu.memory_space<hbm>>
      %dma_start3A_72 = arith.constant 0 : i32
      %dma_start3A_73 = arith.constant 0 : i32
      %dma_start3A_74 = tpu.memref_slice %arg5[%arg0, %dma_start3A_72, %dma_start3A_73] : memref<2x10112x16xf32, #tpu.memory_space<hbm>> -> memref<1x10112x16xf32, #tpu.memory_space<hbm>>
      %dma_start3A_75 = tpu.memref_squeeze %dma_start3A_74 : memref<1x10112x16xf32, #tpu.memory_space<hbm>> -> memref<10112x16xf32, #tpu.memory_space<hbm>>
      %dma_start3A_76 = arith.constant 0 : i32
      %dma_start3A_77 = tpu.memref_slice %dma_start3A_75[%mul3A_0, %dma_start3A_76] : memref<10112x16xf32, #tpu.memory_space<hbm>> -> memref<632x16xf32, #tpu.memory_space<hbm>>
      tpu.enqueue_dma source(%arg12 : memref<632x16xf32, #tpu.memory_space<vmem>>) target(%dma_start3A_77 : memref<632x16xf32, #tpu.memory_space<hbm>>) target_semaphore(%run_scoped3A : memref<!tpu.dma_semaphore, #tpu.memory_space<semaphore_mem>>)
      %dma_wait3A = arith.constant 0 : i32
      %dma_wait3A_78 = arith.constant 0 : i32
      %dma_wait3A_79 = tpu.memref_slice %arg5[%arg0, %dma_wait3A, %dma_wait3A_78] : memref<2x10112x16xf32, #tpu.memory_space<hbm>> -> memref<1x10112x16xf32, #tpu.memory_space<hbm>>
      %dma_wait3A_80 = tpu.memref_squeeze %dma_wait3A_79 : memref<1x10112x16xf32, #tpu.memory_space<hbm>> -> memref<10112x16xf32, #tpu.memory_space<hbm>>
      %dma_wait3A_81 = arith.constant 0 : i32
      %dma_wait3A_82 = tpu.memref_slice %dma_wait3A_80[%mul3A_0, %dma_wait3A_81] : memref<10112x16xf32, #tpu.memory_space<hbm>> -> memref<632x16xf32, #tpu.memory_space<hbm>>
      %dma_wait3A_83 = arith.constant 0 : i32
      %dma_wait3A_84 = arith.constant 0 : i32
      %dma_wait3A_85 = tpu.memref_slice %arg5[%arg0, %dma_wait3A_83, %dma_wait3A_84] : memref<2x10112x16xf32, #tpu.memory_space<hbm>> -> memref<1x10112x16xf32, #tpu.memory_space<hbm>>
      %dma_wait3A_86 = tpu.memref_squeeze %dma_wait3A_85 : memref<1x10112x16xf32, #tpu.memory_space<hbm>> -> memref<10112x16xf32, #tpu.memory_space<hbm>>
      %dma_wait3A_87 = arith.constant 0 : i32
      %dma_wait3A_88 = tpu.memref_slice %dma_wait3A_86[%mul3A_0, %dma_wait3A_87] : memref<10112x16xf32, #tpu.memory_space<hbm>> -> memref<632x16xf32, #tpu.memory_space<hbm>>
      tpu.wait_dma2 semaphore(%run_scoped3A : memref<!tpu.dma_semaphore, #tpu.memory_space<semaphore_mem>>) src(%arg12 : memref<632x16xf32, #tpu.memory_space<vmem>>) dst(%dma_wait3A_88 : memref<632x16xf32, #tpu.memory_space<hbm>>)
      tpu.yield
    }) : () -> ()
    return
  }
}

#map = affine_map<(d0, d1) -> (0, 0)>
#map1 = affine_map<(d0, d1) -> (0, 0, 0)>
module attributes {stable_mosaic.version = 14 : i64} {
  func.func @agg(%arg0: i32, %arg1: i32, %arg2: memref<10000x16xf32, #tpu.memory_space<hbm>>, %arg3: memref<2640x128xi32, #tpu.memory_space<hbm>>, %arg4: memref<2640x128xi32, #tpu.memory_space<hbm>>, %arg5: memref<2x10112x16xf32, #tpu.memory_space<hbm>>, %arg6: memref<80x128xi32, #tpu.memory_space<vmem>>, %arg7: memref<80x128xi32, #tpu.memory_space<vmem>>, %arg8: memref<128x16xf32, #tpu.memory_space<vmem>>, %arg9: memref<128x16xf32, #tpu.memory_space<vmem>>, %arg10: memref<128x16xf32, #tpu.memory_space<vmem>>, %arg11: memref<128x16xf32, #tpu.memory_space<vmem>>, %arg12: memref<632x16xf32, #tpu.memory_space<vmem>>, %arg13: memref<10112x16xf32, #tpu.memory_space<vmem_shared>>, %arg14: memref<10112x16xf32, #tpu.memory_space<vmem_shared>>, %arg15: memref<!tpu.dma_semaphore, #tpu.memory_space<semaphore_mem>>, %arg16: memref<!tpu.dma_semaphore, #tpu.memory_space<semaphore_mem>>, %arg17: memref<!tpu.dma_semaphore, #tpu.memory_space<semaphore_mem>>, %arg18: memref<!tpu.dma_semaphore, #tpu.memory_space<semaphore_mem>>, %arg19: memref<!tpu.dma_semaphore, #tpu.memory_space<semaphore_mem>>, %arg20: memref<!tpu.dma_semaphore, #tpu.memory_space<semaphore_mem>>, %arg21: memref<!tpu.dma_semaphore, #tpu.memory_space<semaphore_mem>>, %arg22: memref<!tpu.dma_semaphore, #tpu.memory_space<semaphore_mem>>) attributes {dimension_semantics = [#tpu.dimension_semantics<core_parallel>, #tpu.dimension_semantics<subcore_parallel>], iteration_bounds = array<i64: 2, 16>, scalar_prefetch = 0 : i64, scratch_operands = 17 : i64, tpu.core_type = #tpu.core_type<sc_vector_subcore>, window_params = [{transform_indices = #map}, {transform_indices = #map}, {transform_indices = #map}, {transform_indices = #map1}]} {
    %mul3A = arith.constant 632 : i32
    %mul3A_0 = arith.muli %arg1, %mul3A : i32
    %eq3A = arith.constant 0 : i32
    %eq3A_1 = arith.cmpi eq, %arg0, %eq3A : i32
    %jit3A = arith.constant 80 : i32
    %jit3A_2 = arith.constant 80 : i32
    %select_n3A = arith.select %eq3A_1, %jit3A, %jit3A_2 : i32
    %eq3A_3 = arith.constant 0 : i32
    %eq3A_4 = arith.cmpi eq, %arg0, %eq3A_3 : i32
    %mul3A_5 = arith.constant 80 : i32
    %mul3A_6 = arith.muli %arg1, %mul3A_5 : i32
    %mul3A_7 = arith.constant 80 : i32
    %mul3A_8 = arith.muli %arg1, %mul3A_7 : i32
    %add3A = arith.constant 1280 : i32
    %add3A_9 = arith.addi %add3A, %mul3A_8 : i32
    %select_n3A_10 = arith.select %eq3A_4, %mul3A_6, %add3A_9 : i32
    %eq3A_11 = arith.constant 0 : i32
    %eq3A_12 = arith.cmpi eq, %arg0, %eq3A_11 : i32
    %jit3A_13 = arith.constant 20 : i32
    %jit3A_14 = arith.constant 20 : i32
    %select_n3A_15 = arith.select %eq3A_12, %jit3A_13, %jit3A_14 : i32
    %lt3A = arith.constant 15 : i32
    %lt3A_16 = arith.cmpi slt, %arg1, %lt3A : i32
    %convert_element_type3A = arith.extui %lt3A_16 : i1 to i32
    %cond3A = arith.constant 0 : i32
    %cond3A_17 = arith.cmpi ne, %convert_element_type3A, %cond3A : i32
    scf.if %cond3A_17 {
      "tpu.region"() ({
        %run_scoped3A = tpu.sem_alloc : memref<!tpu.dma_semaphore, #tpu.memory_space<semaphore_mem>>
        %dma_start3A_66 = arith.constant 0 : i32
        %dma_start3A_67 = tpu.memref_slice %arg2[%mul3A_0, %dma_start3A_66] : memref<10000x16xf32, #tpu.memory_space<hbm>> -> memref<632x16xf32, #tpu.memory_space<hbm>>
        %dma_start3A_68 = arith.constant 0 : i32
        %dma_start3A_69 = tpu.memref_slice %arg2[%mul3A_0, %dma_start3A_68] : memref<10000x16xf32, #tpu.memory_space<hbm>> -> memref<632x16xf32, #tpu.memory_space<hbm>>
        tpu.enqueue_dma source(%dma_start3A_69 : memref<632x16xf32, #tpu.memory_space<hbm>>) target(%arg12 : memref<632x16xf32, #tpu.memory_space<vmem>>) target_semaphore(%run_scoped3A : memref<!tpu.dma_semaphore, #tpu.memory_space<semaphore_mem>>)
        %dma_wait3A = arith.constant 0 : i32
        %dma_wait3A_70 = tpu.memref_slice %arg2[%mul3A_0, %dma_wait3A] : memref<10000x16xf32, #tpu.memory_space<hbm>> -> memref<632x16xf32, #tpu.memory_space<hbm>>
        %dma_wait3A_71 = arith.constant 0 : i32
        %dma_wait3A_72 = tpu.memref_slice %arg2[%mul3A_0, %dma_wait3A_71] : memref<10000x16xf32, #tpu.memory_space<hbm>> -> memref<632x16xf32, #tpu.memory_space<hbm>>
        tpu.wait_dma2 semaphore(%run_scoped3A : memref<!tpu.dma_semaphore, #tpu.memory_space<semaphore_mem>>) src(%dma_wait3A_72 : memref<632x16xf32, #tpu.memory_space<hbm>>) dst(%arg12 : memref<632x16xf32, #tpu.memory_space<vmem>>)
        tpu.yield
      }) : () -> ()
      "tpu.region"() ({
        %run_scoped3A = tpu.sem_alloc : memref<!tpu.dma_semaphore, #tpu.memory_space<semaphore_mem>>
        %dma_start3A_66 = arith.constant 0 : i32
        %dma_start3A_67 = tpu.memref_slice %arg14[%mul3A_0, %dma_start3A_66] : memref<10112x16xf32, #tpu.memory_space<vmem_shared>> -> memref<632x16xf32, #tpu.memory_space<vmem_shared>>
        %dma_start3A_68 = arith.constant 0 : i32
        %dma_start3A_69 = tpu.memref_slice %arg14[%mul3A_0, %dma_start3A_68] : memref<10112x16xf32, #tpu.memory_space<vmem_shared>> -> memref<632x16xf32, #tpu.memory_space<vmem_shared>>
        tpu.enqueue_dma source(%arg12 : memref<632x16xf32, #tpu.memory_space<vmem>>) target(%dma_start3A_69 : memref<632x16xf32, #tpu.memory_space<vmem_shared>>) target_semaphore(%run_scoped3A : memref<!tpu.dma_semaphore, #tpu.memory_space<semaphore_mem>>)
        %dma_wait3A = arith.constant 0 : i32
        %dma_wait3A_70 = tpu.memref_slice %arg14[%mul3A_0, %dma_wait3A] : memref<10112x16xf32, #tpu.memory_space<vmem_shared>> -> memref<632x16xf32, #tpu.memory_space<vmem_shared>>
        %dma_wait3A_71 = arith.constant 0 : i32
        %dma_wait3A_72 = tpu.memref_slice %arg14[%mul3A_0, %dma_wait3A_71] : memref<10112x16xf32, #tpu.memory_space<vmem_shared>> -> memref<632x16xf32, #tpu.memory_space<vmem_shared>>
        tpu.wait_dma2 semaphore(%run_scoped3A : memref<!tpu.dma_semaphore, #tpu.memory_space<semaphore_mem>>) src(%arg12 : memref<632x16xf32, #tpu.memory_space<vmem>>) dst(%dma_wait3A_72 : memref<632x16xf32, #tpu.memory_space<vmem_shared>>)
        tpu.yield
      }) : () -> ()
    } else {
    }
    %eq3A_18 = arith.constant 15 : i32
    %eq3A_19 = arith.cmpi eq, %arg1, %eq3A_18 : i32
    %convert_element_type3A_20 = arith.extui %eq3A_19 : i1 to i32
    %cond3A_21 = arith.constant 0 : i32
    %cond3A_22 = arith.cmpi ne, %convert_element_type3A_20, %cond3A_21 : i32
    scf.if %cond3A_22 {
      "tpu.region"() ({
        %run_scoped3A = tpu.sem_alloc : memref<!tpu.dma_semaphore, #tpu.memory_space<semaphore_mem>>
        %dma_start3A_66 = arith.constant 0 : i32
        %dma_start3A_67 = arith.constant 0 : i32
        %dma_start3A_68 = tpu.memref_slice %arg12[%dma_start3A_66, %dma_start3A_67] : memref<632x16xf32, #tpu.memory_space<vmem>> -> memref<520x16xf32, #tpu.memory_space<vmem>>
        %dma_start3A_69 = arith.constant 9480 : i32
        %dma_start3A_70 = arith.constant 0 : i32
        %dma_start3A_71 = tpu.memref_slice %arg2[%dma_start3A_69, %dma_start3A_70] : memref<10000x16xf32, #tpu.memory_space<hbm>> -> memref<520x16xf32, #tpu.memory_space<hbm>>
        %dma_start3A_72 = arith.constant 0 : i32
        %dma_start3A_73 = arith.constant 0 : i32
        %dma_start3A_74 = tpu.memref_slice %arg12[%dma_start3A_72, %dma_start3A_73] : memref<632x16xf32, #tpu.memory_space<vmem>> -> memref<520x16xf32, #tpu.memory_space<vmem>>
        %dma_start3A_75 = arith.constant 9480 : i32
        %dma_start3A_76 = arith.constant 0 : i32
        %dma_start3A_77 = tpu.memref_slice %arg2[%dma_start3A_75, %dma_start3A_76] : memref<10000x16xf32, #tpu.memory_space<hbm>> -> memref<520x16xf32, #tpu.memory_space<hbm>>
        tpu.enqueue_dma source(%dma_start3A_77 : memref<520x16xf32, #tpu.memory_space<hbm>>) target(%dma_start3A_74 : memref<520x16xf32, #tpu.memory_space<vmem>>) target_semaphore(%run_scoped3A : memref<!tpu.dma_semaphore, #tpu.memory_space<semaphore_mem>>)
        %dma_wait3A = arith.constant 0 : i32
        %dma_wait3A_78 = arith.constant 0 : i32
        %dma_wait3A_79 = tpu.memref_slice %arg12[%dma_wait3A, %dma_wait3A_78] : memref<632x16xf32, #tpu.memory_space<vmem>> -> memref<520x16xf32, #tpu.memory_space<vmem>>
        %dma_wait3A_80 = arith.constant 9480 : i32
        %dma_wait3A_81 = arith.constant 0 : i32
        %dma_wait3A_82 = tpu.memref_slice %arg2[%dma_wait3A_80, %dma_wait3A_81] : memref<10000x16xf32, #tpu.memory_space<hbm>> -> memref<520x16xf32, #tpu.memory_space<hbm>>
        %dma_wait3A_83 = arith.constant 0 : i32
        %dma_wait3A_84 = arith.constant 0 : i32
        %dma_wait3A_85 = tpu.memref_slice %arg12[%dma_wait3A_83, %dma_wait3A_84] : memref<632x16xf32, #tpu.memory_space<vmem>> -> memref<520x16xf32, #tpu.memory_space<vmem>>
        %dma_wait3A_86 = arith.constant 9480 : i32
        %dma_wait3A_87 = arith.constant 0 : i32
        %dma_wait3A_88 = tpu.memref_slice %arg2[%dma_wait3A_86, %dma_wait3A_87] : memref<10000x16xf32, #tpu.memory_space<hbm>> -> memref<520x16xf32, #tpu.memory_space<hbm>>
        tpu.wait_dma2 semaphore(%run_scoped3A : memref<!tpu.dma_semaphore, #tpu.memory_space<semaphore_mem>>) src(%dma_wait3A_88 : memref<520x16xf32, #tpu.memory_space<hbm>>) dst(%dma_wait3A_85 : memref<520x16xf32, #tpu.memory_space<vmem>>)
        tpu.yield
      }) : () -> ()
      "tpu.region"() ({
        %run_scoped3A = tpu.sem_alloc : memref<!tpu.dma_semaphore, #tpu.memory_space<semaphore_mem>>
        %dma_start3A_66 = arith.constant 0 : i32
        %dma_start3A_67 = arith.constant 0 : i32
        %dma_start3A_68 = tpu.memref_slice %arg12[%dma_start3A_66, %dma_start3A_67] : memref<632x16xf32, #tpu.memory_space<vmem>> -> memref<520x16xf32, #tpu.memory_space<vmem>>
        %dma_start3A_69 = arith.constant 9480 : i32
        %dma_start3A_70 = arith.constant 0 : i32
        %dma_start3A_71 = tpu.memref_slice %arg14[%dma_start3A_69, %dma_start3A_70] : memref<10112x16xf32, #tpu.memory_space<vmem_shared>> -> memref<520x16xf32, #tpu.memory_space<vmem_shared>>
        %dma_start3A_72 = arith.constant 9480 : i32
        %dma_start3A_73 = arith.constant 0 : i32
        %dma_start3A_74 = tpu.memref_slice %arg14[%dma_start3A_72, %dma_start3A_73] : memref<10112x16xf32, #tpu.memory_space<vmem_shared>> -> memref<520x16xf32, #tpu.memory_space<vmem_shared>>
        %dma_start3A_75 = arith.constant 0 : i32
        %dma_start3A_76 = arith.constant 0 : i32
        %dma_start3A_77 = tpu.memref_slice %arg12[%dma_start3A_75, %dma_start3A_76] : memref<632x16xf32, #tpu.memory_space<vmem>> -> memref<520x16xf32, #tpu.memory_space<vmem>>
        tpu.enqueue_dma source(%dma_start3A_77 : memref<520x16xf32, #tpu.memory_space<vmem>>) target(%dma_start3A_74 : memref<520x16xf32, #tpu.memory_space<vmem_shared>>) target_semaphore(%run_scoped3A : memref<!tpu.dma_semaphore, #tpu.memory_space<semaphore_mem>>)
        %dma_wait3A = arith.constant 0 : i32
        %dma_wait3A_78 = arith.constant 0 : i32
        %dma_wait3A_79 = tpu.memref_slice %arg12[%dma_wait3A, %dma_wait3A_78] : memref<632x16xf32, #tpu.memory_space<vmem>> -> memref<520x16xf32, #tpu.memory_space<vmem>>
        %dma_wait3A_80 = arith.constant 9480 : i32
        %dma_wait3A_81 = arith.constant 0 : i32
        %dma_wait3A_82 = tpu.memref_slice %arg14[%dma_wait3A_80, %dma_wait3A_81] : memref<10112x16xf32, #tpu.memory_space<vmem_shared>> -> memref<520x16xf32, #tpu.memory_space<vmem_shared>>
        %dma_wait3A_83 = arith.constant 9480 : i32
        %dma_wait3A_84 = arith.constant 0 : i32
        %dma_wait3A_85 = tpu.memref_slice %arg14[%dma_wait3A_83, %dma_wait3A_84] : memref<10112x16xf32, #tpu.memory_space<vmem_shared>> -> memref<520x16xf32, #tpu.memory_space<vmem_shared>>
        %dma_wait3A_86 = arith.constant 0 : i32
        %dma_wait3A_87 = arith.constant 0 : i32
        %dma_wait3A_88 = tpu.memref_slice %arg12[%dma_wait3A_86, %dma_wait3A_87] : memref<632x16xf32, #tpu.memory_space<vmem>> -> memref<520x16xf32, #tpu.memory_space<vmem>>
        tpu.wait_dma2 semaphore(%run_scoped3A : memref<!tpu.dma_semaphore, #tpu.memory_space<semaphore_mem>>) src(%dma_wait3A_88 : memref<520x16xf32, #tpu.memory_space<vmem>>) dst(%dma_wait3A_85 : memref<520x16xf32, #tpu.memory_space<vmem_shared>>)
        tpu.yield
      }) : () -> ()
    } else {
    }
    %broadcast_in_dim3A = arith.constant 0.000000e+00 : f32
    %broadcast_in_dim3A_23 = vector.broadcast %broadcast_in_dim3A : f32 to vector<16xf32>
    %scan3A = arith.constant 0 : i32
    %scan3A_24 = arith.constant 0 : i32
    %scan3A_25 = arith.constant 632 : i32
    %scan3A_26 = arith.addi %scan3A_24, %scan3A_25 : i32
    %scan3A_27 = arith.constant 1 : i32
    scf.for %scan3A_66 = %scan3A_24 to %scan3A_26 step %scan3A_27  : i32 {
      %swap3A = arith.index_cast %scan3A_66 : i32 to index
      %swap3A_67 = arith.constant 0 : index
      %swap3A_68 = tpu.vector_load %arg12[%swap3A, %swap3A_67] {strides = array<i32>} : memref<632x16xf32, #tpu.memory_space<vmem>>, vector<1x16xf32>,
      %swap3A_69 = vector.shape_cast %swap3A_68 : vector<1x16xf32> to vector<16xf32>
      %swap3A_70 = vector.shape_cast %broadcast_in_dim3A_23 : vector<16xf32> to vector<1x16xf32>
      tpu.vector_store %arg12[%swap3A, %swap3A_67], %swap3A_70 {strides = array<i32>} : memref<632x16xf32, #tpu.memory_space<vmem>>, vector<1x16xf32>,
    }
    %scan3A_28 = arith.constant 632 : i32
    "tpu.region"() ({
      %run_scoped3A = tpu.sem_alloc : memref<!tpu.dma_semaphore, #tpu.memory_space<semaphore_mem>>
      %dma_start3A_66 = arith.constant 0 : i32
      %dma_start3A_67 = tpu.memref_slice %arg13[%mul3A_0, %dma_start3A_66] : memref<10112x16xf32, #tpu.memory_space<vmem_shared>> -> memref<632x16xf32, #tpu.memory_space<vmem_shared>>
      %dma_start3A_68 = arith.constant 0 : i32
      %dma_start3A_69 = tpu.memref_slice %arg13[%mul3A_0, %dma_start3A_68] : memref<10112x16xf32, #tpu.memory_space<vmem_shared>> -> memref<632x16xf32, #tpu.memory_space<vmem_shared>>
      tpu.enqueue_dma source(%arg12 : memref<632x16xf32, #tpu.memory_space<vmem>>) target(%dma_start3A_69 : memref<632x16xf32, #tpu.memory_space<vmem_shared>>) target_semaphore(%run_scoped3A : memref<!tpu.dma_semaphore, #tpu.memory_space<semaphore_mem>>)
      %dma_wait3A = arith.constant 0 : i32
      %dma_wait3A_70 = tpu.memref_slice %arg13[%mul3A_0, %dma_wait3A] : memref<10112x16xf32, #tpu.memory_space<vmem_shared>> -> memref<632x16xf32, #tpu.memory_space<vmem_shared>>
      %dma_wait3A_71 = arith.constant 0 : i32
      %dma_wait3A_72 = tpu.memref_slice %arg13[%mul3A_0, %dma_wait3A_71] : memref<10112x16xf32, #tpu.memory_space<vmem_shared>> -> memref<632x16xf32, #tpu.memory_space<vmem_shared>>
      tpu.wait_dma2 semaphore(%run_scoped3A : memref<!tpu.dma_semaphore, #tpu.memory_space<semaphore_mem>>) src(%arg12 : memref<632x16xf32, #tpu.memory_space<vmem>>) dst(%dma_wait3A_72 : memref<632x16xf32, #tpu.memory_space<vmem_shared>>)
      tpu.yield
    }) : () -> ()
    "tpu.region"() ({
      %run_scoped3A = tpu.sem_alloc : memref<!tpu.dma_semaphore, #tpu.memory_space<semaphore_mem>>
      %dma_start3A_66 = arith.constant 0 : i32
      %dma_start3A_67 = tpu.memref_slice %arg3[%select_n3A_10, %dma_start3A_66] : memref<2640x128xi32, #tpu.memory_space<hbm>> -> memref<80x128xi32, #tpu.memory_space<hbm>>
      %dma_start3A_68 = arith.constant 0 : i32
      %dma_start3A_69 = tpu.memref_slice %arg3[%select_n3A_10, %dma_start3A_68] : memref<2640x128xi32, #tpu.memory_space<hbm>> -> memref<80x128xi32, #tpu.memory_space<hbm>>
      tpu.enqueue_dma source(%dma_start3A_69 : memref<80x128xi32, #tpu.memory_space<hbm>>) target(%arg6 : memref<80x128xi32, #tpu.memory_space<vmem>>) target_semaphore(%run_scoped3A : memref<!tpu.dma_semaphore, #tpu.memory_space<semaphore_mem>>)
      %dma_wait3A = arith.constant 0 : i32
      %dma_wait3A_70 = tpu.memref_slice %arg3[%select_n3A_10, %dma_wait3A] : memref<2640x128xi32, #tpu.memory_space<hbm>> -> memref<80x128xi32, #tpu.memory_space<hbm>>
      %dma_wait3A_71 = arith.constant 0 : i32
      %dma_wait3A_72 = tpu.memref_slice %arg3[%select_n3A_10, %dma_wait3A_71] : memref<2640x128xi32, #tpu.memory_space<hbm>> -> memref<80x128xi32, #tpu.memory_space<hbm>>
      tpu.wait_dma2 semaphore(%run_scoped3A : memref<!tpu.dma_semaphore, #tpu.memory_space<semaphore_mem>>) src(%dma_wait3A_72 : memref<80x128xi32, #tpu.memory_space<hbm>>) dst(%arg6 : memref<80x128xi32, #tpu.memory_space<vmem>>)
      tpu.yield
    }) : () -> ()
    "tpu.region"() ({
      %run_scoped3A = tpu.sem_alloc : memref<!tpu.dma_semaphore, #tpu.memory_space<semaphore_mem>>
      %dma_start3A_66 = arith.constant 0 : i32
      %dma_start3A_67 = tpu.memref_slice %arg4[%select_n3A_10, %dma_start3A_66] : memref<2640x128xi32, #tpu.memory_space<hbm>> -> memref<80x128xi32, #tpu.memory_space<hbm>>
      %dma_start3A_68 = arith.constant 0 : i32
      %dma_start3A_69 = tpu.memref_slice %arg4[%select_n3A_10, %dma_start3A_68] : memref<2640x128xi32, #tpu.memory_space<hbm>> -> memref<80x128xi32, #tpu.memory_space<hbm>>
      tpu.enqueue_dma source(%dma_start3A_69 : memref<80x128xi32, #tpu.memory_space<hbm>>) target(%arg7 : memref<80x128xi32, #tpu.memory_space<vmem>>) target_semaphore(%run_scoped3A : memref<!tpu.dma_semaphore, #tpu.memory_space<semaphore_mem>>)
      %dma_wait3A = arith.constant 0 : i32
      %dma_wait3A_70 = tpu.memref_slice %arg4[%select_n3A_10, %dma_wait3A] : memref<2640x128xi32, #tpu.memory_space<hbm>> -> memref<80x128xi32, #tpu.memory_space<hbm>>
      %dma_wait3A_71 = arith.constant 0 : i32
      %dma_wait3A_72 = tpu.memref_slice %arg4[%select_n3A_10, %dma_wait3A_71] : memref<2640x128xi32, #tpu.memory_space<hbm>> -> memref<80x128xi32, #tpu.memory_space<hbm>>
      tpu.wait_dma2 semaphore(%run_scoped3A : memref<!tpu.dma_semaphore, #tpu.memory_space<semaphore_mem>>) src(%dma_wait3A_72 : memref<80x128xi32, #tpu.memory_space<hbm>>) dst(%arg7 : memref<80x128xi32, #tpu.memory_space<vmem>>)
      tpu.yield
    }) : () -> ()
    %barrier3A = arith.constant 0 : index
    tpu.barrier barrier_id(%barrier3A)
    %dma_start3A = arith.constant 0 : i32
    %dma_start3A_29 = arith.constant 0 : i32
    %dma_start3A_30 = tpu.memref_slice %arg6[%dma_start3A, %dma_start3A_29] : memref<80x128xi32, #tpu.memory_space<vmem>> -> memref<1x128xi32, #tpu.memory_space<vmem>>
    %dma_start3A_31 = tpu.memref_squeeze %dma_start3A_30 : memref<1x128xi32, #tpu.memory_space<vmem>> -> memref<128xi32, #tpu.memory_space<vmem>>
    %dma_start3A_32 = arith.constant 0 : i32
    %dma_start3A_33 = arith.constant 0 : i32
    %dma_start3A_34 = tpu.memref_slice %arg14[%dma_start3A_32, %dma_start3A_33] : memref<10112x16xf32, #tpu.memory_space<vmem_shared>> -> memref<10112x16xf32, #tpu.memory_space<vmem_shared>>
    tpu.enqueue_indirect_dma source(%dma_start3A_34 : memref<10112x16xf32, #tpu.memory_space<vmem_shared>>) target(%arg8 : memref<128x16xf32, #tpu.memory_space<vmem>>) offsets(%dma_start3A_31 : memref<128xi32, #tpu.memory_space<vmem>>) semaphore(%arg15 : memref<!tpu.dma_semaphore, #tpu.memory_space<semaphore_mem>>)
    %dma_start3A_35 = arith.constant 1 : i32
    %dma_start3A_36 = arith.constant 0 : i32
    %dma_start3A_37 = tpu.memref_slice %arg6[%dma_start3A_35, %dma_start3A_36] : memref<80x128xi32, #tpu.memory_space<vmem>> -> memref<1x128xi32, #tpu.memory_space<vmem>>
    %dma_start3A_38 = tpu.memref_squeeze %dma_start3A_37 : memref<1x128xi32, #tpu.memory_space<vmem>> -> memref<128xi32, #tpu.memory_space<vmem>>
    %dma_start3A_39 = arith.constant 0 : i32
    %dma_start3A_40 = arith.constant 0 : i32
    %dma_start3A_41 = tpu.memref_slice %arg14[%dma_start3A_39, %dma_start3A_40] : memref<10112x16xf32, #tpu.memory_space<vmem_shared>> -> memref<10112x16xf32, #tpu.memory_space<vmem_shared>>
    tpu.enqueue_indirect_dma source(%dma_start3A_41 : memref<10112x16xf32, #tpu.memory_space<vmem_shared>>) target(%arg9 : memref<128x16xf32, #tpu.memory_space<vmem>>) offsets(%dma_start3A_38 : memref<128xi32, #tpu.memory_space<vmem>>) semaphore(%arg16 : memref<!tpu.dma_semaphore, #tpu.memory_space<semaphore_mem>>)
    %dma_start3A_42 = arith.constant 2 : i32
    %dma_start3A_43 = arith.constant 0 : i32
    %dma_start3A_44 = tpu.memref_slice %arg6[%dma_start3A_42, %dma_start3A_43] : memref<80x128xi32, #tpu.memory_space<vmem>> -> memref<1x128xi32, #tpu.memory_space<vmem>>
    %dma_start3A_45 = tpu.memref_squeeze %dma_start3A_44 : memref<1x128xi32, #tpu.memory_space<vmem>> -> memref<128xi32, #tpu.memory_space<vmem>>
    %dma_start3A_46 = arith.constant 0 : i32
    %dma_start3A_47 = arith.constant 0 : i32
    %dma_start3A_48 = tpu.memref_slice %arg14[%dma_start3A_46, %dma_start3A_47] : memref<10112x16xf32, #tpu.memory_space<vmem_shared>> -> memref<10112x16xf32, #tpu.memory_space<vmem_shared>>
    tpu.enqueue_indirect_dma source(%dma_start3A_48 : memref<10112x16xf32, #tpu.memory_space<vmem_shared>>) target(%arg10 : memref<128x16xf32, #tpu.memory_space<vmem>>) offsets(%dma_start3A_45 : memref<128xi32, #tpu.memory_space<vmem>>) semaphore(%arg17 : memref<!tpu.dma_semaphore, #tpu.memory_space<semaphore_mem>>)
    %dma_start3A_49 = arith.constant 3 : i32
    %dma_start3A_50 = arith.constant 0 : i32
    %dma_start3A_51 = tpu.memref_slice %arg6[%dma_start3A_49, %dma_start3A_50] : memref<80x128xi32, #tpu.memory_space<vmem>> -> memref<1x128xi32, #tpu.memory_space<vmem>>
    %dma_start3A_52 = tpu.memref_squeeze %dma_start3A_51 : memref<1x128xi32, #tpu.memory_space<vmem>> -> memref<128xi32, #tpu.memory_space<vmem>>
    %dma_start3A_53 = arith.constant 0 : i32
    %dma_start3A_54 = arith.constant 0 : i32
    %dma_start3A_55 = tpu.memref_slice %arg14[%dma_start3A_53, %dma_start3A_54] : memref<10112x16xf32, #tpu.memory_space<vmem_shared>> -> memref<10112x16xf32, #tpu.memory_space<vmem_shared>>
    tpu.enqueue_indirect_dma source(%dma_start3A_55 : memref<10112x16xf32, #tpu.memory_space<vmem_shared>>) target(%arg11 : memref<128x16xf32, #tpu.memory_space<vmem>>) offsets(%dma_start3A_52 : memref<128xi32, #tpu.memory_space<vmem>>) semaphore(%arg18 : memref<!tpu.dma_semaphore, #tpu.memory_space<semaphore_mem>>)
    %while3A = arith.constant 0 : i32
    %while3A_56 = arith.constant 0 : i32
    %while3A_57 = arith.subi %select_n3A_15, %while3A_56 : i32
    %while3A_58 = arith.addi %while3A_56, %while3A_57 : i32
    %while3A_59 = arith.constant 1 : i32
    %while3A_60 = arith.divsi %while3A_57, %while3A_59 : i32
    %while3A_61 = arith.muli %while3A_60, %while3A_59 : i32
    %while3A_62 = arith.addi %while3A_56, %while3A_61 : i32
    %while3A_63 = arith.constant 1 : i32
    scf.for %while3A_66 = %while3A_56 to %while3A_62 step %while3A_63  : i32 {
      %mul3A_67 = arith.constant 4 : i32
      %mul3A_68 = arith.muli %while3A_66, %mul3A_67 : i32
      %add3A_69 = arith.constant 0 : i32
      %add3A_70 = arith.addi %mul3A_68, %add3A_69 : i32
      %dma_wait3A = arith.constant 0 : i32
      %dma_wait3A_71 = arith.constant 0 : i32
      %dma_wait3A_72 = tpu.memref_slice %arg2[%dma_wait3A, %dma_wait3A_71] : memref<10000x16xf32, #tpu.memory_space<hbm>> -> memref<128x16xf32, #tpu.memory_space<hbm>>
      %dma_wait3A_73 = arith.constant 0 : i32
      %dma_wait3A_74 = arith.constant 0 : i32
      %dma_wait3A_75 = tpu.memref_slice %arg2[%dma_wait3A_73, %dma_wait3A_74] : memref<10000x16xf32, #tpu.memory_space<hbm>> -> memref<128x16xf32, #tpu.memory_space<hbm>>
      tpu.wait_dma2 semaphore(%arg15 : memref<!tpu.dma_semaphore, #tpu.memory_space<semaphore_mem>>) src(%dma_wait3A_75 : memref<128x16xf32, #tpu.memory_space<hbm>>) dst(%arg8 : memref<128x16xf32, #tpu.memory_space<vmem>>)
      %dma_start3A_76 = arith.constant 0 : i32
      %dma_start3A_77 = tpu.memref_slice %arg7[%add3A_70, %dma_start3A_76] : memref<80x128xi32, #tpu.memory_space<vmem>> -> memref<1x128xi32, #tpu.memory_space<vmem>>
      %dma_start3A_78 = tpu.memref_squeeze %dma_start3A_77 : memref<1x128xi32, #tpu.memory_space<vmem>> -> memref<128xi32, #tpu.memory_space<vmem>>
      %dma_start3A_79 = arith.constant 0 : i32
      %dma_start3A_80 = arith.constant 0 : i32
      %dma_start3A_81 = tpu.memref_slice %arg13[%dma_start3A_79, %dma_start3A_80] : memref<10112x16xf32, #tpu.memory_space<vmem_shared>> -> memref<10112x16xf32, #tpu.memory_space<vmem_shared>>
      tpu.enqueue_indirect_dma source(%arg8 : memref<128x16xf32, #tpu.memory_space<vmem>>) target(%dma_start3A_81 : memref<10112x16xf32, #tpu.memory_space<vmem_shared>>) offsets(%dma_start3A_78 : memref<128xi32, #tpu.memory_space<vmem>>) semaphore(%arg19 : memref<!tpu.dma_semaphore, #tpu.memory_space<semaphore_mem>>) {add = true}
      %mul3A_82 = arith.constant 4 : i32
      %mul3A_83 = arith.muli %while3A_66, %mul3A_82 : i32
      %add3A_84 = arith.constant 1 : i32
      %add3A_85 = arith.addi %mul3A_83, %add3A_84 : i32
      %dma_wait3A_86 = arith.constant 0 : i32
      %dma_wait3A_87 = arith.constant 0 : i32
      %dma_wait3A_88 = tpu.memref_slice %arg2[%dma_wait3A_86, %dma_wait3A_87] : memref<10000x16xf32, #tpu.memory_space<hbm>> -> memref<128x16xf32, #tpu.memory_space<hbm>>
      %dma_wait3A_89 = arith.constant 0 : i32
      %dma_wait3A_90 = arith.constant 0 : i32
      %dma_wait3A_91 = tpu.memref_slice %arg2[%dma_wait3A_89, %dma_wait3A_90] : memref<10000x16xf32, #tpu.memory_space<hbm>> -> memref<128x16xf32, #tpu.memory_space<hbm>>
      tpu.wait_dma2 semaphore(%arg16 : memref<!tpu.dma_semaphore, #tpu.memory_space<semaphore_mem>>) src(%dma_wait3A_91 : memref<128x16xf32, #tpu.memory_space<hbm>>) dst(%arg9 : memref<128x16xf32, #tpu.memory_space<vmem>>)
      %dma_start3A_92 = arith.constant 0 : i32
      %dma_start3A_93 = tpu.memref_slice %arg7[%add3A_85, %dma_start3A_92] : memref<80x128xi32, #tpu.memory_space<vmem>> -> memref<1x128xi32, #tpu.memory_space<vmem>>
      %dma_start3A_94 = tpu.memref_squeeze %dma_start3A_93 : memref<1x128xi32, #tpu.memory_space<vmem>> -> memref<128xi32, #tpu.memory_space<vmem>>
      %dma_start3A_95 = arith.constant 0 : i32
      %dma_start3A_96 = arith.constant 0 : i32
      %dma_start3A_97 = tpu.memref_slice %arg13[%dma_start3A_95, %dma_start3A_96] : memref<10112x16xf32, #tpu.memory_space<vmem_shared>> -> memref<10112x16xf32, #tpu.memory_space<vmem_shared>>
      tpu.enqueue_indirect_dma source(%arg9 : memref<128x16xf32, #tpu.memory_space<vmem>>) target(%dma_start3A_97 : memref<10112x16xf32, #tpu.memory_space<vmem_shared>>) offsets(%dma_start3A_94 : memref<128xi32, #tpu.memory_space<vmem>>) semaphore(%arg20 : memref<!tpu.dma_semaphore, #tpu.memory_space<semaphore_mem>>) {add = true}
      %mul3A_98 = arith.constant 4 : i32
      %mul3A_99 = arith.muli %while3A_66, %mul3A_98 : i32
      %add3A_100 = arith.constant 2 : i32
      %add3A_101 = arith.addi %mul3A_99, %add3A_100 : i32
      %dma_wait3A_102 = arith.constant 0 : i32
      %dma_wait3A_103 = arith.constant 0 : i32
      %dma_wait3A_104 = tpu.memref_slice %arg2[%dma_wait3A_102, %dma_wait3A_103] : memref<10000x16xf32, #tpu.memory_space<hbm>> -> memref<128x16xf32, #tpu.memory_space<hbm>>
      %dma_wait3A_105 = arith.constant 0 : i32
      %dma_wait3A_106 = arith.constant 0 : i32
      %dma_wait3A_107 = tpu.memref_slice %arg2[%dma_wait3A_105, %dma_wait3A_106] : memref<10000x16xf32, #tpu.memory_space<hbm>> -> memref<128x16xf32, #tpu.memory_space<hbm>>
      tpu.wait_dma2 semaphore(%arg17 : memref<!tpu.dma_semaphore, #tpu.memory_space<semaphore_mem>>) src(%dma_wait3A_107 : memref<128x16xf32, #tpu.memory_space<hbm>>) dst(%arg10 : memref<128x16xf32, #tpu.memory_space<vmem>>)
      %dma_start3A_108 = arith.constant 0 : i32
      %dma_start3A_109 = tpu.memref_slice %arg7[%add3A_101, %dma_start3A_108] : memref<80x128xi32, #tpu.memory_space<vmem>> -> memref<1x128xi32, #tpu.memory_space<vmem>>
      %dma_start3A_110 = tpu.memref_squeeze %dma_start3A_109 : memref<1x128xi32, #tpu.memory_space<vmem>> -> memref<128xi32, #tpu.memory_space<vmem>>
      %dma_start3A_111 = arith.constant 0 : i32
      %dma_start3A_112 = arith.constant 0 : i32
      %dma_start3A_113 = tpu.memref_slice %arg13[%dma_start3A_111, %dma_start3A_112] : memref<10112x16xf32, #tpu.memory_space<vmem_shared>> -> memref<10112x16xf32, #tpu.memory_space<vmem_shared>>
      tpu.enqueue_indirect_dma source(%arg10 : memref<128x16xf32, #tpu.memory_space<vmem>>) target(%dma_start3A_113 : memref<10112x16xf32, #tpu.memory_space<vmem_shared>>) offsets(%dma_start3A_110 : memref<128xi32, #tpu.memory_space<vmem>>) semaphore(%arg21 : memref<!tpu.dma_semaphore, #tpu.memory_space<semaphore_mem>>) {add = true}
      %mul3A_114 = arith.constant 4 : i32
      %mul3A_115 = arith.muli %while3A_66, %mul3A_114 : i32
      %add3A_116 = arith.constant 3 : i32
      %add3A_117 = arith.addi %mul3A_115, %add3A_116 : i32
      %dma_wait3A_118 = arith.constant 0 : i32
      %dma_wait3A_119 = arith.constant 0 : i32
      %dma_wait3A_120 = tpu.memref_slice %arg2[%dma_wait3A_118, %dma_wait3A_119] : memref<10000x16xf32, #tpu.memory_space<hbm>> -> memref<128x16xf32, #tpu.memory_space<hbm>>
      %dma_wait3A_121 = arith.constant 0 : i32
      %dma_wait3A_122 = arith.constant 0 : i32
      %dma_wait3A_123 = tpu.memref_slice %arg2[%dma_wait3A_121, %dma_wait3A_122] : memref<10000x16xf32, #tpu.memory_space<hbm>> -> memref<128x16xf32, #tpu.memory_space<hbm>>
      tpu.wait_dma2 semaphore(%arg18 : memref<!tpu.dma_semaphore, #tpu.memory_space<semaphore_mem>>) src(%dma_wait3A_123 : memref<128x16xf32, #tpu.memory_space<hbm>>) dst(%arg11 : memref<128x16xf32, #tpu.memory_space<vmem>>)
      %dma_start3A_124 = arith.constant 0 : i32
      %dma_start3A_125 = tpu.memref_slice %arg7[%add3A_117, %dma_start3A_124] : memref<80x128xi32, #tpu.memory_space<vmem>> -> memref<1x128xi32, #tpu.memory_space<vmem>>
      %dma_start3A_126 = tpu.memref_squeeze %dma_start3A_125 : memref<1x128xi32, #tpu.memory_space<vmem>> -> memref<128xi32, #tpu.memory_space<vmem>>
      %dma_start3A_127 = arith.constant 0 : i32
      %dma_start3A_128 = arith.constant 0 : i32
      %dma_start3A_129 = tpu.memref_slice %arg13[%dma_start3A_127, %dma_start3A_128] : memref<10112x16xf32, #tpu.memory_space<vmem_shared>> -> memref<10112x16xf32, #tpu.memory_space<vmem_shared>>
      tpu.enqueue_indirect_dma source(%arg11 : memref<128x16xf32, #tpu.memory_space<vmem>>) target(%dma_start3A_129 : memref<10112x16xf32, #tpu.memory_space<vmem_shared>>) offsets(%dma_start3A_126 : memref<128xi32, #tpu.memory_space<vmem>>) semaphore(%arg22 : memref<!tpu.dma_semaphore, #tpu.memory_space<semaphore_mem>>) {add = true}
      %dma_wait3A_130 = arith.constant 0 : i32
      %dma_wait3A_131 = arith.constant 0 : i32
      %dma_wait3A_132 = tpu.memref_slice %arg2[%dma_wait3A_130, %dma_wait3A_131] : memref<10000x16xf32, #tpu.memory_space<hbm>> -> memref<128x16xf32, #tpu.memory_space<hbm>>
      %dma_wait3A_133 = arith.constant 0 : i32
      %dma_wait3A_134 = arith.constant 0 : i32
      %dma_wait3A_135 = tpu.memref_slice %arg2[%dma_wait3A_133, %dma_wait3A_134] : memref<10000x16xf32, #tpu.memory_space<hbm>> -> memref<128x16xf32, #tpu.memory_space<hbm>>
      tpu.wait_dma2 semaphore(%arg19 : memref<!tpu.dma_semaphore, #tpu.memory_space<semaphore_mem>>) src(%dma_wait3A_135 : memref<128x16xf32, #tpu.memory_space<hbm>>) dst(%arg8 : memref<128x16xf32, #tpu.memory_space<vmem>>)
      %sub3A = arith.constant 1 : i32
      %sub3A_136 = arith.subi %select_n3A_15, %sub3A : i32
      %lt3A_137 = arith.cmpi slt, %while3A_66, %sub3A_136 : i32
      %convert_element_type3A_138 = arith.extui %lt3A_137 : i1 to i32
      %cond3A_139 = arith.constant 0 : i32
      %cond3A_140 = arith.cmpi ne, %convert_element_type3A_138, %cond3A_139 : i32
      scf.if %cond3A_140 {
        %add3A_177 = arith.constant 1 : i32
        %add3A_178 = arith.addi %while3A_66, %add3A_177 : i32
        %mul3A_179 = arith.constant 4 : i32
        %mul3A_180 = arith.muli %add3A_178, %mul3A_179 : i32
        %add3A_181 = arith.constant 0 : i32
        %add3A_182 = arith.addi %mul3A_180, %add3A_181 : i32
        %dma_start3A_183 = arith.constant 0 : i32
        %dma_start3A_184 = tpu.memref_slice %arg6[%add3A_182, %dma_start3A_183] : memref<80x128xi32, #tpu.memory_space<vmem>> -> memref<1x128xi32, #tpu.memory_space<vmem>>
        %dma_start3A_185 = tpu.memref_squeeze %dma_start3A_184 : memref<1x128xi32, #tpu.memory_space<vmem>> -> memref<128xi32, #tpu.memory_space<vmem>>
        %dma_start3A_186 = arith.constant 0 : i32
        %dma_start3A_187 = arith.constant 0 : i32
        %dma_start3A_188 = tpu.memref_slice %arg14[%dma_start3A_186, %dma_start3A_187] : memref<10112x16xf32, #tpu.memory_space<vmem_shared>> -> memref<10112x16xf32, #tpu.memory_space<vmem_shared>>
        tpu.enqueue_indirect_dma source(%dma_start3A_188 : memref<10112x16xf32, #tpu.memory_space<vmem_shared>>) target(%arg8 : memref<128x16xf32, #tpu.memory_space<vmem>>) offsets(%dma_start3A_185 : memref<128xi32, #tpu.memory_space<vmem>>) semaphore(%arg15 : memref<!tpu.dma_semaphore, #tpu.memory_space<semaphore_mem>>)
      } else {
      }
      %dma_wait3A_141 = arith.constant 0 : i32
      %dma_wait3A_142 = arith.constant 0 : i32
      %dma_wait3A_143 = tpu.memref_slice %arg2[%dma_wait3A_141, %dma_wait3A_142] : memref<10000x16xf32, #tpu.memory_space<hbm>> -> memref<128x16xf32, #tpu.memory_space<hbm>>
      %dma_wait3A_144 = arith.constant 0 : i32
      %dma_wait3A_145 = arith.constant 0 : i32
      %dma_wait3A_146 = tpu.memref_slice %arg2[%dma_wait3A_144, %dma_wait3A_145] : memref<10000x16xf32, #tpu.memory_space<hbm>> -> memref<128x16xf32, #tpu.memory_space<hbm>>
      tpu.wait_dma2 semaphore(%arg20 : memref<!tpu.dma_semaphore, #tpu.memory_space<semaphore_mem>>) src(%dma_wait3A_146 : memref<128x16xf32, #tpu.memory_space<hbm>>) dst(%arg9 : memref<128x16xf32, #tpu.memory_space<vmem>>)
      %sub3A_147 = arith.constant 1 : i32
      %sub3A_148 = arith.subi %select_n3A_15, %sub3A_147 : i32
      %lt3A_149 = arith.cmpi slt, %while3A_66, %sub3A_148 : i32
      %convert_element_type3A_150 = arith.extui %lt3A_149 : i1 to i32
      %cond3A_151 = arith.constant 0 : i32
      %cond3A_152 = arith.cmpi ne, %convert_element_type3A_150, %cond3A_151 : i32
      scf.if %cond3A_152 {
        %add3A_177 = arith.constant 1 : i32
        %add3A_178 = arith.addi %while3A_66, %add3A_177 : i32
        %mul3A_179 = arith.constant 4 : i32
        %mul3A_180 = arith.muli %add3A_178, %mul3A_179 : i32
        %add3A_181 = arith.constant 1 : i32
        %add3A_182 = arith.addi %mul3A_180, %add3A_181 : i32
        %dma_start3A_183 = arith.constant 0 : i32
        %dma_start3A_184 = tpu.memref_slice %arg6[%add3A_182, %dma_start3A_183] : memref<80x128xi32, #tpu.memory_space<vmem>> -> memref<1x128xi32, #tpu.memory_space<vmem>>
        %dma_start3A_185 = tpu.memref_squeeze %dma_start3A_184 : memref<1x128xi32, #tpu.memory_space<vmem>> -> memref<128xi32, #tpu.memory_space<vmem>>
        %dma_start3A_186 = arith.constant 0 : i32
        %dma_start3A_187 = arith.constant 0 : i32
        %dma_start3A_188 = tpu.memref_slice %arg14[%dma_start3A_186, %dma_start3A_187] : memref<10112x16xf32, #tpu.memory_space<vmem_shared>> -> memref<10112x16xf32, #tpu.memory_space<vmem_shared>>
        tpu.enqueue_indirect_dma source(%dma_start3A_188 : memref<10112x16xf32, #tpu.memory_space<vmem_shared>>) target(%arg9 : memref<128x16xf32, #tpu.memory_space<vmem>>) offsets(%dma_start3A_185 : memref<128xi32, #tpu.memory_space<vmem>>) semaphore(%arg16 : memref<!tpu.dma_semaphore, #tpu.memory_space<semaphore_mem>>)
      } else {
      }
      %dma_wait3A_153 = arith.constant 0 : i32
      %dma_wait3A_154 = arith.constant 0 : i32
      %dma_wait3A_155 = tpu.memref_slice %arg2[%dma_wait3A_153, %dma_wait3A_154] : memref<10000x16xf32, #tpu.memory_space<hbm>> -> memref<128x16xf32, #tpu.memory_space<hbm>>
      %dma_wait3A_156 = arith.constant 0 : i32
      %dma_wait3A_157 = arith.constant 0 : i32
      %dma_wait3A_158 = tpu.memref_slice %arg2[%dma_wait3A_156, %dma_wait3A_157] : memref<10000x16xf32, #tpu.memory_space<hbm>> -> memref<128x16xf32, #tpu.memory_space<hbm>>
      tpu.wait_dma2 semaphore(%arg21 : memref<!tpu.dma_semaphore, #tpu.memory_space<semaphore_mem>>) src(%dma_wait3A_158 : memref<128x16xf32, #tpu.memory_space<hbm>>) dst(%arg10 : memref<128x16xf32, #tpu.memory_space<vmem>>)
      %sub3A_159 = arith.constant 1 : i32
      %sub3A_160 = arith.subi %select_n3A_15, %sub3A_159 : i32
      %lt3A_161 = arith.cmpi slt, %while3A_66, %sub3A_160 : i32
      %convert_element_type3A_162 = arith.extui %lt3A_161 : i1 to i32
      %cond3A_163 = arith.constant 0 : i32
      %cond3A_164 = arith.cmpi ne, %convert_element_type3A_162, %cond3A_163 : i32
      scf.if %cond3A_164 {
        %add3A_177 = arith.constant 1 : i32
        %add3A_178 = arith.addi %while3A_66, %add3A_177 : i32
        %mul3A_179 = arith.constant 4 : i32
        %mul3A_180 = arith.muli %add3A_178, %mul3A_179 : i32
        %add3A_181 = arith.constant 2 : i32
        %add3A_182 = arith.addi %mul3A_180, %add3A_181 : i32
        %dma_start3A_183 = arith.constant 0 : i32
        %dma_start3A_184 = tpu.memref_slice %arg6[%add3A_182, %dma_start3A_183] : memref<80x128xi32, #tpu.memory_space<vmem>> -> memref<1x128xi32, #tpu.memory_space<vmem>>
        %dma_start3A_185 = tpu.memref_squeeze %dma_start3A_184 : memref<1x128xi32, #tpu.memory_space<vmem>> -> memref<128xi32, #tpu.memory_space<vmem>>
        %dma_start3A_186 = arith.constant 0 : i32
        %dma_start3A_187 = arith.constant 0 : i32
        %dma_start3A_188 = tpu.memref_slice %arg14[%dma_start3A_186, %dma_start3A_187] : memref<10112x16xf32, #tpu.memory_space<vmem_shared>> -> memref<10112x16xf32, #tpu.memory_space<vmem_shared>>
        tpu.enqueue_indirect_dma source(%dma_start3A_188 : memref<10112x16xf32, #tpu.memory_space<vmem_shared>>) target(%arg10 : memref<128x16xf32, #tpu.memory_space<vmem>>) offsets(%dma_start3A_185 : memref<128xi32, #tpu.memory_space<vmem>>) semaphore(%arg17 : memref<!tpu.dma_semaphore, #tpu.memory_space<semaphore_mem>>)
      } else {
      }
      %dma_wait3A_165 = arith.constant 0 : i32
      %dma_wait3A_166 = arith.constant 0 : i32
      %dma_wait3A_167 = tpu.memref_slice %arg2[%dma_wait3A_165, %dma_wait3A_166] : memref<10000x16xf32, #tpu.memory_space<hbm>> -> memref<128x16xf32, #tpu.memory_space<hbm>>
      %dma_wait3A_168 = arith.constant 0 : i32
      %dma_wait3A_169 = arith.constant 0 : i32
      %dma_wait3A_170 = tpu.memref_slice %arg2[%dma_wait3A_168, %dma_wait3A_169] : memref<10000x16xf32, #tpu.memory_space<hbm>> -> memref<128x16xf32, #tpu.memory_space<hbm>>
      tpu.wait_dma2 semaphore(%arg22 : memref<!tpu.dma_semaphore, #tpu.memory_space<semaphore_mem>>) src(%dma_wait3A_170 : memref<128x16xf32, #tpu.memory_space<hbm>>) dst(%arg11 : memref<128x16xf32, #tpu.memory_space<vmem>>)
      %sub3A_171 = arith.constant 1 : i32
      %sub3A_172 = arith.subi %select_n3A_15, %sub3A_171 : i32
      %lt3A_173 = arith.cmpi slt, %while3A_66, %sub3A_172 : i32
      %convert_element_type3A_174 = arith.extui %lt3A_173 : i1 to i32
      %cond3A_175 = arith.constant 0 : i32
      %cond3A_176 = arith.cmpi ne, %convert_element_type3A_174, %cond3A_175 : i32
      scf.if %cond3A_176 {
        %add3A_177 = arith.constant 1 : i32
        %add3A_178 = arith.addi %while3A_66, %add3A_177 : i32
        %mul3A_179 = arith.constant 4 : i32
        %mul3A_180 = arith.muli %add3A_178, %mul3A_179 : i32
        %add3A_181 = arith.constant 3 : i32
        %add3A_182 = arith.addi %mul3A_180, %add3A_181 : i32
        %dma_start3A_183 = arith.constant 0 : i32
        %dma_start3A_184 = tpu.memref_slice %arg6[%add3A_182, %dma_start3A_183] : memref<80x128xi32, #tpu.memory_space<vmem>> -> memref<1x128xi32, #tpu.memory_space<vmem>>
        %dma_start3A_185 = tpu.memref_squeeze %dma_start3A_184 : memref<1x128xi32, #tpu.memory_space<vmem>> -> memref<128xi32, #tpu.memory_space<vmem>>
        %dma_start3A_186 = arith.constant 0 : i32
        %dma_start3A_187 = arith.constant 0 : i32
        %dma_start3A_188 = tpu.memref_slice %arg14[%dma_start3A_186, %dma_start3A_187] : memref<10112x16xf32, #tpu.memory_space<vmem_shared>> -> memref<10112x16xf32, #tpu.memory_space<vmem_shared>>
        tpu.enqueue_indirect_dma source(%dma_start3A_188 : memref<10112x16xf32, #tpu.memory_space<vmem_shared>>) target(%arg11 : memref<128x16xf32, #tpu.memory_space<vmem>>) offsets(%dma_start3A_185 : memref<128xi32, #tpu.memory_space<vmem>>) semaphore(%arg18 : memref<!tpu.dma_semaphore, #tpu.memory_space<semaphore_mem>>)
      } else {
      }
    }
    %while3A_64 = arith.constant 1 : i32
    scf.for %while3A_66 = %while3A_62 to %while3A_58 step %while3A_64  : i32 {
      %mul3A_67 = arith.constant 4 : i32
      %mul3A_68 = arith.muli %while3A_66, %mul3A_67 : i32
      %add3A_69 = arith.constant 0 : i32
      %add3A_70 = arith.addi %mul3A_68, %add3A_69 : i32
      %dma_wait3A = arith.constant 0 : i32
      %dma_wait3A_71 = arith.constant 0 : i32
      %dma_wait3A_72 = tpu.memref_slice %arg2[%dma_wait3A, %dma_wait3A_71] : memref<10000x16xf32, #tpu.memory_space<hbm>> -> memref<128x16xf32, #tpu.memory_space<hbm>>
      %dma_wait3A_73 = arith.constant 0 : i32
      %dma_wait3A_74 = arith.constant 0 : i32
      %dma_wait3A_75 = tpu.memref_slice %arg2[%dma_wait3A_73, %dma_wait3A_74] : memref<10000x16xf32, #tpu.memory_space<hbm>> -> memref<128x16xf32, #tpu.memory_space<hbm>>
      tpu.wait_dma2 semaphore(%arg15 : memref<!tpu.dma_semaphore, #tpu.memory_space<semaphore_mem>>) src(%dma_wait3A_75 : memref<128x16xf32, #tpu.memory_space<hbm>>) dst(%arg8 : memref<128x16xf32, #tpu.memory_space<vmem>>)
      %dma_start3A_76 = arith.constant 0 : i32
      %dma_start3A_77 = tpu.memref_slice %arg7[%add3A_70, %dma_start3A_76] : memref<80x128xi32, #tpu.memory_space<vmem>> -> memref<1x128xi32, #tpu.memory_space<vmem>>
      %dma_start3A_78 = tpu.memref_squeeze %dma_start3A_77 : memref<1x128xi32, #tpu.memory_space<vmem>> -> memref<128xi32, #tpu.memory_space<vmem>>
      %dma_start3A_79 = arith.constant 0 : i32
      %dma_start3A_80 = arith.constant 0 : i32
      %dma_start3A_81 = tpu.memref_slice %arg13[%dma_start3A_79, %dma_start3A_80] : memref<10112x16xf32, #tpu.memory_space<vmem_shared>> -> memref<10112x16xf32, #tpu.memory_space<vmem_shared>>
      tpu.enqueue_indirect_dma source(%arg8 : memref<128x16xf32, #tpu.memory_space<vmem>>) target(%dma_start3A_81 : memref<10112x16xf32, #tpu.memory_space<vmem_shared>>) offsets(%dma_start3A_78 : memref<128xi32, #tpu.memory_space<vmem>>) semaphore(%arg19 : memref<!tpu.dma_semaphore, #tpu.memory_space<semaphore_mem>>) {add = true}
      %mul3A_82 = arith.constant 4 : i32
      %mul3A_83 = arith.muli %while3A_66, %mul3A_82 : i32
      %add3A_84 = arith.constant 1 : i32
      %add3A_85 = arith.addi %mul3A_83, %add3A_84 : i32
      %dma_wait3A_86 = arith.constant 0 : i32
      %dma_wait3A_87 = arith.constant 0 : i32
      %dma_wait3A_88 = tpu.memref_slice %arg2[%dma_wait3A_86, %dma_wait3A_87] : memref<10000x16xf32, #tpu.memory_space<hbm>> -> memref<128x16xf32, #tpu.memory_space<hbm>>
      %dma_wait3A_89 = arith.constant 0 : i32
      %dma_wait3A_90 = arith.constant 0 : i32
      %dma_wait3A_91 = tpu.memref_slice %arg2[%dma_wait3A_89, %dma_wait3A_90] : memref<10000x16xf32, #tpu.memory_space<hbm>> -> memref<128x16xf32, #tpu.memory_space<hbm>>
      tpu.wait_dma2 semaphore(%arg16 : memref<!tpu.dma_semaphore, #tpu.memory_space<semaphore_mem>>) src(%dma_wait3A_91 : memref<128x16xf32, #tpu.memory_space<hbm>>) dst(%arg9 : memref<128x16xf32, #tpu.memory_space<vmem>>)
      %dma_start3A_92 = arith.constant 0 : i32
      %dma_start3A_93 = tpu.memref_slice %arg7[%add3A_85, %dma_start3A_92] : memref<80x128xi32, #tpu.memory_space<vmem>> -> memref<1x128xi32, #tpu.memory_space<vmem>>
      %dma_start3A_94 = tpu.memref_squeeze %dma_start3A_93 : memref<1x128xi32, #tpu.memory_space<vmem>> -> memref<128xi32, #tpu.memory_space<vmem>>
      %dma_start3A_95 = arith.constant 0 : i32
      %dma_start3A_96 = arith.constant 0 : i32
      %dma_start3A_97 = tpu.memref_slice %arg13[%dma_start3A_95, %dma_start3A_96] : memref<10112x16xf32, #tpu.memory_space<vmem_shared>> -> memref<10112x16xf32, #tpu.memory_space<vmem_shared>>
      tpu.enqueue_indirect_dma source(%arg9 : memref<128x16xf32, #tpu.memory_space<vmem>>) target(%dma_start3A_97 : memref<10112x16xf32, #tpu.memory_space<vmem_shared>>) offsets(%dma_start3A_94 : memref<128xi32, #tpu.memory_space<vmem>>) semaphore(%arg20 : memref<!tpu.dma_semaphore, #tpu.memory_space<semaphore_mem>>) {add = true}
      %mul3A_98 = arith.constant 4 : i32
      %mul3A_99 = arith.muli %while3A_66, %mul3A_98 : i32
      %add3A_100 = arith.constant 2 : i32
      %add3A_101 = arith.addi %mul3A_99, %add3A_100 : i32
      %dma_wait3A_102 = arith.constant 0 : i32
      %dma_wait3A_103 = arith.constant 0 : i32
      %dma_wait3A_104 = tpu.memref_slice %arg2[%dma_wait3A_102, %dma_wait3A_103] : memref<10000x16xf32, #tpu.memory_space<hbm>> -> memref<128x16xf32, #tpu.memory_space<hbm>>
      %dma_wait3A_105 = arith.constant 0 : i32
      %dma_wait3A_106 = arith.constant 0 : i32
      %dma_wait3A_107 = tpu.memref_slice %arg2[%dma_wait3A_105, %dma_wait3A_106] : memref<10000x16xf32, #tpu.memory_space<hbm>> -> memref<128x16xf32, #tpu.memory_space<hbm>>
      tpu.wait_dma2 semaphore(%arg17 : memref<!tpu.dma_semaphore, #tpu.memory_space<semaphore_mem>>) src(%dma_wait3A_107 : memref<128x16xf32, #tpu.memory_space<hbm>>) dst(%arg10 : memref<128x16xf32, #tpu.memory_space<vmem>>)
      %dma_start3A_108 = arith.constant 0 : i32
      %dma_start3A_109 = tpu.memref_slice %arg7[%add3A_101, %dma_start3A_108] : memref<80x128xi32, #tpu.memory_space<vmem>> -> memref<1x128xi32, #tpu.memory_space<vmem>>
      %dma_start3A_110 = tpu.memref_squeeze %dma_start3A_109 : memref<1x128xi32, #tpu.memory_space<vmem>> -> memref<128xi32, #tpu.memory_space<vmem>>
      %dma_start3A_111 = arith.constant 0 : i32
      %dma_start3A_112 = arith.constant 0 : i32
      %dma_start3A_113 = tpu.memref_slice %arg13[%dma_start3A_111, %dma_start3A_112] : memref<10112x16xf32, #tpu.memory_space<vmem_shared>> -> memref<10112x16xf32, #tpu.memory_space<vmem_shared>>
      tpu.enqueue_indirect_dma source(%arg10 : memref<128x16xf32, #tpu.memory_space<vmem>>) target(%dma_start3A_113 : memref<10112x16xf32, #tpu.memory_space<vmem_shared>>) offsets(%dma_start3A_110 : memref<128xi32, #tpu.memory_space<vmem>>) semaphore(%arg21 : memref<!tpu.dma_semaphore, #tpu.memory_space<semaphore_mem>>) {add = true}
      %mul3A_114 = arith.constant 4 : i32
      %mul3A_115 = arith.muli %while3A_66, %mul3A_114 : i32
      %add3A_116 = arith.constant 3 : i32
      %add3A_117 = arith.addi %mul3A_115, %add3A_116 : i32
      %dma_wait3A_118 = arith.constant 0 : i32
      %dma_wait3A_119 = arith.constant 0 : i32
      %dma_wait3A_120 = tpu.memref_slice %arg2[%dma_wait3A_118, %dma_wait3A_119] : memref<10000x16xf32, #tpu.memory_space<hbm>> -> memref<128x16xf32, #tpu.memory_space<hbm>>
      %dma_wait3A_121 = arith.constant 0 : i32
      %dma_wait3A_122 = arith.constant 0 : i32
      %dma_wait3A_123 = tpu.memref_slice %arg2[%dma_wait3A_121, %dma_wait3A_122] : memref<10000x16xf32, #tpu.memory_space<hbm>> -> memref<128x16xf32, #tpu.memory_space<hbm>>
      tpu.wait_dma2 semaphore(%arg18 : memref<!tpu.dma_semaphore, #tpu.memory_space<semaphore_mem>>) src(%dma_wait3A_123 : memref<128x16xf32, #tpu.memory_space<hbm>>) dst(%arg11 : memref<128x16xf32, #tpu.memory_space<vmem>>)
      %dma_start3A_124 = arith.constant 0 : i32
      %dma_start3A_125 = tpu.memref_slice %arg7[%add3A_117, %dma_start3A_124] : memref<80x128xi32, #tpu.memory_space<vmem>> -> memref<1x128xi32, #tpu.memory_space<vmem>>
      %dma_start3A_126 = tpu.memref_squeeze %dma_start3A_125 : memref<1x128xi32, #tpu.memory_space<vmem>> -> memref<128xi32, #tpu.memory_space<vmem>>
      %dma_start3A_127 = arith.constant 0 : i32
      %dma_start3A_128 = arith.constant 0 : i32
      %dma_start3A_129 = tpu.memref_slice %arg13[%dma_start3A_127, %dma_start3A_128] : memref<10112x16xf32, #tpu.memory_space<vmem_shared>> -> memref<10112x16xf32, #tpu.memory_space<vmem_shared>>
      tpu.enqueue_indirect_dma source(%arg11 : memref<128x16xf32, #tpu.memory_space<vmem>>) target(%dma_start3A_129 : memref<10112x16xf32, #tpu.memory_space<vmem_shared>>) offsets(%dma_start3A_126 : memref<128xi32, #tpu.memory_space<vmem>>) semaphore(%arg22 : memref<!tpu.dma_semaphore, #tpu.memory_space<semaphore_mem>>) {add = true}
      %dma_wait3A_130 = arith.constant 0 : i32
      %dma_wait3A_131 = arith.constant 0 : i32
      %dma_wait3A_132 = tpu.memref_slice %arg2[%dma_wait3A_130, %dma_wait3A_131] : memref<10000x16xf32, #tpu.memory_space<hbm>> -> memref<128x16xf32, #tpu.memory_space<hbm>>
      %dma_wait3A_133 = arith.constant 0 : i32
      %dma_wait3A_134 = arith.constant 0 : i32
      %dma_wait3A_135 = tpu.memref_slice %arg2[%dma_wait3A_133, %dma_wait3A_134] : memref<10000x16xf32, #tpu.memory_space<hbm>> -> memref<128x16xf32, #tpu.memory_space<hbm>>
      tpu.wait_dma2 semaphore(%arg19 : memref<!tpu.dma_semaphore, #tpu.memory_space<semaphore_mem>>) src(%dma_wait3A_135 : memref<128x16xf32, #tpu.memory_space<hbm>>) dst(%arg8 : memref<128x16xf32, #tpu.memory_space<vmem>>)
      %sub3A = arith.constant 1 : i32
      %sub3A_136 = arith.subi %select_n3A_15, %sub3A : i32
      %lt3A_137 = arith.cmpi slt, %while3A_66, %sub3A_136 : i32
      %convert_element_type3A_138 = arith.extui %lt3A_137 : i1 to i32
      %cond3A_139 = arith.constant 0 : i32
      %cond3A_140 = arith.cmpi ne, %convert_element_type3A_138, %cond3A_139 : i32
      scf.if %cond3A_140 {
        %add3A_177 = arith.constant 1 : i32
        %add3A_178 = arith.addi %while3A_66, %add3A_177 : i32
        %mul3A_179 = arith.constant 4 : i32
        %mul3A_180 = arith.muli %add3A_178, %mul3A_179 : i32
        %add3A_181 = arith.constant 0 : i32
        %add3A_182 = arith.addi %mul3A_180, %add3A_181 : i32
        %dma_start3A_183 = arith.constant 0 : i32
        %dma_start3A_184 = tpu.memref_slice %arg6[%add3A_182, %dma_start3A_183] : memref<80x128xi32, #tpu.memory_space<vmem>> -> memref<1x128xi32, #tpu.memory_space<vmem>>
        %dma_start3A_185 = tpu.memref_squeeze %dma_start3A_184 : memref<1x128xi32, #tpu.memory_space<vmem>> -> memref<128xi32, #tpu.memory_space<vmem>>
        %dma_start3A_186 = arith.constant 0 : i32
        %dma_start3A_187 = arith.constant 0 : i32
        %dma_start3A_188 = tpu.memref_slice %arg14[%dma_start3A_186, %dma_start3A_187] : memref<10112x16xf32, #tpu.memory_space<vmem_shared>> -> memref<10112x16xf32, #tpu.memory_space<vmem_shared>>
        tpu.enqueue_indirect_dma source(%dma_start3A_188 : memref<10112x16xf32, #tpu.memory_space<vmem_shared>>) target(%arg8 : memref<128x16xf32, #tpu.memory_space<vmem>>) offsets(%dma_start3A_185 : memref<128xi32, #tpu.memory_space<vmem>>) semaphore(%arg15 : memref<!tpu.dma_semaphore, #tpu.memory_space<semaphore_mem>>)
      } else {
      }
      %dma_wait3A_141 = arith.constant 0 : i32
      %dma_wait3A_142 = arith.constant 0 : i32
      %dma_wait3A_143 = tpu.memref_slice %arg2[%dma_wait3A_141, %dma_wait3A_142] : memref<10000x16xf32, #tpu.memory_space<hbm>> -> memref<128x16xf32, #tpu.memory_space<hbm>>
      %dma_wait3A_144 = arith.constant 0 : i32
      %dma_wait3A_145 = arith.constant 0 : i32
      %dma_wait3A_146 = tpu.memref_slice %arg2[%dma_wait3A_144, %dma_wait3A_145] : memref<10000x16xf32, #tpu.memory_space<hbm>> -> memref<128x16xf32, #tpu.memory_space<hbm>>
      tpu.wait_dma2 semaphore(%arg20 : memref<!tpu.dma_semaphore, #tpu.memory_space<semaphore_mem>>) src(%dma_wait3A_146 : memref<128x16xf32, #tpu.memory_space<hbm>>) dst(%arg9 : memref<128x16xf32, #tpu.memory_space<vmem>>)
      %sub3A_147 = arith.constant 1 : i32
      %sub3A_148 = arith.subi %select_n3A_15, %sub3A_147 : i32
      %lt3A_149 = arith.cmpi slt, %while3A_66, %sub3A_148 : i32
      %convert_element_type3A_150 = arith.extui %lt3A_149 : i1 to i32
      %cond3A_151 = arith.constant 0 : i32
      %cond3A_152 = arith.cmpi ne, %convert_element_type3A_150, %cond3A_151 : i32
      scf.if %cond3A_152 {
        %add3A_177 = arith.constant 1 : i32
        %add3A_178 = arith.addi %while3A_66, %add3A_177 : i32
        %mul3A_179 = arith.constant 4 : i32
        %mul3A_180 = arith.muli %add3A_178, %mul3A_179 : i32
        %add3A_181 = arith.constant 1 : i32
        %add3A_182 = arith.addi %mul3A_180, %add3A_181 : i32
        %dma_start3A_183 = arith.constant 0 : i32
        %dma_start3A_184 = tpu.memref_slice %arg6[%add3A_182, %dma_start3A_183] : memref<80x128xi32, #tpu.memory_space<vmem>> -> memref<1x128xi32, #tpu.memory_space<vmem>>
        %dma_start3A_185 = tpu.memref_squeeze %dma_start3A_184 : memref<1x128xi32, #tpu.memory_space<vmem>> -> memref<128xi32, #tpu.memory_space<vmem>>
        %dma_start3A_186 = arith.constant 0 : i32
        %dma_start3A_187 = arith.constant 0 : i32
        %dma_start3A_188 = tpu.memref_slice %arg14[%dma_start3A_186, %dma_start3A_187] : memref<10112x16xf32, #tpu.memory_space<vmem_shared>> -> memref<10112x16xf32, #tpu.memory_space<vmem_shared>>
        tpu.enqueue_indirect_dma source(%dma_start3A_188 : memref<10112x16xf32, #tpu.memory_space<vmem_shared>>) target(%arg9 : memref<128x16xf32, #tpu.memory_space<vmem>>) offsets(%dma_start3A_185 : memref<128xi32, #tpu.memory_space<vmem>>) semaphore(%arg16 : memref<!tpu.dma_semaphore, #tpu.memory_space<semaphore_mem>>)
      } else {
      }
      %dma_wait3A_153 = arith.constant 0 : i32
      %dma_wait3A_154 = arith.constant 0 : i32
      %dma_wait3A_155 = tpu.memref_slice %arg2[%dma_wait3A_153, %dma_wait3A_154] : memref<10000x16xf32, #tpu.memory_space<hbm>> -> memref<128x16xf32, #tpu.memory_space<hbm>>
      %dma_wait3A_156 = arith.constant 0 : i32
      %dma_wait3A_157 = arith.constant 0 : i32
      %dma_wait3A_158 = tpu.memref_slice %arg2[%dma_wait3A_156, %dma_wait3A_157] : memref<10000x16xf32, #tpu.memory_space<hbm>> -> memref<128x16xf32, #tpu.memory_space<hbm>>
      tpu.wait_dma2 semaphore(%arg21 : memref<!tpu.dma_semaphore, #tpu.memory_space<semaphore_mem>>) src(%dma_wait3A_158 : memref<128x16xf32, #tpu.memory_space<hbm>>) dst(%arg10 : memref<128x16xf32, #tpu.memory_space<vmem>>)
      %sub3A_159 = arith.constant 1 : i32
      %sub3A_160 = arith.subi %select_n3A_15, %sub3A_159 : i32
      %lt3A_161 = arith.cmpi slt, %while3A_66, %sub3A_160 : i32
      %convert_element_type3A_162 = arith.extui %lt3A_161 : i1 to i32
      %cond3A_163 = arith.constant 0 : i32
      %cond3A_164 = arith.cmpi ne, %convert_element_type3A_162, %cond3A_163 : i32
      scf.if %cond3A_164 {
        %add3A_177 = arith.constant 1 : i32
        %add3A_178 = arith.addi %while3A_66, %add3A_177 : i32
        %mul3A_179 = arith.constant 4 : i32
        %mul3A_180 = arith.muli %add3A_178, %mul3A_179 : i32
        %add3A_181 = arith.constant 2 : i32
        %add3A_182 = arith.addi %mul3A_180, %add3A_181 : i32
        %dma_start3A_183 = arith.constant 0 : i32
        %dma_start3A_184 = tpu.memref_slice %arg6[%add3A_182, %dma_start3A_183] : memref<80x128xi32, #tpu.memory_space<vmem>> -> memref<1x128xi32, #tpu.memory_space<vmem>>
        %dma_start3A_185 = tpu.memref_squeeze %dma_start3A_184 : memref<1x128xi32, #tpu.memory_space<vmem>> -> memref<128xi32, #tpu.memory_space<vmem>>
        %dma_start3A_186 = arith.constant 0 : i32
        %dma_start3A_187 = arith.constant 0 : i32
        %dma_start3A_188 = tpu.memref_slice %arg14[%dma_start3A_186, %dma_start3A_187] : memref<10112x16xf32, #tpu.memory_space<vmem_shared>> -> memref<10112x16xf32, #tpu.memory_space<vmem_shared>>
        tpu.enqueue_indirect_dma source(%dma_start3A_188 : memref<10112x16xf32, #tpu.memory_space<vmem_shared>>) target(%arg10 : memref<128x16xf32, #tpu.memory_space<vmem>>) offsets(%dma_start3A_185 : memref<128xi32, #tpu.memory_space<vmem>>) semaphore(%arg17 : memref<!tpu.dma_semaphore, #tpu.memory_space<semaphore_mem>>)
      } else {
      }
      %dma_wait3A_165 = arith.constant 0 : i32
      %dma_wait3A_166 = arith.constant 0 : i32
      %dma_wait3A_167 = tpu.memref_slice %arg2[%dma_wait3A_165, %dma_wait3A_166] : memref<10000x16xf32, #tpu.memory_space<hbm>> -> memref<128x16xf32, #tpu.memory_space<hbm>>
      %dma_wait3A_168 = arith.constant 0 : i32
      %dma_wait3A_169 = arith.constant 0 : i32
      %dma_wait3A_170 = tpu.memref_slice %arg2[%dma_wait3A_168, %dma_wait3A_169] : memref<10000x16xf32, #tpu.memory_space<hbm>> -> memref<128x16xf32, #tpu.memory_space<hbm>>
      tpu.wait_dma2 semaphore(%arg22 : memref<!tpu.dma_semaphore, #tpu.memory_space<semaphore_mem>>) src(%dma_wait3A_170 : memref<128x16xf32, #tpu.memory_space<hbm>>) dst(%arg11 : memref<128x16xf32, #tpu.memory_space<vmem>>)
      %sub3A_171 = arith.constant 1 : i32
      %sub3A_172 = arith.subi %select_n3A_15, %sub3A_171 : i32
      %lt3A_173 = arith.cmpi slt, %while3A_66, %sub3A_172 : i32
      %convert_element_type3A_174 = arith.extui %lt3A_173 : i1 to i32
      %cond3A_175 = arith.constant 0 : i32
      %cond3A_176 = arith.cmpi ne, %convert_element_type3A_174, %cond3A_175 : i32
      scf.if %cond3A_176 {
        %add3A_177 = arith.constant 1 : i32
        %add3A_178 = arith.addi %while3A_66, %add3A_177 : i32
        %mul3A_179 = arith.constant 4 : i32
        %mul3A_180 = arith.muli %add3A_178, %mul3A_179 : i32
        %add3A_181 = arith.constant 3 : i32
        %add3A_182 = arith.addi %mul3A_180, %add3A_181 : i32
        %dma_start3A_183 = arith.constant 0 : i32
        %dma_start3A_184 = tpu.memref_slice %arg6[%add3A_182, %dma_start3A_183] : memref<80x128xi32, #tpu.memory_space<vmem>> -> memref<1x128xi32, #tpu.memory_space<vmem>>
        %dma_start3A_185 = tpu.memref_squeeze %dma_start3A_184 : memref<1x128xi32, #tpu.memory_space<vmem>> -> memref<128xi32, #tpu.memory_space<vmem>>
        %dma_start3A_186 = arith.constant 0 : i32
        %dma_start3A_187 = arith.constant 0 : i32
        %dma_start3A_188 = tpu.memref_slice %arg14[%dma_start3A_186, %dma_start3A_187] : memref<10112x16xf32, #tpu.memory_space<vmem_shared>> -> memref<10112x16xf32, #tpu.memory_space<vmem_shared>>
        tpu.enqueue_indirect_dma source(%dma_start3A_188 : memref<10112x16xf32, #tpu.memory_space<vmem_shared>>) target(%arg11 : memref<128x16xf32, #tpu.memory_space<vmem>>) offsets(%dma_start3A_185 : memref<128xi32, #tpu.memory_space<vmem>>) semaphore(%arg18 : memref<!tpu.dma_semaphore, #tpu.memory_space<semaphore_mem>>)
      } else {
      }
    }
    %barrier3A_65 = arith.constant 0 : index
    tpu.barrier barrier_id(%barrier3A_65)
    "tpu.region"() ({
      %run_scoped3A = tpu.sem_alloc : memref<!tpu.dma_semaphore, #tpu.memory_space<semaphore_mem>>
      %dma_start3A_66 = arith.constant 0 : i32
      %dma_start3A_67 = tpu.memref_slice %arg13[%mul3A_0, %dma_start3A_66] : memref<10112x16xf32, #tpu.memory_space<vmem_shared>> -> memref<632x16xf32, #tpu.memory_space<vmem_shared>>
      %dma_start3A_68 = arith.constant 0 : i32
      %dma_start3A_69 = tpu.memref_slice %arg13[%mul3A_0, %dma_start3A_68] : memref<10112x16xf32, #tpu.memory_space<vmem_shared>> -> memref<632x16xf32, #tpu.memory_space<vmem_shared>>
      tpu.enqueue_dma source(%dma_start3A_69 : memref<632x16xf32, #tpu.memory_space<vmem_shared>>) target(%arg12 : memref<632x16xf32, #tpu.memory_space<vmem>>) target_semaphore(%run_scoped3A : memref<!tpu.dma_semaphore, #tpu.memory_space<semaphore_mem>>)
      %dma_wait3A = arith.constant 0 : i32
      %dma_wait3A_70 = tpu.memref_slice %arg13[%mul3A_0, %dma_wait3A] : memref<10112x16xf32, #tpu.memory_space<vmem_shared>> -> memref<632x16xf32, #tpu.memory_space<vmem_shared>>
      %dma_wait3A_71 = arith.constant 0 : i32
      %dma_wait3A_72 = tpu.memref_slice %arg13[%mul3A_0, %dma_wait3A_71] : memref<10112x16xf32, #tpu.memory_space<vmem_shared>> -> memref<632x16xf32, #tpu.memory_space<vmem_shared>>
      tpu.wait_dma2 semaphore(%run_scoped3A : memref<!tpu.dma_semaphore, #tpu.memory_space<semaphore_mem>>) src(%dma_wait3A_72 : memref<632x16xf32, #tpu.memory_space<vmem_shared>>) dst(%arg12 : memref<632x16xf32, #tpu.memory_space<vmem>>)
      tpu.yield
    }) : () -> ()
    "tpu.region"() ({
      %run_scoped3A = tpu.sem_alloc : memref<!tpu.dma_semaphore, #tpu.memory_space<semaphore_mem>>
      %dma_start3A_66 = arith.constant 0 : i32
      %dma_start3A_67 = arith.constant 0 : i32
      %dma_start3A_68 = tpu.memref_slice %arg5[%arg0, %dma_start3A_66, %dma_start3A_67] : memref<2x10112x16xf32, #tpu.memory_space<hbm>> -> memref<1x10112x16xf32, #tpu.memory_space<hbm>>
      %dma_start3A_69 = tpu.memref_squeeze %dma_start3A_68 : memref<1x10112x16xf32, #tpu.memory_space<hbm>> -> memref<10112x16xf32, #tpu.memory_space<hbm>>
      %dma_start3A_70 = arith.constant 0 : i32
      %dma_start3A_71 = tpu.memref_slice %dma_start3A_69[%mul3A_0, %dma_start3A_70] : memref<10112x16xf32, #tpu.memory_space<hbm>> -> memref<632x16xf32, #tpu.memory_space<hbm>>
      %dma_start3A_72 = arith.constant 0 : i32
      %dma_start3A_73 = arith.constant 0 : i32
      %dma_start3A_74 = tpu.memref_slice %arg5[%arg0, %dma_start3A_72, %dma_start3A_73] : memref<2x10112x16xf32, #tpu.memory_space<hbm>> -> memref<1x10112x16xf32, #tpu.memory_space<hbm>>
      %dma_start3A_75 = tpu.memref_squeeze %dma_start3A_74 : memref<1x10112x16xf32, #tpu.memory_space<hbm>> -> memref<10112x16xf32, #tpu.memory_space<hbm>>
      %dma_start3A_76 = arith.constant 0 : i32
      %dma_start3A_77 = tpu.memref_slice %dma_start3A_75[%mul3A_0, %dma_start3A_76] : memref<10112x16xf32, #tpu.memory_space<hbm>> -> memref<632x16xf32, #tpu.memory_space<hbm>>
      tpu.enqueue_dma source(%arg12 : memref<632x16xf32, #tpu.memory_space<vmem>>) target(%dma_start3A_77 : memref<632x16xf32, #tpu.memory_space<hbm>>) target_semaphore(%run_scoped3A : memref<!tpu.dma_semaphore, #tpu.memory_space<semaphore_mem>>)
      %dma_wait3A = arith.constant 0 : i32
      %dma_wait3A_78 = arith.constant 0 : i32
      %dma_wait3A_79 = tpu.memref_slice %arg5[%arg0, %dma_wait3A, %dma_wait3A_78] : memref<2x10112x16xf32, #tpu.memory_space<hbm>> -> memref<1x10112x16xf32, #tpu.memory_space<hbm>>
      %dma_wait3A_80 = tpu.memref_squeeze %dma_wait3A_79 : memref<1x10112x16xf32, #tpu.memory_space<hbm>> -> memref<10112x16xf32, #tpu.memory_space<hbm>>
      %dma_wait3A_81 = arith.constant 0 : i32
      %dma_wait3A_82 = tpu.memref_slice %dma_wait3A_80[%mul3A_0, %dma_wait3A_81] : memref<10112x16xf32, #tpu.memory_space<hbm>> -> memref<632x16xf32, #tpu.memory_space<hbm>>
      %dma_wait3A_83 = arith.constant 0 : i32
      %dma_wait3A_84 = arith.constant 0 : i32
      %dma_wait3A_85 = tpu.memref_slice %arg5[%arg0, %dma_wait3A_83, %dma_wait3A_84] : memref<2x10112x16xf32, #tpu.memory_space<hbm>> -> memref<1x10112x16xf32, #tpu.memory_space<hbm>>
      %dma_wait3A_86 = tpu.memref_squeeze %dma_wait3A_85 : memref<1x10112x16xf32, #tpu.memory_space<hbm>> -> memref<10112x16xf32, #tpu.memory_space<hbm>>
      %dma_wait3A_87 = arith.constant 0 : i32
      %dma_wait3A_88 = tpu.memref_slice %dma_wait3A_86[%mul3A_0, %dma_wait3A_87] : memref<10112x16xf32, #tpu.memory_space<hbm>> -> memref<632x16xf32, #tpu.memory_space<hbm>>
      tpu.wait_dma2 semaphore(%run_scoped3A : memref<!tpu.dma_semaphore, #tpu.memory_space<semaphore_mem>>) src(%arg12 : memref<632x16xf32, #tpu.memory_space<vmem>>) dst(%dma_wait3A_88 : memref<632x16xf32, #tpu.memory_space<hbm>>)
      tpu.yield
    }) : () -> ()
    return
  }
}

module attributes {stable_mosaic.version = 14 : i64} {
  func.func @body(%arg0: i32, %arg1: memref<2000x128xf32, #tpu.memory_space<vmem>>, %arg2: memref<128x16xf32, #tpu.memory_space<vmem>>, %arg3: memref<2x2000x1xf32, #tpu.memory_space<vmem>>, %arg4: memref<2000x16xf32, #tpu.memory_space<vmem>>, %arg5: memref<2000x1xf32, #tpu.memory_space<vmem>>) attributes {dimension_semantics = [#tpu.dimension_semantics<arbitrary>], iteration_bounds = array<i64: 5>, scalar_prefetch = 0 : i64, scratch_operands = 0 : i64, tpu.core_type = #tpu.core_type<tc>, window_params = [{transform_indices = @transform_0, window_bounds = array<i64: 2000, 128>}, {pipeline_mode = #tpu.pipeline_mode<synchronous>, transform_indices = @transform_1, window_bounds = array<i64: 128, 16>}, {transform_indices = @transform_2, window_bounds = array<i64: 2, 2000, 1>}, {transform_indices = @transform_3, window_bounds = array<i64: 2000, 16>}, {transform_indices = @transform_4, window_bounds = array<i64: 2000, 1>}]} {
    %get3A = arith.constant 0 : index
    %get3A_0 = arith.constant 0 : index
    %get3A_1 = arith.constant 0 : index
    %get3A_2 = vector.load %arg3[%get3A, %get3A_0, %get3A_1] : memref<2x2000x1xf32, #tpu.memory_space<vmem>>, vector<1x2000x1xf32>
    %get3A_3 = vector.shape_cast %get3A_2 : vector<1x2000x1xf32> to vector<2000x1xf32>
    %add3A = arith.constant 1.000000e+00 : f32
    %add3A_4 = vector.broadcast %add3A : f32 to vector<2000x1xf32>
    %add3A_5 = arith.addf %add3A_4, %get3A_3 : vector<2000x1xf32>
    %get3A_6 = arith.constant 1 : index
    %get3A_7 = arith.constant 0 : index
    %get3A_8 = arith.constant 0 : index
    %get3A_9 = vector.load %arg3[%get3A_6, %get3A_7, %get3A_8] : memref<2x2000x1xf32, #tpu.memory_space<vmem>>, vector<1x2000x1xf32>
    %get3A_10 = vector.shape_cast %get3A_9 : vector<1x2000x1xf32> to vector<2000x1xf32>
    %add3A_11 = arith.addf %add3A_5, %get3A_10 : vector<2000x1xf32>
    %rsqrt3A = math.rsqrt %add3A_11 : vector<2000x1xf32>
    %get3A_12 = arith.constant 0 : index
    %get3A_13 = arith.constant 0 : index
    %get3A_14 = vector.load %arg1[%get3A_12, %get3A_13] : memref<2000x128xf32, #tpu.memory_space<vmem>>, vector<2000x128xf32>
    %get3A_15 = arith.constant 0 : index
    %get3A_16 = arith.constant 0 : index
    %get3A_17 = vector.load %arg2[%get3A_15, %get3A_16] : memref<128x16xf32, #tpu.memory_space<vmem>>, vector<128x16xf32>
    %dot_general3A = arith.constant dense<0.000000e+00> : vector<2000x16xf32>
    %dot_general3A_18 = tpu.matmul %get3A_14, %get3A_17, %dot_general3A {dimension_numbers = #tpu.dot_dimension_numbers<[1], [0], [0], [1], [0, 0, 1, 1], [], []>, precision = #tpu.contract_precision<fp32>, transpose_lhs_hint = false} : vector<2000x128xf32>, vector<128x16xf32>, vector<2000x16xf32> -> vector<2000x16xf32>
    %swap3A = arith.constant 0 : index
    %swap3A_19 = arith.constant 0 : index
    %swap3A_20 = vector.load %arg5[%swap3A, %swap3A_19] : memref<2000x1xf32, #tpu.memory_space<vmem>>, vector<2000x1xf32>
    tpu.vector_store %arg5[%swap3A, %swap3A_19], %rsqrt3A {strides = array<i32>} : memref<2000x1xf32, #tpu.memory_space<vmem>>, vector<2000x1xf32>,
    %mul3A = vector.broadcast %rsqrt3A : vector<2000x1xf32> to vector<2000x16xf32>
    %mul3A_21 = arith.mulf %mul3A, %dot_general3A_18 : vector<2000x16xf32>
    %swap3A_22 = arith.constant 0 : index
    %swap3A_23 = arith.constant 0 : index
    %swap3A_24 = vector.load %arg4[%swap3A_22, %swap3A_23] : memref<2000x16xf32, #tpu.memory_space<vmem>>, vector<2000x16xf32>
    tpu.vector_store %arg4[%swap3A_22, %swap3A_23], %mul3A_21 {strides = array<i32>} : memref<2000x16xf32, #tpu.memory_space<vmem>>, vector<2000x16xf32>,
    return
  }
  func.func @transform_0(%arg0: i32) -> (i32, i32) {
    %c0_i32 = arith.constant 0 : i32
    %c0_i32_0 = arith.constant 0 : i32
    return %arg0, %c0_i32 : i32, i32
  }
  func.func @transform_1(%arg0: i32) -> (i32, i32) {
    %c0_i32 = arith.constant 0 : i32
    %c0_i32_0 = arith.constant 0 : i32
    %c0_i32_1 = arith.constant 0 : i32
    return %c0_i32, %c0_i32_0 : i32, i32
  }
  func.func @transform_2(%arg0: i32) -> (i32, i32, i32) {
    %c0_i32 = arith.constant 0 : i32
    %c0_i32_0 = arith.constant 0 : i32
    %c0_i32_1 = arith.constant 0 : i32
    return %c0_i32, %arg0, %c0_i32_0 : i32, i32, i32
  }
  func.func @transform_3(%arg0: i32) -> (i32, i32) {
    %c0_i32 = arith.constant 0 : i32
    %c0_i32_0 = arith.constant 0 : i32
    return %arg0, %c0_i32 : i32, i32
  }
  func.func @transform_4(%arg0: i32) -> (i32, i32) {
    %c0_i32 = arith.constant 0 : i32
    %c0_i32_0 = arith.constant 0 : i32
    return %arg0, %c0_i32 : i32, i32
  }
}

module attributes {stable_mosaic.version = 14 : i64} {
  func.func @body(%arg0: i32, %arg1: memref<2x2000x16xf32, #tpu.memory_space<vmem>>, %arg2: memref<2000x16xf32, #tpu.memory_space<vmem>>, %arg3: memref<2000x1xf32, #tpu.memory_space<vmem>>, %arg4: memref<1x16xf32, #tpu.memory_space<vmem>>, %arg5: memref<2000x16xf32, #tpu.memory_space<vmem>>) attributes {dimension_semantics = [#tpu.dimension_semantics<arbitrary>], iteration_bounds = array<i64: 5>, scalar_prefetch = 0 : i64, scratch_operands = 0 : i64, tpu.core_type = #tpu.core_type<tc>, window_params = [{transform_indices = @transform_0, window_bounds = array<i64: 2, 2000, 16>}, {transform_indices = @transform_1, window_bounds = array<i64: 2000, 16>}, {transform_indices = @transform_2, window_bounds = array<i64: 2000, 1>}, {pipeline_mode = #tpu.pipeline_mode<synchronous>, transform_indices = @transform_3, window_bounds = array<i64: 1, 16>}, {transform_indices = @transform_4, window_bounds = array<i64: 2000, 16>}]} {
    %get3A = arith.constant 0 : index
    %get3A_0 = arith.constant 0 : index
    %get3A_1 = vector.load %arg2[%get3A, %get3A_0] : memref<2000x16xf32, #tpu.memory_space<vmem>>, vector<2000x16xf32>
    %get3A_2 = arith.constant 0 : index
    %get3A_3 = arith.constant 0 : index
    %get3A_4 = arith.constant 0 : index
    %get3A_5 = vector.load %arg1[%get3A_2, %get3A_3, %get3A_4] : memref<2x2000x16xf32, #tpu.memory_space<vmem>>, vector<1x2000x16xf32>
    %get3A_6 = vector.shape_cast %get3A_5 : vector<1x2000x16xf32> to vector<2000x16xf32>
    %add3A = arith.addf %get3A_1, %get3A_6 : vector<2000x16xf32>
    %get3A_7 = arith.constant 1 : index
    %get3A_8 = arith.constant 0 : index
    %get3A_9 = arith.constant 0 : index
    %get3A_10 = vector.load %arg1[%get3A_7, %get3A_8, %get3A_9] : memref<2x2000x16xf32, #tpu.memory_space<vmem>>, vector<1x2000x16xf32>
    %get3A_11 = vector.shape_cast %get3A_10 : vector<1x2000x16xf32> to vector<2000x16xf32>
    %add3A_12 = arith.addf %add3A, %get3A_11 : vector<2000x16xf32>
    %get3A_13 = arith.constant 0 : index
    %get3A_14 = arith.constant 0 : index
    %get3A_15 = vector.load %arg3[%get3A_13, %get3A_14] : memref<2000x1xf32, #tpu.memory_space<vmem>>, vector<2000x1xf32>
    %mul3A = vector.broadcast %get3A_15 : vector<2000x1xf32> to vector<2000x16xf32>
    %mul3A_16 = arith.mulf %mul3A, %add3A_12 : vector<2000x16xf32>
    %get3A_17 = arith.constant 0 : index
    %get3A_18 = arith.constant 0 : index
    %get3A_19 = vector.load %arg4[%get3A_17, %get3A_18] : memref<1x16xf32, #tpu.memory_space<vmem>>, vector<1x16xf32>
    %add3A_20 = vector.broadcast %get3A_19 : vector<1x16xf32> to vector<2000x16xf32>
    %add3A_21 = arith.addf %mul3A_16, %add3A_20 : vector<2000x16xf32>
    %max3A = arith.constant 0.000000e+00 : f32
    %max3A_22 = vector.broadcast %max3A : f32 to vector<2000x16xf32>
    %max3A_23 = arith.maximumf %add3A_21, %max3A_22 : vector<2000x16xf32>
    %mul3A_24 = vector.broadcast %get3A_15 : vector<2000x1xf32> to vector<2000x16xf32>
    %mul3A_25 = arith.mulf %mul3A_24, %max3A_23 : vector<2000x16xf32>
    %swap3A = arith.constant 0 : index
    %swap3A_26 = arith.constant 0 : index
    %swap3A_27 = vector.load %arg5[%swap3A, %swap3A_26] : memref<2000x16xf32, #tpu.memory_space<vmem>>, vector<2000x16xf32>
    tpu.vector_store %arg5[%swap3A, %swap3A_26], %mul3A_25 {strides = array<i32>} : memref<2000x16xf32, #tpu.memory_space<vmem>>, vector<2000x16xf32>,
    return
  }
  func.func @transform_0(%arg0: i32) -> (i32, i32, i32) {
    %c0_i32 = arith.constant 0 : i32
    %c0_i32_0 = arith.constant 0 : i32
    %c0_i32_1 = arith.constant 0 : i32
    return %c0_i32, %arg0, %c0_i32_0 : i32, i32, i32
  }
  func.func @transform_1(%arg0: i32) -> (i32, i32) {
    %c0_i32 = arith.constant 0 : i32
    %c0_i32_0 = arith.constant 0 : i32
    return %arg0, %c0_i32 : i32, i32
  }
  func.func @transform_2(%arg0: i32) -> (i32, i32) {
    %c0_i32 = arith.constant 0 : i32
    %c0_i32_0 = arith.constant 0 : i32
    return %arg0, %c0_i32 : i32, i32
  }
  func.func @transform_3(%arg0: i32) -> (i32, i32) {
    %c0_i32 = arith.constant 0 : i32
    %c0_i32_0 = arith.constant 0 : i32
    %c0_i32_1 = arith.constant 0 : i32
    return %c0_i32, %c0_i32_0 : i32, i32
  }
  func.func @transform_4(%arg0: i32) -> (i32, i32) {
    %c0_i32 = arith.constant 0 : i32
    %c0_i32_0 = arith.constant 0 : i32
    return %arg0, %c0_i32 : i32, i32
  }
}

module attributes {stable_mosaic.version = 14 : i64} {
  func.func @body(%arg0: i32, %arg1: memref<2x2000x16xf32, #tpu.memory_space<vmem>>, %arg2: memref<2000x16xf32, #tpu.memory_space<vmem>>, %arg3: memref<2000x1xf32, #tpu.memory_space<vmem>>, %arg4: memref<16x2xf32, #tpu.memory_space<vmem>>, %arg5: memref<1x2xf32, #tpu.memory_space<vmem>>, %arg6: memref<2000x2xf32, #tpu.memory_space<vmem>>) attributes {dimension_semantics = [#tpu.dimension_semantics<arbitrary>], iteration_bounds = array<i64: 5>, scalar_prefetch = 0 : i64, scratch_operands = 0 : i64, tpu.core_type = #tpu.core_type<tc>, window_params = [{transform_indices = @transform_0, window_bounds = array<i64: 2, 2000, 16>}, {transform_indices = @transform_1, window_bounds = array<i64: 2000, 16>}, {transform_indices = @transform_2, window_bounds = array<i64: 2000, 1>}, {pipeline_mode = #tpu.pipeline_mode<synchronous>, transform_indices = @transform_3, window_bounds = array<i64: 16, 2>}, {pipeline_mode = #tpu.pipeline_mode<synchronous>, transform_indices = @transform_4, window_bounds = array<i64: 1, 2>}, {transform_indices = @transform_5, window_bounds = array<i64: 2000, 2>}]} {
    %get3A = arith.constant 0 : index
    %get3A_0 = arith.constant 0 : index
    %get3A_1 = vector.load %arg2[%get3A, %get3A_0] : memref<2000x16xf32, #tpu.memory_space<vmem>>, vector<2000x16xf32>
    %get3A_2 = arith.constant 0 : index
    %get3A_3 = arith.constant 0 : index
    %get3A_4 = arith.constant 0 : index
    %get3A_5 = vector.load %arg1[%get3A_2, %get3A_3, %get3A_4] : memref<2x2000x16xf32, #tpu.memory_space<vmem>>, vector<1x2000x16xf32>
    %get3A_6 = vector.shape_cast %get3A_5 : vector<1x2000x16xf32> to vector<2000x16xf32>
    %add3A = arith.addf %get3A_1, %get3A_6 : vector<2000x16xf32>
    %get3A_7 = arith.constant 1 : index
    %get3A_8 = arith.constant 0 : index
    %get3A_9 = arith.constant 0 : index
    %get3A_10 = vector.load %arg1[%get3A_7, %get3A_8, %get3A_9] : memref<2x2000x16xf32, #tpu.memory_space<vmem>>, vector<1x2000x16xf32>
    %get3A_11 = vector.shape_cast %get3A_10 : vector<1x2000x16xf32> to vector<2000x16xf32>
    %add3A_12 = arith.addf %add3A, %get3A_11 : vector<2000x16xf32>
    %get3A_13 = arith.constant 0 : index
    %get3A_14 = arith.constant 0 : index
    %get3A_15 = vector.load %arg3[%get3A_13, %get3A_14] : memref<2000x1xf32, #tpu.memory_space<vmem>>, vector<2000x1xf32>
    %mul3A = vector.broadcast %get3A_15 : vector<2000x1xf32> to vector<2000x16xf32>
    %mul3A_16 = arith.mulf %mul3A, %add3A_12 : vector<2000x16xf32>
    %get3A_17 = arith.constant 0 : index
    %get3A_18 = arith.constant 0 : index
    %get3A_19 = vector.load %arg4[%get3A_17, %get3A_18] : memref<16x2xf32, #tpu.memory_space<vmem>>, vector<16x2xf32>
    %dot_general3A = arith.constant dense<0.000000e+00> : vector<2000x2xf32>
    %dot_general3A_20 = tpu.matmul %mul3A_16, %get3A_19, %dot_general3A {dimension_numbers = #tpu.dot_dimension_numbers<[1], [0], [0], [1], [0, 0, 1, 1], [], []>, precision = #tpu.contract_precision<fp32>, transpose_lhs_hint = false} : vector<2000x16xf32>, vector<16x2xf32>, vector<2000x2xf32> -> vector<2000x2xf32>
    %get3A_21 = arith.constant 0 : index
    %get3A_22 = arith.constant 0 : index
    %get3A_23 = vector.load %arg5[%get3A_21, %get3A_22] : memref<1x2xf32, #tpu.memory_space<vmem>>, vector<1x2xf32>
    %add3A_24 = vector.broadcast %get3A_23 : vector<1x2xf32> to vector<2000x2xf32>
    %add3A_25 = arith.addf %dot_general3A_20, %add3A_24 : vector<2000x2xf32>
    %swap3A = arith.constant 0 : index
    %swap3A_26 = arith.constant 0 : index
    %swap3A_27 = vector.load %arg6[%swap3A, %swap3A_26] : memref<2000x2xf32, #tpu.memory_space<vmem>>, vector<2000x2xf32>
    tpu.vector_store %arg6[%swap3A, %swap3A_26], %add3A_25 {strides = array<i32>} : memref<2000x2xf32, #tpu.memory_space<vmem>>, vector<2000x2xf32>,
    return
  }
  func.func @transform_0(%arg0: i32) -> (i32, i32, i32) {
    %c0_i32 = arith.constant 0 : i32
    %c0_i32_0 = arith.constant 0 : i32
    %c0_i32_1 = arith.constant 0 : i32
    return %c0_i32, %arg0, %c0_i32_0 : i32, i32, i32
  }
  func.func @transform_1(%arg0: i32) -> (i32, i32) {
    %c0_i32 = arith.constant 0 : i32
    %c0_i32_0 = arith.constant 0 : i32
    return %arg0, %c0_i32 : i32, i32
  }
  func.func @transform_2(%arg0: i32) -> (i32, i32) {
    %c0_i32 = arith.constant 0 : i32
    %c0_i32_0 = arith.constant 0 : i32
    return %arg0, %c0_i32 : i32, i32
  }
  func.func @transform_3(%arg0: i32) -> (i32, i32) {
    %c0_i32 = arith.constant 0 : i32
    %c0_i32_0 = arith.constant 0 : i32
    %c0_i32_1 = arith.constant 0 : i32
    return %c0_i32, %c0_i32_0 : i32, i32
  }
  func.func @transform_4(%arg0: i32) -> (i32, i32) {
    %c0_i32 = arith.constant 0 : i32
    %c0_i32_0 = arith.constant 0 : i32
    %c0_i32_1 = arith.constant 0 : i32
    return %c0_i32, %c0_i32_0 : i32, i32
  }
  func.func @transform_5(%arg0: i32) -> (i32, i32) {
    %c0_i32 = arith.constant 0 : i32
    %c0_i32_0 = arith.constant 0 : i32
    return %arg0, %c0_i32 : i32, i32
  }
}

</mosaic_0001>

<sc_bundles>
// kernel: kernel.11.cloned.1.call-start
scs
__scs_entry_jumppad:
0x0: {  	(pc) =	sbr.rel $0x88, $3  }
0x1: {  	(tag) =	ssettag $0x0;
	lr =	simm.s32 $0x1  }
0x2: {  	[smem:$0x3F9B] =	sst lr;
	_ =	strace $0xD0000000  }
0x3: {  	_ = 	snop  }
0x4: {  	_ = 	snop  }
0x5: {  	_ = 	snop  }
0x6: {  	_ = 	snop  }
0x7: {  	_ = 	snop  }
__scs_overlays_trampoline_lowered:
0x8: {  	[smem:$0x3FAA] =	sst s0  }
0x9: {  	[smem:$0x3FAB] =	sst s1  }
0xa: {  	[smem:$0x3FAC] =	sst s2  }
0xb: {  	[smem:$0x3FAD] =	sst s3  }
0xc: {  	[smem:$0x3FAE] =	sst s4  }
0xd: {  	[smem:$0x3FAF] =	sst s5  }
0xe: {  	[smem:$0x3FB0] =	sst s6  }
0xf: {  	[smem:$0x3FB1] =	sst s7  }
0x10: {  	[smem:$0x3FB2] =	sst s8  }
0x11: {  	[smem:$0x3FB3] =	sst s9;
	s0 =	simm.s32 @!p0 $0x0  }
0x12: {  	s1 =	sld [smem:$0x3F99];
	s0 =	simm.s32 @p0 $0x1  }
0x13: {  	[smem:$0x3FB4] =	sst s0;
	s0 =	simm.s32 @!p1 $0x0  }
0x14: {  	s2 =	sld [smem:$0x3F98];
	s0 =	simm.s32 @p1 $0x1  }
0x15: {  	[smem:$0x3FB5] =	sst s0;
	s0 =	simm.s32 @!p2 $0x0  }
0x16: {  	s3 =	sld [smem:$0x3FDB];
	s0 =	simm.s32 @p2 $0x1  }
0x17: {  	s4 =	simm.s32 $0x1BF5;
	[smem:$0x3FB7] =	sst s0  }
0x18: {  	s0 =	sld [smem:$0x3F9A];
	_ =	swait.ge [sflag:s4], $0x0  }
0x19: {  	s7 =	sld [smem:$0x3F9B]  }
0x1a: {  	s8 =	sadd.s32 $0xFFFFE003, lr  }
0x1b: {  	s9 =	sadd.s32 $0xFFFFFEF7, lr;
	s5 =	simm.s32 $0xFFFFFFFF;
	p2 =	slt.u32 s8, $0xFFFFF086  }
0x1c: {  	p1 =	slt.u32 s9, $0xF7A;
	s5 =	simm.s32 @!p2 $0x0  }
0x1d: {  	s5 =	simm.s32 @p1 $0x1;
	p0 =	seq.s32 s7, s2  }
0x1e: {  	s7 =	smul.u32 @!p0 $0xF7A, s2;
	p2 =	seq.s32 @!p0 s5, $0x0  }
0x1f: {  	s9 =	smul.u32 $0xF7A, s1;
	s8 =	simm.s32 @!p0 $0x1BF5;
	p2 =	por !p2, p0  }
0x20: {  	[sflag:s8] =	ssyncset.s32 @!p0 $0xFFFFF086;
	s6 =	sadd.s32 @!p0 s3, s7;
	s7 =	simm.s32 @!p0 $0x108  }
0x21: {  	s3 =	sadd.s32 s3, s9;
	s6 =	sadd.s32 @!p0 $0x88, s6;
	s7 =	simm.s32 @p2 $0x1082  }
0x22: {  	[simem:s7], [sflag:s8] =	dma.local @!p0 [hbm:s6], $0xF7A  }
0x23: {  	s9 =	sor.u32 $0xD0000000, s2;
	s6 =	simm.s32 $0x108;
	_ =	swait.ge @!p0 [sflag:s8], $0x0  }
0x24: {  	s3 =	sadd.s32 $0x88, s3;
	s6 =	simm.s32 @!p1 $0x1082;
	[sflag:s4] =	ssyncset.s32 $0xFFFFF086  }
0x25: {  	[simem:s6], [sflag:s4] =	dma.local [hbm:s3], $0xF7A  }
0x26: {  	[smem:$0x3F9B] =	sst s1;
	(tag) =	ssettag s2;
	_ =	strace s9  }
0x27: {  	s1 =	sld [smem:$0x3FAB]  }
0x28: {  	s2 =	sld [smem:$0x3FAC]  }
0x29: {  	s4 =	sld [smem:$0x3FAE]  }
0x2a: {  	p0 =	seq.s32 s5, $0x0;
	s5 =	sld [smem:$0x3FAF]  }
0x2b: {  	s6 =	sld [smem:$0x3FB0]  }
0x2c: {  	s7 =	sld [smem:$0x3FB1]  }
0x2d: {  	s3 =	simm.s32 $0x108;
	s8 =	sld [smem:$0x3FB2]  }
0x2e: {  	s3 =	simm.s32 @!p0 $0x1082;
	s9 =	sld [smem:$0x3FB3]  }
0x2f: {  	lr =	sadd.s32 s0, s3;
	s0 =	sld [smem:$0x3FAA]  }
0x30: {  	s3 =	sld [smem:$0x3FAD]  }
0x31: {  	[smem:$0x3FB6] =	sst s10  }
0x32: {  	s10 =	sld [smem:$0x3FB4];
	_ =	sdelay $0x3  }
0x33: {  	p0 =	seq.s32 s10, $0x1;
	s10 =	sld [smem:$0x3FB6];
	_ =	sdelay $0x3  }
0x34: {  	[smem:$0x3FB6] =	sst s10  }
0x35: {  	s10 =	sld [smem:$0x3FB5];
	_ =	sdelay $0x3  }
0x36: {  	p1 =	seq.s32 s10, $0x1;
	s10 =	sld [smem:$0x3FB6];
	_ =	sdelay $0x3  }
0x37: {  	[smem:$0x3FB6] =	sst s10  }
0x38: {  	s10 =	sld [smem:$0x3FB7]  }
0x39: {  	_ = 	snop;
	(pc) =	sbr.ind lr, $3  }
0x3a: {  	_ = 	snop  }
0x3b: {  	_ = 	snop  }
0x3c: {  	p2 =	seq.s32 s10, $0x1;
	s10 =	sld [smem:$0x3FB6]  }
0x3d: {  	_ =	shalt  }
0x3e: {  	_ =	shalt  }
0x3f: {  	_ =	shalt  }
0x40: {  	_ =	shalt  }
0x41: {  	_ =	shalt  }
0x42: {  	_ =	shalt  }
0x43: {  	_ =	shalt  }
0x44: {  	_ =	shalt  }
0x45: {  	_ =	shalt  }
0x46: {  	_ =	shalt  }
0x47: {  	_ =	shalt  }
0x48: {  	_ =	shalt  }
0x49: {  	_ =	shalt  }
0x4a: {  	_ =	shalt  }
0x4b: {  	_ =	shalt  }
0x4c: {  	_ =	shalt  }
0x4d: {  	_ =	shalt  }
0x4e: {  	_ =	shalt  }
0x4f: {  	_ =	shalt  }
0x50: {  	_ =	shalt  }
0x51: {  	_ =	shalt  }
0x52: {  	_ =	shalt  }
0x53: {  	_ =	shalt  }
0x54: {  	_ =	shalt  }
0x55: {  	_ =	shalt  }
0x56: {  	_ =	shalt  }
0x57: {  	_ =	shalt  }
0x58: {  	_ =	shalt  }
0x59: {  	_ =	shalt  }
0x5a: {  	_ =	shalt  }
0x5b: {  	_ =	shalt  }
0x5c: {  	_ =	shalt  }
0x5d: {  	_ =	shalt  }
0x5e: {  	_ =	shalt  }
0x5f: {  	_ =	shalt  }
0x60: {  	_ =	shalt  }
0x61: {  	_ =	shalt  }
0x62: {  	_ =	shalt  }
0x63: {  	_ =	shalt  }
0x64: {  	_ =	shalt  }
0x65: {  	_ =	shalt  }
0x66: {  	_ =	shalt  }
0x67: {  	_ =	shalt  }
0x68: {  	_ =	shalt  }
0x69: {  	_ =	shalt  }
0x6a: {  	_ =	shalt  }
0x6b: {  	_ =	shalt  }
0x6c: {  	_ =	shalt  }
0x6d: {  	_ =	shalt  }
0x6e: {  	_ =	shalt  }
0x6f: {  	_ =	shalt  }
0x70: {  	_ =	shalt  }
0x71: {  	_ =	shalt  }
0x72: {  	_ =	shalt  }
0x73: {  	_ =	shalt  }
0x74: {  	_ =	shalt  }
0x75: {  	_ =	shalt  }
0x76: {  	_ =	shalt  }
0x77: {  	_ =	shalt  }
0x78: {  	_ =	shalt  }
0x79: {  	_ =	shalt  }
0x7a: {  	_ =	shalt  }
0x7b: {  	_ =	shalt  }
0x7c: {  	_ =	shalt  }
0x7d: {  	_ =	shalt  }
0x7e: {  	_ =	shalt  }
0x7f: {  	_ =	shalt  }
0x80: {  	_ =	shalt  }
0x81: {  	_ =	shalt  }
0x82: {  	_ =	shalt  }
0x83: {  	_ =	shalt  }
0x84: {  	_ =	shalt  }
0x85: {  	_ =	shalt  }
0x86: {  	_ =	shalt  }
0x87: {  	_ =	shalt  }
.Lfunc_end0:
.L_simem_size_0:
called_computation.1_lowered:
.L_overlay_start_0:
0x88: {  	s2 =	sld [smem:$0x3FD9]  }
0x89: {  	s3 =	sld [smem:$0x3FFE];
	_ =	sdelay $0x1  }
0x8a: {  	s1 =	srdreg.scid  }
0x8b: {  	s0 =	sand.u32 $0x1, s1  }
0x8c: {  	s16 =	sshll.u32 s0, $0xA;
	s2 =	sadd.s32 s3, s2  }
0x8d: {  	s2 =	sadd.s32 s2, s16  }
0x8e: {  	[smem:$0x3FC2] =	sst s2  }
0x8f: {  	_ = 	snop  }
0x90: {  	(tm) =	ssettm $0x1  }
0x91: {  	s17 =	sld [smem:$0x3FFB];
	_ =	sdelay $0x3  }
0x92: {  	_ =	strace s17  }
0x93: {  	s2 =	sld [smem:$0x3FFC];
	_ =	sdelay $0x3  }
0x94: {  	_ =	strace s2  }
0x95: {  	s2 =	sld [smem:$0x3FFD];
	_ =	sdelay $0x3  }
0x96: {  	_ =	strace s2  }
0x97: {  	_ =	strace $0x8FFFFFFF  }
0x98: {  	s18 =	sld [smem:$0x3FDB];
	_ =	sdelay $0x1  }
0x99: {  	s19 =	simm.s32 $_scs_section_size  }
0x9a: {  	s4 =	simm.s32 $_size__tile_overlayer_lowered;
	s5 =	simm.s32 $_tile_overlayer_lowered  }
0x9b: {  	s22 =	simm.s32 $0x1BFF;
	s21 =	sshll.u32 s5, $0x1;
	s2 =	sadd.s32 s19, s18  }
0x9c: {  	s6 =	simm.s32 $0x0;
	s20 =	sshll.u32 s4, $0x1;
	s4 =	sadd.s32 s21, s2  }
0x9d: {  	[timem:s6], [sflag:s22] =	dma.local [hbm:s4], s20  }
0x9e: {  	_ =	swait.ge [sflag:s22], s20  }
0x9f: {  	s3 =	ssub.s32 $0x0, s20;
	[sflag:s22] =	ssyncset.done $0x0  }
0xa0: {  	[sflag:s22] =	ssyncadd.s32 s3;
	_ =	sdelay $0x1  }
0xa1: {  	s23 =	simm.s32 $0x1B8B  }
0xa2: {  	_ =	swait.ge [sflag:s23], $0x1  }
0xa3: {  	[sflag:s23] =	ssyncset.done $0x0  }
0xa4: {  	s25 =	simm.s32 $0x1B8E;
	s24 =	sld [smem:$0x3FFE];
	[sflag:s23] =	ssyncadd.s32 $0xFFFFFFFF  }
0xa5: {  	s26 =	simm.s32 $execute0_lowered;
	[smem:$0x3FD2] =	sst s25  }
0xa6: {  	s4 =	sshll.u32 s26, $0x1;
	_ =	strace $0x80000049;
	[dreg:$0x1] =	wrdreg $0xFFFFFFFF  }
0xa7: {  	s28 =	simm.s32 $_size_execute0_lowered;
	s2 =	sadd.s32 s2, s4;
	[dreg:$0x0] =	wrdreg $0x0  }
0xa8: {  	s4 =	sshll.u32 s28, $0x1;
	[dreg:$0x2] =	wrdreg s2  }
0xa9: {  	[dreg:$0x3] =	wrdreg s4  }
0xaa: {  	[dreg:$0x4] =	wrdreg $0xC0  }
0xab: {  	_ =	task [dreg:s6], $0x5FFFF  }
0xac: {  	[dreg:$0x1] =	wrdreg $0xFFFFFFFF  }
0xad: {  	[dreg:$0x0] =	wrdreg $0x60  }
0xae: {  	[dreg:$0x2] =	wrdreg s24  }
0xaf: {  	[dreg:$0x3] =	wrdreg $0xBF000  }
0xb0: {  	[dreg:$0x4] =	wrdreg $0x97800  }
0xb1: {  	[dreg:$0x5] =	wrdreg $0x9  }
0xb2: {  	_ =	task.clear_ibuf [dreg:s6], $0x6FFFF;
	_ =	strace $0x90000049  }
0xb3: {  	s29 =	simm.s32 $0x9;
	_ =	strace $0x8000004B  }
0xb4: {  	_ =	swait.ge [sflag:s29], $0x1  }
0xb5: {  	[sflag:s29] =	ssyncadd.s32 $0xFFFFFFFF  }
0xb6: {  	_ =	strace $0x9000004B  }
0xb7: {  	_ =	sfence  }
0xb8: {  	s30 =	sld [smem:$0x0];
	_ =	sdelay $0x2  }
0xb9: {  	s31 =	sshll.u32 s1, $0xD;
	s1 =	sshrl.u32 s1, $0x2  }
0xba: {  	s3 =	sand.u32 $0x4000, s31;
	s1 =	sadd.s32 s1, s30  }
0xbb: {  	s0 =	sor.u32 s3, s0;
	s1 =	sshll.u32 s1, $0x11  }
0xbc: {  	s0 =	sor.u32 s1, s0  }
0xbd: {  	s0 =	sadd.s32 $0x8F2B, s0  }
0xbe: {  	[sflag:s0] =	ssyncadd.remote.s32 $0x1  }
0xbf: {  	_ =	sfence.sel $0xFFFF  }
0xc0: {  	[dreg:$0x0] =	wrdreg $0xFFFFFFFF;
	(pc) =	sbr.abs _section_cstart, $3  }
0xc1: {  	[dreg:$0x1] =	wrdreg $0xFFFFFFFF  }
0xc2: {  	_ =	task.clear_ibuf [dreg:s6], $0x2FFFF;
	_ =	strace $0x9FFFFFFF  }
0xc3: {  	(tm) =	ssettm $0x7FFFFFFF  }
tec
execute0_lowered:
.L_overlay_start_1:
0x0: {  	(tag) =	ssettag $0x1  }
0x1: {  	s0 =	rddreg [dreg:$0x0]  }
0x2: {  	s2 =	rddreg [dreg:$0x1]  }
0x3: {  	s3 =	rddreg [dreg:$0x2]  }
0x4: {  	s13 =	stileid.u32;
	s1 =	srdreg.scid;
	s5 =	simm.s32 $0x0  }
0x5: {  	s14 =	simm.s32 $0x9;
	s16 =	simm.s32 $0x80;
	s17 =	simm.s32 $0x5000  }
0x6: {  	s18 =	simm.s32 $0x5800;
	s20 =	simm.s32 $0x6000;
	s22 =	simm.s32 $0x6800  }
0x7: {  	s23 =	simm.s32 $0x1;
	s28 =	simm.s32 $0x4;
	s29 =	simm.s32 $0x5  }
0x8: {  	s30 =	simm.s32 $0x6;
	s31 =	simm.s32 $0x7;
	s4 =	smul.u32 $0x2800, s13  }
0x9: {  	s19 =	simm.s32 $0x4F80;
	s21 =	simm.s32 $0x0;
	s9 =	smul.u32 $0x2780, s13  }
0xa: {  	s1 =	sand.u32 $0x1, s1;
	[smem:$0x7FF] =	sst s5;
	s8 =	sadd.s32 $0x25080, s2  }
0xb: {  	p0 =	seq.s32 s1, $0x0;
	_ =	strace $0x8000004A;
	s25 =	smul.u32 $0x4F00, s1  }
0xc: {  	s1 =	ssub.s32 $0x2, s1;
	s5 =	sadd.s32 $0x28000, s4;
	s15 =	sshrl.u32 s9, $0x3  }
0xd: {  	s7 =	sshrl.u32 s1, $0x1;
	s5 =	smov.u32 @p0 s4;
	s6 =	sadd.s32 s15, s0  }
0xe: {  	s12 =	sadd.s32 s25, s0;
	s1 =	ssub.s32 s1, s7;
	s7 =	sadd.s32 $0x1B610, s0  }
0xf: {  	p0 =	seq.s32 s13, $0xF;
	s13 =	simm.s32 $0x7000;
	s25 =	simm.s32 $0x2  }
0x10: {  	s4 =	sshrl.u32 s5, $0x3;
	s5 =	sadd.s32 $0x16C00, s6;
	s6 =	sadd.s32 s9, s2  }
0x11: {  	s9 =	sadd.s32 s9, s3;
	s26 =	sadd.s32 $0x1BC00, s12;
	s12 =	smax.u32 s1, $0x1  }
0x12: {  	s4 =	sadd.s32 s4, s0;
	s24 =	sadd.s32 s15, s26;
	s26 =	simm.s32 $0x3  }
0x13: {  	v0 =	vimm.f32 $0.0e+00;
	s0 =	simm.s32 $0x8;
	s10 =	sadd.s32 $0xC600, s4;
	s11 =	sadd.s32 $0x1600, s4  }
.LBB2_1:
0x14: {  	s1 =	simm.s32 @p0 $0x0;
	s4 =	simm.s32 @p0 $0x7000  }
0x15: {  	[tilespmem:s4], [sflag:$0x9] =	stream.linear.gather @p0 [hbm4b:s7+s1], $0x2080, $0x38;
	[tilespmem:$0xE680] =	vst v63  }
0x16: {  	s1 =	simm.s32 @p0 $0x9  }
0x17: {  	_ =	swait.ge @p0 [sflag:s1], $0x2080  }
0x18: {  	[sflag:s1] =	ssyncset.done @p0 $0x0  }
0x19: {  	[sflag:s1] =	ssyncadd.s32 @p0 $0xFFFFDF80  }
0x1a: {  	[spmem:s8] =	stream.linear.scatter @p0 [tilespmem:s4], [sflag:$0x9], $0x2080, $0x38;
	[tilespmem:$0xE680] =	vst v63  }
0x1b: {  	_ =	swait.ge @p0 [sflag:s1], $0x2080  }
0x1c: {  	[sflag:s1] =	ssyncset.done @p0 $0x0  }
0x1d: {  	s4 =	simm.s32 @!p0 $0x7000;
	[sflag:s1] =	ssyncadd.s32 @p0 $0xFFFFDF80;
	s1 =	simm.s32 @!p0 $0x0  }
0x1e: {  	[tilespmem:s4], [sflag:$0x9] =	stream.linear.gather @!p0 [hbm4b:s5+s1], $0x2780, $0x38;
	[tilespmem:$0xE680] =	vst v63  }
0x1f: {  	s1 =	simm.s32 @!p0 $0x9  }
0x20: {  	_ =	swait.ge @!p0 [sflag:s1], $0x2780  }
0x21: {  	[sflag:s1] =	ssyncset.done @!p0 $0x0  }
0x22: {  	[sflag:s1] =	ssyncadd.s32 @!p0 $0xFFFFD880  }
0x23: {  	[spmem:s6] =	stream.linear.scatter @!p0 [tilespmem:s4], [sflag:$0x9], $0x2780, $0x38;
	[tilespmem:$0xE680] =	vst v63  }
0x24: {  	_ =	swait.ge @!p0 [sflag:s1], $0x2780  }
0x25: {  	[sflag:s1] =	ssyncset.done @!p0 $0x0  }
0x26: {  	s4 =	simm.s32 $0x0;
	[sflag:s1] =	ssyncadd.s32 @!p0 $0xFFFFD880;
	s1 =	simm.s32 $0x40  }
.LBB2_2:
0x27: {  	p1 =	sne.s32 s1, $0x9DC0;
	[tilespmem:s4+$0x7000] =	vst v0;
	s4 =	smov.u32 s1;
	s1 =	sadd.s32 $0x40, s1  }
.Ltmp0:
0x28: {  	(pc) =	sbr.rel @p1 .LBB2_2-.Ltmp0, $2  }
0x29: {  	_ =	sdelay $0x2  }
0x2a: {  	s4 =	sshra.s32 s4, $0x2  }
0x2b: {  	[tilespmem:s4+$0x7000] =	vst v0  }
0x2c: {  	[spmem:s9] =	stream.linear.scatter [tilespmem:s13], [sflag:$0x9], $0x2780, $0x38;
	[tilespmem:$0xE680] =	vst v63  }
0x2d: {  	_ =	swait.ge [sflag:s14], $0x2780  }
0x2e: {  	[sflag:s14] =	ssyncset.done $0x0  }
0x2f: {  	s1 =	simm.s32 $0x0;
	[sflag:s14] =	ssyncadd.s32 $0xFFFFD880  }
0x30: {  	[tilespmem:s1], [sflag:$0x9] =	stream.linear.gather [hbm4b:s10+s1], $0x2800, $0x38;
	[tilespmem:$0xE680] =	vst v63  }
0x31: {  	_ =	swait.ge [sflag:s14], $0x2800  }
0x32: {  	[sflag:s14] =	ssyncset.done $0x0  }
0x33: {  	s15 =	simm.s32 $0x2800;
	[sflag:s14] =	ssyncadd.s32 $0xFFFFD800  }
0x34: {  	[tilespmem:s15], [sflag:$0x9] =	stream.linear.gather [hbm4b:s11+s1], $0x2800, $0x38;
	[tilespmem:$0xE680] =	vst v63  }
0x35: {  	_ =	swait.ge [sflag:s14], $0x2800  }
0x36: {  	[sflag:s14] =	ssyncset.done $0x0  }
0x37: {  	[sflag:s14] =	ssyncadd.s32 $0xFFFFD800  }
0x38: {  	[bflag:$0x0] =	sbarrier.arrive $0xFFFF  }
0x39: {  	[tilespmem:s17], [sflag:$0x1] =	stream.indirect.gather [spmem:s2], $0x10, s1, s16, $0xb8;
	[tilespmem:$0xE680] =	vst v63  }
0x3a: {  	_ = 	snop  }
0x3b: {  	[tilespmem:s18], [sflag:$0x2] =	stream.indirect.gather [spmem:s2], $0x10, s16, s16, $0xb8;
	[tilespmem:$0xE680] =	vst v63  }
0x3c: {  	s15 =	simm.s32 $0x100  }
0x3d: {  	[tilespmem:s20], [sflag:$0x3] =	stream.indirect.gather [spmem:s2], $0x10, s15, s16, $0xb8;
	[tilespmem:$0xE680] =	vst v63  }
0x3e: {  	s4 =	simm.s32 $0x180  }
0x3f: {  	[tilespmem:s22], [sflag:$0x4] =	stream.indirect.gather [spmem:s2], $0x10, s4, s16, $0xb8;
	[tilespmem:$0xE680] =	vst v63  }
0x40: {  	_ =	swait.ge [sflag:s23], $0x800  }
0x41: {  	[sflag:s23] =	ssyncset.done $0x0  }
0x42: {  	s15 =	simm.s32 $0x2800;
	[sflag:s23] =	ssyncadd.s32 $0xFFFFF800  }
0x43: {  	[spmem:s3] =	stream.indirect.scatter.add.f32 [tilespmem:s17], [sflag:$0x5], $0x10, s15, s16, $0xb8;
	[tilespmem:$0xE680] =	vst v63  }
0x44: {  	_ =	swait.ge [sflag:s25], $0x800  }
0x45: {  	[sflag:s25] =	ssyncset.done $0x0  }
0x46: {  	s4 =	simm.s32 $0x2880;
	[sflag:s25] =	ssyncadd.s32 $0xFFFFF800  }
0x47: {  	[spmem:s3] =	stream.indirect.scatter.add.f32 [tilespmem:s18], [sflag:$0x6], $0x10, s4, s16, $0xb8;
	[tilespmem:$0xE680] =	vst v63  }
0x48: {  	_ =	swait.ge [sflag:s26], $0x800  }
0x49: {  	[sflag:s26] =	ssyncset.done $0x0  }
0x4a: {  	s15 =	simm.s32 $0x2900;
	[sflag:s26] =	ssyncadd.s32 $0xFFFFF800  }
0x4b: {  	[spmem:s3] =	stream.indirect.scatter.add.f32 [tilespmem:s20], [sflag:$0x7], $0x10, s15, s16, $0xb8;
	[tilespmem:$0xE680] =	vst v63  }
0x4c: {  	_ =	swait.ge [sflag:s28], $0x800  }
0x4d: {  	[sflag:s28] =	ssyncset.done $0x0  }
0x4e: {  	s4 =	simm.s32 $0x2980;
	[sflag:s28] =	ssyncadd.s32 $0xFFFFF800  }
0x4f: {  	[spmem:s3] =	stream.indirect.scatter.add.f32 [tilespmem:s22], [sflag:$0x8], $0x10, s4, s16, $0xb8;
	[tilespmem:$0xE680] =	vst v63  }
0x50: {  	_ =	swait.ge [sflag:s29], $0x800  }
0x51: {  	[sflag:s29] =	ssyncset.done $0x0  }
0x52: {  	s15 =	simm.s32 $0x200;
	[sflag:s29] =	ssyncadd.s32 $0xFFFFF800  }
0x53: {  	[tilespmem:s17], [sflag:$0x1] =	stream.indirect.gather [spmem:s2], $0x10, s15, s16, $0xb8;
	[tilespmem:$0xE680] =	vst v63  }
0x54: {  	_ =	swait.ge [sflag:s30], $0x800  }
0x55: {  	[sflag:s30] =	ssyncset.done $0x0  }
0x56: {  	s4 =	simm.s32 $0x280;
	[sflag:s30] =	ssyncadd.s32 $0xFFFFF800  }
0x57: {  	[tilespmem:s18], [sflag:$0x2] =	stream.indirect.gather [spmem:s2], $0x10, s4, s16, $0xb8;
	[tilespmem:$0xE680] =	vst v63  }
0x58: {  	_ =	swait.ge [sflag:s31], $0x800  }
0x59: {  	[sflag:s31] =	ssyncset.done $0x0  }
0x5a: {  	s15 =	simm.s32 $0x300;
	[sflag:s31] =	ssyncadd.s32 $0xFFFFF800  }
0x5b: {  	[tilespmem:s20], [sflag:$0x3] =	stream.indirect.gather [spmem:s2], $0x10, s15, s16, $0xb8;
	[tilespmem:$0xE680] =	vst v63  }
0x5c: {  	_ =	swait.ge [sflag:s0], $0x800  }
0x5d: {  	[sflag:s0] =	ssyncset.done $0x0  }
0x5e: {  	s1 =	simm.s32 $0x800;
	s4 =	simm.s32 $0x380;
	[sflag:s0] =	ssyncadd.s32 $0xFFFFF800  }
.LBB2_4:
0x5f: {  	[tilespmem:s22], [sflag:$0x4] =	stream.indirect.gather [spmem:s2], $0x10, s4, s16, $0xb8;
	[tilespmem:$0xE680] =	vst v63  }
0x60: {  	s4 =	smov.u32 s1  }
0x61: {  	p1 =	sne.s32 s1, $0x9000;
	s1 =	sadd.s32 $0x800, s1;
	_ =	swait.ge [sflag:s23], $0x800  }
0x62: {  	s4 =	sshra.s32 s4, $0x2;
	[sflag:s23] =	ssyncset.done $0x0  }
0x63: {  	s15 =	sadd.s32 $0x2800, s4;
	[sflag:s23] =	ssyncadd.s32 $0xFFFFF800  }
0x64: {  	[spmem:s3] =	stream.indirect.scatter.add.f32 [tilespmem:s17], [sflag:$0x5], $0x10, s15, s16, $0xb8;
	[tilespmem:$0xE680] =	vst v63  }
0x65: {  	_ =	swait.ge [sflag:s25], $0x800  }
0x66: {  	[sflag:s25] =	ssyncset.done $0x0  }
0x67: {  	s15 =	sadd.s32 $0x2880, s4;
	[sflag:s25] =	ssyncadd.s32 $0xFFFFF800  }
0x68: {  	[spmem:s3] =	stream.indirect.scatter.add.f32 [tilespmem:s18], [sflag:$0x6], $0x10, s15, s16, $0xb8;
	[tilespmem:$0xE680] =	vst v63  }
0x69: {  	_ =	swait.ge [sflag:s26], $0x800  }
0x6a: {  	[sflag:s26] =	ssyncset.done $0x0  }
0x6b: {  	s15 =	sadd.s32 $0x2900, s4;
	[sflag:s26] =	ssyncadd.s32 $0xFFFFF800  }
0x6c: {  	[spmem:s3] =	stream.indirect.scatter.add.f32 [tilespmem:s20], [sflag:$0x7], $0x10, s15, s16, $0xb8;
	[tilespmem:$0xE680] =	vst v63  }
0x6d: {  	_ =	swait.ge [sflag:s28], $0x800  }
0x6e: {  	[sflag:s28] =	ssyncset.done $0x0  }
0x6f: {  	s15 =	sadd.s32 $0x2980, s4;
	[sflag:s28] =	ssyncadd.s32 $0xFFFFF800  }
0x70: {  	[spmem:s3] =	stream.indirect.scatter.add.f32 [tilespmem:s22], [sflag:$0x8], $0x10, s15, s16, $0xb8;
	[tilespmem:$0xE680] =	vst v63  }
0x71: {  	_ =	swait.ge [sflag:s29], $0x800  }
0x72: {  	[sflag:s29] =	ssyncset.done $0x0  }
0x73: {  	s15 =	sadd.s32 $0x200, s4;
	[sflag:s29] =	ssyncadd.s32 $0xFFFFF800  }
0x74: {  	[tilespmem:s17], [sflag:$0x1] =	stream.indirect.gather [spmem:s2], $0x10, s15, s16, $0xb8;
	[tilespmem:$0xE680] =	vst v63  }
0x75: {  	_ =	swait.ge [sflag:s30], $0x800  }
0x76: {  	[sflag:s30] =	ssyncset.done $0x0  }
0x77: {  	s15 =	sadd.s32 $0x280, s4;
	[sflag:s30] =	ssyncadd.s32 $0xFFFFF800  }
0x78: {  	[tilespmem:s18], [sflag:$0x2] =	stream.indirect.gather [spmem:s2], $0x10, s15, s16, $0xb8;
	[tilespmem:$0xE680] =	vst v63  }
0x79: {  	_ =	swait.ge [sflag:s31], $0x800  }
0x7a: {  	[sflag:s31] =	ssyncset.done $0x0  }
.Ltmp1:
0x7b: {  	s15 =	sadd.s32 $0x300, s4;
	[sflag:s31] =	ssyncadd.s32 $0xFFFFF800;
	(pc) =	sbr.rel @p1 .LBB2_4-.Ltmp1, $4  }
0x7c: {  	[tilespmem:s20], [sflag:$0x3] =	stream.indirect.gather [spmem:s2], $0x10, s15, s16, $0xb8;
	[tilespmem:$0xE680] =	vst v63  }
0x7d: {  	_ =	swait.ge [sflag:s0], $0x800  }
0x7e: {  	[sflag:s0] =	ssyncset.done $0x0  }
0x7f: {  	s4 =	sadd.s32 $0x380, s4;
	[sflag:s0] =	ssyncadd.s32 $0xFFFFF800  }
0x80: {  	[tilespmem:s22], [sflag:$0x4] =	stream.indirect.gather [spmem:s2], $0x10, s4, s16, $0xb8;
	[tilespmem:$0xE680] =	vst v63  }
0x81: {  	_ =	swait.ge [sflag:s23], $0x800  }
0x82: {  	[sflag:s23] =	ssyncset.done $0x0  }
0x83: {  	s1 =	simm.s32 $0x4E00;
	[sflag:s23] =	ssyncadd.s32 $0xFFFFF800  }
0x84: {  	[spmem:s3] =	stream.indirect.scatter.add.f32 [tilespmem:s17], [sflag:$0x5], $0x10, s1, s16, $0xb8;
	[tilespmem:$0xE680] =	vst v63  }
0x85: {  	_ =	swait.ge [sflag:s25], $0x800  }
0x86: {  	[sflag:s25] =	ssyncset.done $0x0  }
0x87: {  	s15 =	simm.s32 $0x4E80;
	[sflag:s25] =	ssyncadd.s32 $0xFFFFF800  }
0x88: {  	[spmem:s3] =	stream.indirect.scatter.add.f32 [tilespmem:s18], [sflag:$0x6], $0x10, s15, s16, $0xb8;
	[tilespmem:$0xE680] =	vst v63  }
0x89: {  	_ =	swait.ge [sflag:s26], $0x800  }
0x8a: {  	[sflag:s26] =	ssyncset.done $0x0  }
0x8b: {  	s4 =	simm.s32 $0x4F00;
	[sflag:s26] =	ssyncadd.s32 $0xFFFFF800  }
0x8c: {  	[spmem:s3] =	stream.indirect.scatter.add.f32 [tilespmem:s20], [sflag:$0x7], $0x10, s4, s16, $0xb8;
	[tilespmem:$0xE680] =	vst v63  }
0x8d: {  	_ =	swait.ge [sflag:s28], $0x800  }
0x8e: {  	[sflag:s28] =	ssyncset.done $0x0  }
0x8f: {  	[sflag:s28] =	ssyncadd.s32 $0xFFFFF800  }
0x90: {  	[spmem:s3] =	stream.indirect.scatter.add.f32 [tilespmem:s22], [sflag:$0x8], $0x10, s19, s16, $0xb8;
	[tilespmem:$0xE680] =	vst v63  }
0x91: {  	_ =	swait.ge [sflag:s29], $0x800  }
0x92: {  	[sflag:s29] =	ssyncset.done $0x0  }
0x93: {  	[sflag:s29] =	ssyncadd.s32 $0xFFFFF800  }
0x94: {  	_ =	swait.ge [sflag:s30], $0x800  }
0x95: {  	[sflag:s30] =	ssyncset.done $0x0  }
0x96: {  	[sflag:s30] =	ssyncadd.s32 $0xFFFFF800  }
0x97: {  	_ =	swait.ge [sflag:s31], $0x800  }
0x98: {  	[sflag:s31] =	ssyncset.done $0x0  }
0x99: {  	[sflag:s31] =	ssyncadd.s32 $0xFFFFF800  }
0x9a: {  	_ =	swait.ge [sflag:s0], $0x800  }
0x9b: {  	[sflag:s0] =	ssyncset.done $0x0  }
0x9c: {  	[sflag:s0] =	ssyncadd.s32 $0xFFFFF800  }
0x9d: {  	[bflag:$0x0] =	sbarrier.arrive $0xFFFF  }
0x9e: {  	[tilespmem:s13], [sflag:$0x9] =	stream.linear.gather [spmem:s9], $0x2780, $0x38;
	[tilespmem:$0xE680] =	vst v63  }
0x9f: {  	s21 =	sadd.s32 $0x1, s21;
	_ =	swait.ge [sflag:s14], $0x2780  }
0xa0: {  	p1 =	sne.s32 s21, s12;
	[sflag:s14] =	ssyncset.done $0x0  }
.Ltmp2:
0xa1: {  	s15 =	simm.s32 $0x0;
	[sflag:s14] =	ssyncadd.s32 $0xFFFFD880;
	(pc) =	sbr.rel @p1 .LBB2_1-.Ltmp2, $4  }
0xa2: {  	[hbm4b:s24+s15] =	stream.linear.scatter [tilespmem:s13], [sflag:$0x9], $0x2780, $0x38;
	[tilespmem:$0xE680] =	vst v63  }
0xa3: {  	_ =	swait.ge [sflag:s14], $0x2780  }
0xa4: {  	[sflag:s14] =	ssyncset.done $0x0  }
0xa5: {  	[sflag:s14] =	ssyncadd.s32 $0xFFFFD880  }
0xa6: {  	_ =	sfence.sel $0x180000  }
0xa7: {  	[bflag:$0x0] =	sbarrier.arrive $0xFFFF  }
0xa8: {  	_ =	strace $0x9000004A  }
0xa9: {  	s0 =	stileid.u32;
	[bflag:$0x2] =	sbarrier.arrive $0xFFFF  }
0xaa: {  	p0 =	sne.s32 s0, $0x0;
	s0 =	rddreg [dreg:$0x3]  }
0xab: {  	s0 =	sadd.s32 @!p0 $0x100000, s0  }
0xac: {  	[sflag:s0] =	ssyncadd.tile.s32 @!p0 $0x1;
	_ =	shalt  }
.Lfunc_end2:
_tile_overlayer_lowered:
.L_overlay_start_2:
0xad: {  	(tag) =	ssettag $0x2  }
0xae: {  	s0 =	rddreg [dreg:$0x0];
	s2 =	stileid.u32  }
0xaf: {  	s1 =	rddreg [dreg:$0x1];
	p0 =	sne.s32 s2, $0x0  }
0xb0: {  	s3 =	rddreg [dreg:$0x2];
	[bflag:$0x3] =	sbarrier.arrive $0xFFFF;
	s2 =	simm.s32 @!p0 $0x1C09  }
0xb1: {  	[timem:s3], [sflag:s2] =	dma.local @!p0 [hbm:s0], s1  }
0xb2: {  	s0 =	simm.s32 @!p0 $0x9  }
0xb3: {  	_ =	swait.ge @!p0 [sflag:s0], s1  }
0xb4: {  	s1 =	ssub.s32 @!p0 $0x0, s1;
	[sflag:s0] =	ssyncset.done @!p0 $0x0  }
0xb5: {  	[sflag:s0] =	ssyncadd.s32 @!p0 s1  }
0xb6: {  	[bflag:$0x3] =	sbarrier.arrive $0xFFFF  }
0xb7: {  	_ =	shalt  }

// kernel: kernel.14.cloned.1.call-start
scs
__scs_entry_jumppad:
0x0: {  	(pc) =	sbr.rel $0x88, $3  }
0x1: {  	(tag) =	ssettag $0x0;
	lr =	simm.s32 $0x1  }
0x2: {  	[smem:$0x3F9B] =	sst lr;
	_ =	strace $0xD0000000  }
0x3: {  	_ = 	snop  }
0x4: {  	_ = 	snop  }
0x5: {  	_ = 	snop  }
0x6: {  	_ = 	snop  }
0x7: {  	_ = 	snop  }
__scs_overlays_trampoline_lowered:
0x8: {  	[smem:$0x3FAA] =	sst s0  }
0x9: {  	[smem:$0x3FAB] =	sst s1  }
0xa: {  	[smem:$0x3FAC] =	sst s2  }
0xb: {  	[smem:$0x3FAD] =	sst s3  }
0xc: {  	[smem:$0x3FAE] =	sst s4  }
0xd: {  	[smem:$0x3FAF] =	sst s5  }
0xe: {  	[smem:$0x3FB0] =	sst s6  }
0xf: {  	[smem:$0x3FB1] =	sst s7  }
0x10: {  	[smem:$0x3FB2] =	sst s8  }
0x11: {  	[smem:$0x3FB3] =	sst s9;
	s0 =	simm.s32 @!p0 $0x0  }
0x12: {  	s1 =	sld [smem:$0x3F99];
	s0 =	simm.s32 @p0 $0x1  }
0x13: {  	[smem:$0x3FB4] =	sst s0;
	s0 =	simm.s32 @!p1 $0x0  }
0x14: {  	s2 =	sld [smem:$0x3F98];
	s0 =	simm.s32 @p1 $0x1  }
0x15: {  	[smem:$0x3FB5] =	sst s0;
	s0 =	simm.s32 @!p2 $0x0  }
0x16: {  	s3 =	sld [smem:$0x3FDB];
	s0 =	simm.s32 @p2 $0x1  }
0x17: {  	s4 =	simm.s32 $0x1BF5;
	[smem:$0x3FB7] =	sst s0  }
0x18: {  	s0 =	sld [smem:$0x3F9A];
	_ =	swait.ge [sflag:s4], $0x0  }
0x19: {  	s7 =	sld [smem:$0x3F9B]  }
0x1a: {  	s8 =	sadd.s32 $0xFFFFE003, lr  }
0x1b: {  	s9 =	sadd.s32 $0xFFFFFEF7, lr;
	s5 =	simm.s32 $0xFFFFFFFF;
	p2 =	slt.u32 s8, $0xFFFFF086  }
0x1c: {  	p1 =	slt.u32 s9, $0xF7A;
	s5 =	simm.s32 @!p2 $0x0  }
0x1d: {  	s5 =	simm.s32 @p1 $0x1;
	p0 =	seq.s32 s7, s2  }
0x1e: {  	s7 =	smul.u32 @!p0 $0xF7A, s2;
	p2 =	seq.s32 @!p0 s5, $0x0  }
0x1f: {  	s9 =	smul.u32 $0xF7A, s1;
	s8 =	simm.s32 @!p0 $0x1BF5;
	p2 =	por !p2, p0  }
0x20: {  	[sflag:s8] =	ssyncset.s32 @!p0 $0xFFFFF086;
	s6 =	sadd.s32 @!p0 s3, s7;
	s7 =	simm.s32 @!p0 $0x108  }
0x21: {  	s3 =	sadd.s32 s3, s9;
	s6 =	sadd.s32 @!p0 $0x88, s6;
	s7 =	simm.s32 @p2 $0x1082  }
0x22: {  	[simem:s7], [sflag:s8] =	dma.local @!p0 [hbm:s6], $0xF7A  }
0x23: {  	s9 =	sor.u32 $0xD0000000, s2;
	s6 =	simm.s32 $0x108;
	_ =	swait.ge @!p0 [sflag:s8], $0x0  }
0x24: {  	s3 =	sadd.s32 $0x88, s3;
	s6 =	simm.s32 @!p1 $0x1082;
	[sflag:s4] =	ssyncset.s32 $0xFFFFF086  }
0x25: {  	[simem:s6], [sflag:s4] =	dma.local [hbm:s3], $0xF7A  }
0x26: {  	[smem:$0x3F9B] =	sst s1;
	(tag) =	ssettag s2;
	_ =	strace s9  }
0x27: {  	s1 =	sld [smem:$0x3FAB]  }
0x28: {  	s2 =	sld [smem:$0x3FAC]  }
0x29: {  	s4 =	sld [smem:$0x3FAE]  }
0x2a: {  	p0 =	seq.s32 s5, $0x0;
	s5 =	sld [smem:$0x3FAF]  }
0x2b: {  	s6 =	sld [smem:$0x3FB0]  }
0x2c: {  	s7 =	sld [smem:$0x3FB1]  }
0x2d: {  	s3 =	simm.s32 $0x108;
	s8 =	sld [smem:$0x3FB2]  }
0x2e: {  	s3 =	simm.s32 @!p0 $0x1082;
	s9 =	sld [smem:$0x3FB3]  }
0x2f: {  	lr =	sadd.s32 s0, s3;
	s0 =	sld [smem:$0x3FAA]  }
0x30: {  	s3 =	sld [smem:$0x3FAD]  }
0x31: {  	[smem:$0x3FB6] =	sst s10  }
0x32: {  	s10 =	sld [smem:$0x3FB4];
	_ =	sdelay $0x3  }
0x33: {  	p0 =	seq.s32 s10, $0x1;
	s10 =	sld [smem:$0x3FB6];
	_ =	sdelay $0x3  }
0x34: {  	[smem:$0x3FB6] =	sst s10  }
0x35: {  	s10 =	sld [smem:$0x3FB5];
	_ =	sdelay $0x3  }
0x36: {  	p1 =	seq.s32 s10, $0x1;
	s10 =	sld [smem:$0x3FB6];
	_ =	sdelay $0x3  }
0x37: {  	[smem:$0x3FB6] =	sst s10  }
0x38: {  	s10 =	sld [smem:$0x3FB7]  }
0x39: {  	_ = 	snop;
	(pc) =	sbr.ind lr, $3  }
0x3a: {  	_ = 	snop  }
0x3b: {  	_ = 	snop  }
0x3c: {  	p2 =	seq.s32 s10, $0x1;
	s10 =	sld [smem:$0x3FB6]  }
0x3d: {  	_ =	shalt  }
0x3e: {  	_ =	shalt  }
0x3f: {  	_ =	shalt  }
0x40: {  	_ =	shalt  }
0x41: {  	_ =	shalt  }
0x42: {  	_ =	shalt  }
0x43: {  	_ =	shalt  }
0x44: {  	_ =	shalt  }
0x45: {  	_ =	shalt  }
0x46: {  	_ =	shalt  }
0x47: {  	_ =	shalt  }
0x48: {  	_ =	shalt  }
0x49: {  	_ =	shalt  }
0x4a: {  	_ =	shalt  }
0x4b: {  	_ =	shalt  }
0x4c: {  	_ =	shalt  }
0x4d: {  	_ =	shalt  }
0x4e: {  	_ =	shalt  }
0x4f: {  	_ =	shalt  }
0x50: {  	_ =	shalt  }
0x51: {  	_ =	shalt  }
0x52: {  	_ =	shalt  }
0x53: {  	_ =	shalt  }
0x54: {  	_ =	shalt  }
0x55: {  	_ =	shalt  }
0x56: {  	_ =	shalt  }
0x57: {  	_ =	shalt  }
0x58: {  	_ =	shalt  }
0x59: {  	_ =	shalt  }
0x5a: {  	_ =	shalt  }
0x5b: {  	_ =	shalt  }
0x5c: {  	_ =	shalt  }
0x5d: {  	_ =	shalt  }
0x5e: {  	_ =	shalt  }
0x5f: {  	_ =	shalt  }
0x60: {  	_ =	shalt  }
0x61: {  	_ =	shalt  }
0x62: {  	_ =	shalt  }
0x63: {  	_ =	shalt  }
0x64: {  	_ =	shalt  }
0x65: {  	_ =	shalt  }
0x66: {  	_ =	shalt  }
0x67: {  	_ =	shalt  }
0x68: {  	_ =	shalt  }
0x69: {  	_ =	shalt  }
0x6a: {  	_ =	shalt  }
0x6b: {  	_ =	shalt  }
0x6c: {  	_ =	shalt  }
0x6d: {  	_ =	shalt  }
0x6e: {  	_ =	shalt  }
0x6f: {  	_ =	shalt  }
0x70: {  	_ =	shalt  }
0x71: {  	_ =	shalt  }
0x72: {  	_ =	shalt  }
0x73: {  	_ =	shalt  }
0x74: {  	_ =	shalt  }
0x75: {  	_ =	shalt  }
0x76: {  	_ =	shalt  }
0x77: {  	_ =	shalt  }
0x78: {  	_ =	shalt  }
0x79: {  	_ =	shalt  }
0x7a: {  	_ =	shalt  }
0x7b: {  	_ =	shalt  }
0x7c: {  	_ =	shalt  }
0x7d: {  	_ =	shalt  }
0x7e: {  	_ =	shalt  }
0x7f: {  	_ =	shalt  }
0x80: {  	_ =	shalt  }
0x81: {  	_ =	shalt  }
0x82: {  	_ =	shalt  }
0x83: {  	_ =	shalt  }
0x84: {  	_ =	shalt  }
0x85: {  	_ =	shalt  }
0x86: {  	_ =	shalt  }
0x87: {  	_ =	shalt  }
.Lfunc_end0:
.L_simem_size_0:
called_computation.2_lowered:
.L_overlay_start_0:
0x88: {  	s2 =	sld [smem:$0x3FD9]  }
0x89: {  	s3 =	sld [smem:$0x3FFE];
	_ =	sdelay $0x1  }
0x8a: {  	s1 =	srdreg.scid  }
0x8b: {  	s0 =	sand.u32 $0x1, s1  }
0x8c: {  	s16 =	sshll.u32 s0, $0xA;
	s2 =	sadd.s32 s3, s2  }
0x8d: {  	s2 =	sadd.s32 s2, s16  }
0x8e: {  	[smem:$0x3FC2] =	sst s2  }
0x8f: {  	_ = 	snop  }
0x90: {  	(tm) =	ssettm $0x1  }
0x91: {  	s17 =	sld [smem:$0x3FFB];
	_ =	sdelay $0x3  }
0x92: {  	_ =	strace s17  }
0x93: {  	s2 =	sld [smem:$0x3FFC];
	_ =	sdelay $0x3  }
0x94: {  	_ =	strace s2  }
0x95: {  	s2 =	sld [smem:$0x3FFD];
	_ =	sdelay $0x3  }
0x96: {  	_ =	strace s2  }
0x97: {  	_ =	strace $0x8FFFFFFF  }
0x98: {  	s18 =	sld [smem:$0x3FDB];
	_ =	sdelay $0x1  }
0x99: {  	s19 =	simm.s32 $_scs_section_size  }
0x9a: {  	s4 =	simm.s32 $_size__tile_overlayer_lowered;
	s5 =	simm.s32 $_tile_overlayer_lowered  }
0x9b: {  	s22 =	simm.s32 $0x1BFF;
	s21 =	sshll.u32 s5, $0x1;
	s2 =	sadd.s32 s19, s18  }
0x9c: {  	s6 =	simm.s32 $0x0;
	s20 =	sshll.u32 s4, $0x1;
	s4 =	sadd.s32 s21, s2  }
0x9d: {  	[timem:s6], [sflag:s22] =	dma.local [hbm:s4], s20  }
0x9e: {  	_ =	swait.ge [sflag:s22], s20  }
0x9f: {  	s3 =	ssub.s32 $0x0, s20;
	[sflag:s22] =	ssyncset.done $0x0  }
0xa0: {  	[sflag:s22] =	ssyncadd.s32 s3;
	_ =	sdelay $0x1  }
0xa1: {  	s23 =	simm.s32 $0x1B8B  }
0xa2: {  	_ =	swait.ge [sflag:s23], $0x1  }
0xa3: {  	[sflag:s23] =	ssyncset.done $0x0  }
0xa4: {  	s25 =	simm.s32 $0x1B8E;
	s24 =	sld [smem:$0x3FFE];
	[sflag:s23] =	ssyncadd.s32 $0xFFFFFFFF  }
0xa5: {  	s26 =	simm.s32 $execute0_lowered;
	[smem:$0x3FD2] =	sst s25  }
0xa6: {  	s4 =	sshll.u32 s26, $0x1;
	_ =	strace $0x8000004C;
	[dreg:$0x1] =	wrdreg $0xFFFFFFFF  }
0xa7: {  	s28 =	simm.s32 $_size_execute0_lowered;
	s2 =	sadd.s32 s2, s4;
	[dreg:$0x0] =	wrdreg $0x0  }
0xa8: {  	s4 =	sshll.u32 s28, $0x1;
	[dreg:$0x2] =	wrdreg s2  }
0xa9: {  	[dreg:$0x3] =	wrdreg s4  }
0xaa: {  	[dreg:$0x4] =	wrdreg $0xC0  }
0xab: {  	_ =	task [dreg:s6], $0x5FFFF  }
0xac: {  	[dreg:$0x1] =	wrdreg $0xFFFFFFFF  }
0xad: {  	[dreg:$0x0] =	wrdreg $0x60  }
0xae: {  	[dreg:$0x2] =	wrdreg s24  }
0xaf: {  	[dreg:$0x3] =	wrdreg $0xBF000  }
0xb0: {  	[dreg:$0x4] =	wrdreg $0x97800  }
0xb1: {  	[dreg:$0x5] =	wrdreg $0x9  }
0xb2: {  	_ =	task.clear_ibuf [dreg:s6], $0x6FFFF;
	_ =	strace $0x9000004C  }
0xb3: {  	s29 =	simm.s32 $0x9;
	_ =	strace $0x8000004E  }
0xb4: {  	_ =	swait.ge [sflag:s29], $0x1  }
0xb5: {  	[sflag:s29] =	ssyncadd.s32 $0xFFFFFFFF  }
0xb6: {  	_ =	strace $0x9000004E  }
0xb7: {  	_ =	sfence  }
0xb8: {  	s30 =	sld [smem:$0x0];
	_ =	sdelay $0x2  }
0xb9: {  	s31 =	sshll.u32 s1, $0xD;
	s1 =	sshrl.u32 s1, $0x2  }
0xba: {  	s3 =	sand.u32 $0x4000, s31;
	s1 =	sadd.s32 s1, s30  }
0xbb: {  	s0 =	sor.u32 s3, s0;
	s1 =	sshll.u32 s1, $0x11  }
0xbc: {  	s0 =	sor.u32 s1, s0  }
0xbd: {  	s0 =	sadd.s32 $0x8F2B, s0  }
0xbe: {  	[sflag:s0] =	ssyncadd.remote.s32 $0x1  }
0xbf: {  	_ =	sfence.sel $0xFFFF  }
0xc0: {  	[dreg:$0x0] =	wrdreg $0xFFFFFFFF;
	(pc) =	sbr.abs _section_cstart, $3  }
0xc1: {  	[dreg:$0x1] =	wrdreg $0xFFFFFFFF  }
0xc2: {  	_ =	task.clear_ibuf [dreg:s6], $0x2FFFF;
	_ =	strace $0x9FFFFFFF  }
0xc3: {  	(tm) =	ssettm $0x7FFFFFFF  }
tec
execute0_lowered:
.L_overlay_start_1:
0x0: {  	(tag) =	ssettag $0x1  }
0x1: {  	s0 =	rddreg [dreg:$0x0]  }
0x2: {  	s2 =	rddreg [dreg:$0x1]  }
0x3: {  	s3 =	rddreg [dreg:$0x2]  }
0x4: {  	s13 =	stileid.u32;
	s1 =	srdreg.scid;
	s5 =	simm.s32 $0x0  }
0x5: {  	s14 =	simm.s32 $0x9;
	s16 =	simm.s32 $0x80;
	s17 =	simm.s32 $0x5000  }
0x6: {  	s18 =	simm.s32 $0x5800;
	s20 =	simm.s32 $0x6000;
	s22 =	simm.s32 $0x6800  }
0x7: {  	s23 =	simm.s32 $0x1;
	s28 =	simm.s32 $0x4;
	s29 =	simm.s32 $0x5  }
0x8: {  	s30 =	simm.s32 $0x6;
	s31 =	simm.s32 $0x7;
	s4 =	smul.u32 $0x2800, s13  }
0x9: {  	s19 =	simm.s32 $0x4F80;
	s21 =	simm.s32 $0x0;
	s9 =	smul.u32 $0x2780, s13  }
0xa: {  	s1 =	sand.u32 $0x1, s1;
	[smem:$0x7FF] =	sst s5;
	s8 =	sadd.s32 $0x25080, s2  }
0xb: {  	p0 =	seq.s32 s1, $0x0;
	_ =	strace $0x8000004D;
	s25 =	smul.u32 $0x4F00, s1  }
0xc: {  	s1 =	ssub.s32 $0x2, s1;
	s5 =	sadd.s32 $0x28000, s4;
	s15 =	sshrl.u32 s9, $0x3  }
0xd: {  	s7 =	sshrl.u32 s1, $0x1;
	s5 =	smov.u32 @p0 s4;
	s6 =	sadd.s32 s15, s0  }
0xe: {  	s12 =	sadd.s32 s25, s0;
	s1 =	ssub.s32 s1, s7;
	s7 =	sadd.s32 $0x1B610, s0  }
0xf: {  	p0 =	seq.s32 s13, $0xF;
	s13 =	simm.s32 $0x7000;
	s25 =	simm.s32 $0x2  }
0x10: {  	s4 =	sshrl.u32 s5, $0x3;
	s5 =	sadd.s32 $0x16C00, s6;
	s6 =	sadd.s32 s9, s2  }
0x11: {  	s9 =	sadd.s32 s9, s3;
	s26 =	sadd.s32 $0x1BC00, s12;
	s12 =	smax.u32 s1, $0x1  }
0x12: {  	s4 =	sadd.s32 s4, s0;
	s24 =	sadd.s32 s15, s26;
	s26 =	simm.s32 $0x3  }
0x13: {  	v0 =	vimm.f32 $0.0e+00;
	s0 =	simm.s32 $0x8;
	s10 =	sadd.s32 $0xC600, s4;
	s11 =	sadd.s32 $0x1600, s4  }
.LBB2_1:
0x14: {  	s1 =	simm.s32 @p0 $0x0;
	s4 =	simm.s32 @p0 $0x7000  }
0x15: {  	[tilespmem:s4], [sflag:$0x9] =	stream.linear.gather @p0 [hbm4b:s7+s1], $0x2080, $0x38;
	[tilespmem:$0xE680] =	vst v63  }
0x16: {  	s1 =	simm.s32 @p0 $0x9  }
0x17: {  	_ =	swait.ge @p0 [sflag:s1], $0x2080  }
0x18: {  	[sflag:s1] =	ssyncset.done @p0 $0x0  }
0x19: {  	[sflag:s1] =	ssyncadd.s32 @p0 $0xFFFFDF80  }
0x1a: {  	[spmem:s8] =	stream.linear.scatter @p0 [tilespmem:s4], [sflag:$0x9], $0x2080, $0x38;
	[tilespmem:$0xE680] =	vst v63  }
0x1b: {  	_ =	swait.ge @p0 [sflag:s1], $0x2080  }
0x1c: {  	[sflag:s1] =	ssyncset.done @p0 $0x0  }
0x1d: {  	s4 =	simm.s32 @!p0 $0x7000;
	[sflag:s1] =	ssyncadd.s32 @p0 $0xFFFFDF80;
	s1 =	simm.s32 @!p0 $0x0  }
0x1e: {  	[tilespmem:s4], [sflag:$0x9] =	stream.linear.gather @!p0 [hbm4b:s5+s1], $0x2780, $0x38;
	[tilespmem:$0xE680] =	vst v63  }
0x1f: {  	s1 =	simm.s32 @!p0 $0x9  }
0x20: {  	_ =	swait.ge @!p0 [sflag:s1], $0x2780  }
0x21: {  	[sflag:s1] =	ssyncset.done @!p0 $0x0  }
0x22: {  	[sflag:s1] =	ssyncadd.s32 @!p0 $0xFFFFD880  }
0x23: {  	[spmem:s6] =	stream.linear.scatter @!p0 [tilespmem:s4], [sflag:$0x9], $0x2780, $0x38;
	[tilespmem:$0xE680] =	vst v63  }
0x24: {  	_ =	swait.ge @!p0 [sflag:s1], $0x2780  }
0x25: {  	[sflag:s1] =	ssyncset.done @!p0 $0x0  }
0x26: {  	s4 =	simm.s32 $0x0;
	[sflag:s1] =	ssyncadd.s32 @!p0 $0xFFFFD880;
	s1 =	simm.s32 $0x40  }
.LBB2_2:
0x27: {  	p1 =	sne.s32 s1, $0x9DC0;
	[tilespmem:s4+$0x7000] =	vst v0;
	s4 =	smov.u32 s1;
	s1 =	sadd.s32 $0x40, s1  }
.Ltmp0:
0x28: {  	(pc) =	sbr.rel @p1 .LBB2_2-.Ltmp0, $2  }
0x29: {  	_ =	sdelay $0x2  }
0x2a: {  	s4 =	sshra.s32 s4, $0x2  }
0x2b: {  	[tilespmem:s4+$0x7000] =	vst v0  }
0x2c: {  	[spmem:s9] =	stream.linear.scatter [tilespmem:s13], [sflag:$0x9], $0x2780, $0x38;
	[tilespmem:$0xE680] =	vst v63  }
0x2d: {  	_ =	swait.ge [sflag:s14], $0x2780  }
0x2e: {  	[sflag:s14] =	ssyncset.done $0x0  }
0x2f: {  	s1 =	simm.s32 $0x0;
	[sflag:s14] =	ssyncadd.s32 $0xFFFFD880  }
0x30: {  	[tilespmem:s1], [sflag:$0x9] =	stream.linear.gather [hbm4b:s10+s1], $0x2800, $0x38;
	[tilespmem:$0xE680] =	vst v63  }
0x31: {  	_ =	swait.ge [sflag:s14], $0x2800  }
0x32: {  	[sflag:s14] =	ssyncset.done $0x0  }
0x33: {  	s15 =	simm.s32 $0x2800;
	[sflag:s14] =	ssyncadd.s32 $0xFFFFD800  }
0x34: {  	[tilespmem:s15], [sflag:$0x9] =	stream.linear.gather [hbm4b:s11+s1], $0x2800, $0x38;
	[tilespmem:$0xE680] =	vst v63  }
0x35: {  	_ =	swait.ge [sflag:s14], $0x2800  }
0x36: {  	[sflag:s14] =	ssyncset.done $0x0  }
0x37: {  	[sflag:s14] =	ssyncadd.s32 $0xFFFFD800  }
0x38: {  	[bflag:$0x0] =	sbarrier.arrive $0xFFFF  }
0x39: {  	[tilespmem:s17], [sflag:$0x1] =	stream.indirect.gather [spmem:s2], $0x10, s1, s16, $0xb8;
	[tilespmem:$0xE680] =	vst v63  }
0x3a: {  	_ = 	snop  }
0x3b: {  	[tilespmem:s18], [sflag:$0x2] =	stream.indirect.gather [spmem:s2], $0x10, s16, s16, $0xb8;
	[tilespmem:$0xE680] =	vst v63  }
0x3c: {  	s15 =	simm.s32 $0x100  }
0x3d: {  	[tilespmem:s20], [sflag:$0x3] =	stream.indirect.gather [spmem:s2], $0x10, s15, s16, $0xb8;
	[tilespmem:$0xE680] =	vst v63  }
0x3e: {  	s4 =	simm.s32 $0x180  }
0x3f: {  	[tilespmem:s22], [sflag:$0x4] =	stream.indirect.gather [spmem:s2], $0x10, s4, s16, $0xb8;
	[tilespmem:$0xE680] =	vst v63  }
0x40: {  	_ =	swait.ge [sflag:s23], $0x800  }
0x41: {  	[sflag:s23] =	ssyncset.done $0x0  }
0x42: {  	s15 =	simm.s32 $0x2800;
	[sflag:s23] =	ssyncadd.s32 $0xFFFFF800  }
0x43: {  	[spmem:s3] =	stream.indirect.scatter.add.f32 [tilespmem:s17], [sflag:$0x5], $0x10, s15, s16, $0xb8;
	[tilespmem:$0xE680] =	vst v63  }
0x44: {  	_ =	swait.ge [sflag:s25], $0x800  }
0x45: {  	[sflag:s25] =	ssyncset.done $0x0  }
0x46: {  	s4 =	simm.s32 $0x2880;
	[sflag:s25] =	ssyncadd.s32 $0xFFFFF800  }
0x47: {  	[spmem:s3] =	stream.indirect.scatter.add.f32 [tilespmem:s18], [sflag:$0x6], $0x10, s4, s16, $0xb8;
	[tilespmem:$0xE680] =	vst v63  }
0x48: {  	_ =	swait.ge [sflag:s26], $0x800  }
0x49: {  	[sflag:s26] =	ssyncset.done $0x0  }
0x4a: {  	s15 =	simm.s32 $0x2900;
	[sflag:s26] =	ssyncadd.s32 $0xFFFFF800  }
0x4b: {  	[spmem:s3] =	stream.indirect.scatter.add.f32 [tilespmem:s20], [sflag:$0x7], $0x10, s15, s16, $0xb8;
	[tilespmem:$0xE680] =	vst v63  }
0x4c: {  	_ =	swait.ge [sflag:s28], $0x800  }
0x4d: {  	[sflag:s28] =	ssyncset.done $0x0  }
0x4e: {  	s4 =	simm.s32 $0x2980;
	[sflag:s28] =	ssyncadd.s32 $0xFFFFF800  }
0x4f: {  	[spmem:s3] =	stream.indirect.scatter.add.f32 [tilespmem:s22], [sflag:$0x8], $0x10, s4, s16, $0xb8;
	[tilespmem:$0xE680] =	vst v63  }
0x50: {  	_ =	swait.ge [sflag:s29], $0x800  }
0x51: {  	[sflag:s29] =	ssyncset.done $0x0  }
0x52: {  	s15 =	simm.s32 $0x200;
	[sflag:s29] =	ssyncadd.s32 $0xFFFFF800  }
0x53: {  	[tilespmem:s17], [sflag:$0x1] =	stream.indirect.gather [spmem:s2], $0x10, s15, s16, $0xb8;
	[tilespmem:$0xE680] =	vst v63  }
0x54: {  	_ =	swait.ge [sflag:s30], $0x800  }
0x55: {  	[sflag:s30] =	ssyncset.done $0x0  }
0x56: {  	s4 =	simm.s32 $0x280;
	[sflag:s30] =	ssyncadd.s32 $0xFFFFF800  }
0x57: {  	[tilespmem:s18], [sflag:$0x2] =	stream.indirect.gather [spmem:s2], $0x10, s4, s16, $0xb8;
	[tilespmem:$0xE680] =	vst v63  }
0x58: {  	_ =	swait.ge [sflag:s31], $0x800  }
0x59: {  	[sflag:s31] =	ssyncset.done $0x0  }
0x5a: {  	s15 =	simm.s32 $0x300;
	[sflag:s31] =	ssyncadd.s32 $0xFFFFF800  }
0x5b: {  	[tilespmem:s20], [sflag:$0x3] =	stream.indirect.gather [spmem:s2], $0x10, s15, s16, $0xb8;
	[tilespmem:$0xE680] =	vst v63  }
0x5c: {  	_ =	swait.ge [sflag:s0], $0x800  }
0x5d: {  	[sflag:s0] =	ssyncset.done $0x0  }
0x5e: {  	s1 =	simm.s32 $0x800;
	s4 =	simm.s32 $0x380;
	[sflag:s0] =	ssyncadd.s32 $0xFFFFF800  }
.LBB2_4:
0x5f: {  	[tilespmem:s22], [sflag:$0x4] =	stream.indirect.gather [spmem:s2], $0x10, s4, s16, $0xb8;
	[tilespmem:$0xE680] =	vst v63  }
0x60: {  	s4 =	smov.u32 s1  }
0x61: {  	p1 =	sne.s32 s1, $0x9000;
	s1 =	sadd.s32 $0x800, s1;
	_ =	swait.ge [sflag:s23], $0x800  }
0x62: {  	s4 =	sshra.s32 s4, $0x2;
	[sflag:s23] =	ssyncset.done $0x0  }
0x63: {  	s15 =	sadd.s32 $0x2800, s4;
	[sflag:s23] =	ssyncadd.s32 $0xFFFFF800  }
0x64: {  	[spmem:s3] =	stream.indirect.scatter.add.f32 [tilespmem:s17], [sflag:$0x5], $0x10, s15, s16, $0xb8;
	[tilespmem:$0xE680] =	vst v63  }
0x65: {  	_ =	swait.ge [sflag:s25], $0x800  }
0x66: {  	[sflag:s25] =	ssyncset.done $0x0  }
0x67: {  	s15 =	sadd.s32 $0x2880, s4;
	[sflag:s25] =	ssyncadd.s32 $0xFFFFF800  }
0x68: {  	[spmem:s3] =	stream.indirect.scatter.add.f32 [tilespmem:s18], [sflag:$0x6], $0x10, s15, s16, $0xb8;
	[tilespmem:$0xE680] =	vst v63  }
0x69: {  	_ =	swait.ge [sflag:s26], $0x800  }
0x6a: {  	[sflag:s26] =	ssyncset.done $0x0  }
0x6b: {  	s15 =	sadd.s32 $0x2900, s4;
	[sflag:s26] =	ssyncadd.s32 $0xFFFFF800  }
0x6c: {  	[spmem:s3] =	stream.indirect.scatter.add.f32 [tilespmem:s20], [sflag:$0x7], $0x10, s15, s16, $0xb8;
	[tilespmem:$0xE680] =	vst v63  }
0x6d: {  	_ =	swait.ge [sflag:s28], $0x800  }
0x6e: {  	[sflag:s28] =	ssyncset.done $0x0  }
0x6f: {  	s15 =	sadd.s32 $0x2980, s4;
	[sflag:s28] =	ssyncadd.s32 $0xFFFFF800  }
0x70: {  	[spmem:s3] =	stream.indirect.scatter.add.f32 [tilespmem:s22], [sflag:$0x8], $0x10, s15, s16, $0xb8;
	[tilespmem:$0xE680] =	vst v63  }
0x71: {  	_ =	swait.ge [sflag:s29], $0x800  }
0x72: {  	[sflag:s29] =	ssyncset.done $0x0  }
0x73: {  	s15 =	sadd.s32 $0x200, s4;
	[sflag:s29] =	ssyncadd.s32 $0xFFFFF800  }
0x74: {  	[tilespmem:s17], [sflag:$0x1] =	stream.indirect.gather [spmem:s2], $0x10, s15, s16, $0xb8;
	[tilespmem:$0xE680] =	vst v63  }
0x75: {  	_ =	swait.ge [sflag:s30], $0x800  }
0x76: {  	[sflag:s30] =	ssyncset.done $0x0  }
0x77: {  	s15 =	sadd.s32 $0x280, s4;
	[sflag:s30] =	ssyncadd.s32 $0xFFFFF800  }
0x78: {  	[tilespmem:s18], [sflag:$0x2] =	stream.indirect.gather [spmem:s2], $0x10, s15, s16, $0xb8;
	[tilespmem:$0xE680] =	vst v63  }
0x79: {  	_ =	swait.ge [sflag:s31], $0x800  }
0x7a: {  	[sflag:s31] =	ssyncset.done $0x0  }
.Ltmp1:
0x7b: {  	s15 =	sadd.s32 $0x300, s4;
	[sflag:s31] =	ssyncadd.s32 $0xFFFFF800;
	(pc) =	sbr.rel @p1 .LBB2_4-.Ltmp1, $4  }
0x7c: {  	[tilespmem:s20], [sflag:$0x3] =	stream.indirect.gather [spmem:s2], $0x10, s15, s16, $0xb8;
	[tilespmem:$0xE680] =	vst v63  }
0x7d: {  	_ =	swait.ge [sflag:s0], $0x800  }
0x7e: {  	[sflag:s0] =	ssyncset.done $0x0  }
0x7f: {  	s4 =	sadd.s32 $0x380, s4;
	[sflag:s0] =	ssyncadd.s32 $0xFFFFF800  }
0x80: {  	[tilespmem:s22], [sflag:$0x4] =	stream.indirect.gather [spmem:s2], $0x10, s4, s16, $0xb8;
	[tilespmem:$0xE680] =	vst v63  }
0x81: {  	_ =	swait.ge [sflag:s23], $0x800  }
0x82: {  	[sflag:s23] =	ssyncset.done $0x0  }
0x83: {  	s1 =	simm.s32 $0x4E00;
	[sflag:s23] =	ssyncadd.s32 $0xFFFFF800  }
0x84: {  	[spmem:s3] =	stream.indirect.scatter.add.f32 [tilespmem:s17], [sflag:$0x5], $0x10, s1, s16, $0xb8;
	[tilespmem:$0xE680] =	vst v63  }
0x85: {  	_ =	swait.ge [sflag:s25], $0x800  }
0x86: {  	[sflag:s25] =	ssyncset.done $0x0  }
0x87: {  	s15 =	simm.s32 $0x4E80;
	[sflag:s25] =	ssyncadd.s32 $0xFFFFF800  }
0x88: {  	[spmem:s3] =	stream.indirect.scatter.add.f32 [tilespmem:s18], [sflag:$0x6], $0x10, s15, s16, $0xb8;
	[tilespmem:$0xE680] =	vst v63  }
0x89: {  	_ =	swait.ge [sflag:s26], $0x800  }
0x8a: {  	[sflag:s26] =	ssyncset.done $0x0  }
0x8b: {  	s4 =	simm.s32 $0x4F00;
	[sflag:s26] =	ssyncadd.s32 $0xFFFFF800  }
0x8c: {  	[spmem:s3] =	stream.indirect.scatter.add.f32 [tilespmem:s20], [sflag:$0x7], $0x10, s4, s16, $0xb8;
	[tilespmem:$0xE680] =	vst v63  }
0x8d: {  	_ =	swait.ge [sflag:s28], $0x800  }
0x8e: {  	[sflag:s28] =	ssyncset.done $0x0  }
0x8f: {  	[sflag:s28] =	ssyncadd.s32 $0xFFFFF800  }
0x90: {  	[spmem:s3] =	stream.indirect.scatter.add.f32 [tilespmem:s22], [sflag:$0x8], $0x10, s19, s16, $0xb8;
	[tilespmem:$0xE680] =	vst v63  }
0x91: {  	_ =	swait.ge [sflag:s29], $0x800  }
0x92: {  	[sflag:s29] =	ssyncset.done $0x0  }
0x93: {  	[sflag:s29] =	ssyncadd.s32 $0xFFFFF800  }
0x94: {  	_ =	swait.ge [sflag:s30], $0x800  }
0x95: {  	[sflag:s30] =	ssyncset.done $0x0  }
0x96: {  	[sflag:s30] =	ssyncadd.s32 $0xFFFFF800  }
0x97: {  	_ =	swait.ge [sflag:s31], $0x800  }
0x98: {  	[sflag:s31] =	ssyncset.done $0x0  }
0x99: {  	[sflag:s31] =	ssyncadd.s32 $0xFFFFF800  }
0x9a: {  	_ =	swait.ge [sflag:s0], $0x800  }
0x9b: {  	[sflag:s0] =	ssyncset.done $0x0  }
0x9c: {  	[sflag:s0] =	ssyncadd.s32 $0xFFFFF800  }
0x9d: {  	[bflag:$0x0] =	sbarrier.arrive $0xFFFF  }
0x9e: {  	[tilespmem:s13], [sflag:$0x9] =	stream.linear.gather [spmem:s9], $0x2780, $0x38;
	[tilespmem:$0xE680] =	vst v63  }
0x9f: {  	s21 =	sadd.s32 $0x1, s21;
	_ =	swait.ge [sflag:s14], $0x2780  }
0xa0: {  	p1 =	sne.s32 s21, s12;
	[sflag:s14] =	ssyncset.done $0x0  }
.Ltmp2:
0xa1: {  	s15 =	simm.s32 $0x0;
	[sflag:s14] =	ssyncadd.s32 $0xFFFFD880;
	(pc) =	sbr.rel @p1 .LBB2_1-.Ltmp2, $4  }
0xa2: {  	[hbm4b:s24+s15] =	stream.linear.scatter [tilespmem:s13], [sflag:$0x9], $0x2780, $0x38;
	[tilespmem:$0xE680] =	vst v63  }
0xa3: {  	_ =	swait.ge [sflag:s14], $0x2780  }
0xa4: {  	[sflag:s14] =	ssyncset.done $0x0  }
0xa5: {  	[sflag:s14] =	ssyncadd.s32 $0xFFFFD880  }
0xa6: {  	_ =	sfence.sel $0x180000  }
0xa7: {  	[bflag:$0x0] =	sbarrier.arrive $0xFFFF  }
0xa8: {  	_ =	strace $0x9000004D  }
0xa9: {  	s0 =	stileid.u32;
	[bflag:$0x2] =	sbarrier.arrive $0xFFFF  }
0xaa: {  	p0 =	sne.s32 s0, $0x0;
	s0 =	rddreg [dreg:$0x3]  }
0xab: {  	s0 =	sadd.s32 @!p0 $0x100000, s0  }
0xac: {  	[sflag:s0] =	ssyncadd.tile.s32 @!p0 $0x1;
	_ =	shalt  }
.Lfunc_end2:
_tile_overlayer_lowered:
.L_overlay_start_2:
0xad: {  	(tag) =	ssettag $0x2  }
0xae: {  	s0 =	rddreg [dreg:$0x0];
	s2 =	stileid.u32  }
0xaf: {  	s1 =	rddreg [dreg:$0x1];
	p0 =	sne.s32 s2, $0x0  }
0xb0: {  	s3 =	rddreg [dreg:$0x2];
	[bflag:$0x3] =	sbarrier.arrive $0xFFFF;
	s2 =	simm.s32 @!p0 $0x1C09  }
0xb1: {  	[timem:s3], [sflag:s2] =	dma.local @!p0 [hbm:s0], s1  }
0xb2: {  	s0 =	simm.s32 @!p0 $0x9  }
0xb3: {  	_ =	swait.ge @!p0 [sflag:s0], s1  }
0xb4: {  	s1 =	ssub.s32 @!p0 $0x0, s1;
	[sflag:s0] =	ssyncset.done @!p0 $0x0  }
0xb5: {  	[sflag:s0] =	ssyncadd.s32 @!p0 s1  }
0xb6: {  	[bflag:$0x3] =	sbarrier.arrive $0xFFFF  }
0xb7: {  	_ =	shalt  }

// kernel: kernel.8.cloned.1.call-start
scs
__scs_entry_jumppad:
0x0: {  	(pc) =	sbr.rel $0x88, $3  }
0x1: {  	(tag) =	ssettag $0x0;
	lr =	simm.s32 $0x1  }
0x2: {  	[smem:$0x3F9B] =	sst lr;
	_ =	strace $0xD0000000  }
0x3: {  	_ = 	snop  }
0x4: {  	_ = 	snop  }
0x5: {  	_ = 	snop  }
0x6: {  	_ = 	snop  }
0x7: {  	_ = 	snop  }
__scs_overlays_trampoline_lowered:
0x8: {  	[smem:$0x3FAA] =	sst s0  }
0x9: {  	[smem:$0x3FAB] =	sst s1  }
0xa: {  	[smem:$0x3FAC] =	sst s2  }
0xb: {  	[smem:$0x3FAD] =	sst s3  }
0xc: {  	[smem:$0x3FAE] =	sst s4  }
0xd: {  	[smem:$0x3FAF] =	sst s5  }
0xe: {  	[smem:$0x3FB0] =	sst s6  }
0xf: {  	[smem:$0x3FB1] =	sst s7  }
0x10: {  	[smem:$0x3FB2] =	sst s8  }
0x11: {  	[smem:$0x3FB3] =	sst s9;
	s0 =	simm.s32 @!p0 $0x0  }
0x12: {  	s1 =	sld [smem:$0x3F99];
	s0 =	simm.s32 @p0 $0x1  }
0x13: {  	[smem:$0x3FB4] =	sst s0;
	s0 =	simm.s32 @!p1 $0x0  }
0x14: {  	s2 =	sld [smem:$0x3F98];
	s0 =	simm.s32 @p1 $0x1  }
0x15: {  	[smem:$0x3FB5] =	sst s0;
	s0 =	simm.s32 @!p2 $0x0  }
0x16: {  	s3 =	sld [smem:$0x3FDB];
	s0 =	simm.s32 @p2 $0x1  }
0x17: {  	s4 =	simm.s32 $0x1BF5;
	[smem:$0x3FB7] =	sst s0  }
0x18: {  	s0 =	sld [smem:$0x3F9A];
	_ =	swait.ge [sflag:s4], $0x0  }
0x19: {  	s7 =	sld [smem:$0x3F9B]  }
0x1a: {  	s8 =	sadd.s32 $0xFFFFE003, lr  }
0x1b: {  	s9 =	sadd.s32 $0xFFFFFEF7, lr;
	s5 =	simm.s32 $0xFFFFFFFF;
	p2 =	slt.u32 s8, $0xFFFFF086  }
0x1c: {  	p1 =	slt.u32 s9, $0xF7A;
	s5 =	simm.s32 @!p2 $0x0  }
0x1d: {  	s5 =	simm.s32 @p1 $0x1;
	p0 =	seq.s32 s7, s2  }
0x1e: {  	s7 =	smul.u32 @!p0 $0xF7A, s2;
	p2 =	seq.s32 @!p0 s5, $0x0  }
0x1f: {  	s9 =	smul.u32 $0xF7A, s1;
	s8 =	simm.s32 @!p0 $0x1BF5;
	p2 =	por !p2, p0  }
0x20: {  	[sflag:s8] =	ssyncset.s32 @!p0 $0xFFFFF086;
	s6 =	sadd.s32 @!p0 s3, s7;
	s7 =	simm.s32 @!p0 $0x108  }
0x21: {  	s3 =	sadd.s32 s3, s9;
	s6 =	sadd.s32 @!p0 $0x88, s6;
	s7 =	simm.s32 @p2 $0x1082  }
0x22: {  	[simem:s7], [sflag:s8] =	dma.local @!p0 [hbm:s6], $0xF7A  }
0x23: {  	s9 =	sor.u32 $0xD0000000, s2;
	s6 =	simm.s32 $0x108;
	_ =	swait.ge @!p0 [sflag:s8], $0x0  }
0x24: {  	s3 =	sadd.s32 $0x88, s3;
	s6 =	simm.s32 @!p1 $0x1082;
	[sflag:s4] =	ssyncset.s32 $0xFFFFF086  }
0x25: {  	[simem:s6], [sflag:s4] =	dma.local [hbm:s3], $0xF7A  }
0x26: {  	[smem:$0x3F9B] =	sst s1;
	(tag) =	ssettag s2;
	_ =	strace s9  }
0x27: {  	s1 =	sld [smem:$0x3FAB]  }
0x28: {  	s2 =	sld [smem:$0x3FAC]  }
0x29: {  	s4 =	sld [smem:$0x3FAE]  }
0x2a: {  	p0 =	seq.s32 s5, $0x0;
	s5 =	sld [smem:$0x3FAF]  }
0x2b: {  	s6 =	sld [smem:$0x3FB0]  }
0x2c: {  	s7 =	sld [smem:$0x3FB1]  }
0x2d: {  	s3 =	simm.s32 $0x108;
	s8 =	sld [smem:$0x3FB2]  }
0x2e: {  	s3 =	simm.s32 @!p0 $0x1082;
	s9 =	sld [smem:$0x3FB3]  }
0x2f: {  	lr =	sadd.s32 s0, s3;
	s0 =	sld [smem:$0x3FAA]  }
0x30: {  	s3 =	sld [smem:$0x3FAD]  }
0x31: {  	[smem:$0x3FB6] =	sst s10  }
0x32: {  	s10 =	sld [smem:$0x3FB4];
	_ =	sdelay $0x3  }
0x33: {  	p0 =	seq.s32 s10, $0x1;
	s10 =	sld [smem:$0x3FB6];
	_ =	sdelay $0x3  }
0x34: {  	[smem:$0x3FB6] =	sst s10  }
0x35: {  	s10 =	sld [smem:$0x3FB5];
	_ =	sdelay $0x3  }
0x36: {  	p1 =	seq.s32 s10, $0x1;
	s10 =	sld [smem:$0x3FB6];
	_ =	sdelay $0x3  }
0x37: {  	[smem:$0x3FB6] =	sst s10  }
0x38: {  	s10 =	sld [smem:$0x3FB7]  }
0x39: {  	_ = 	snop;
	(pc) =	sbr.ind lr, $3  }
0x3a: {  	_ = 	snop  }
0x3b: {  	_ = 	snop  }
0x3c: {  	p2 =	seq.s32 s10, $0x1;
	s10 =	sld [smem:$0x3FB6]  }
0x3d: {  	_ =	shalt  }
0x3e: {  	_ =	shalt  }
0x3f: {  	_ =	shalt  }
0x40: {  	_ =	shalt  }
0x41: {  	_ =	shalt  }
0x42: {  	_ =	shalt  }
0x43: {  	_ =	shalt  }
0x44: {  	_ =	shalt  }
0x45: {  	_ =	shalt  }
0x46: {  	_ =	shalt  }
0x47: {  	_ =	shalt  }
0x48: {  	_ =	shalt  }
0x49: {  	_ =	shalt  }
0x4a: {  	_ =	shalt  }
0x4b: {  	_ =	shalt  }
0x4c: {  	_ =	shalt  }
0x4d: {  	_ =	shalt  }
0x4e: {  	_ =	shalt  }
0x4f: {  	_ =	shalt  }
0x50: {  	_ =	shalt  }
0x51: {  	_ =	shalt  }
0x52: {  	_ =	shalt  }
0x53: {  	_ =	shalt  }
0x54: {  	_ =	shalt  }
0x55: {  	_ =	shalt  }
0x56: {  	_ =	shalt  }
0x57: {  	_ =	shalt  }
0x58: {  	_ =	shalt  }
0x59: {  	_ =	shalt  }
0x5a: {  	_ =	shalt  }
0x5b: {  	_ =	shalt  }
0x5c: {  	_ =	shalt  }
0x5d: {  	_ =	shalt  }
0x5e: {  	_ =	shalt  }
0x5f: {  	_ =	shalt  }
0x60: {  	_ =	shalt  }
0x61: {  	_ =	shalt  }
0x62: {  	_ =	shalt  }
0x63: {  	_ =	shalt  }
0x64: {  	_ =	shalt  }
0x65: {  	_ =	shalt  }
0x66: {  	_ =	shalt  }
0x67: {  	_ =	shalt  }
0x68: {  	_ =	shalt  }
0x69: {  	_ =	shalt  }
0x6a: {  	_ =	shalt  }
0x6b: {  	_ =	shalt  }
0x6c: {  	_ =	shalt  }
0x6d: {  	_ =	shalt  }
0x6e: {  	_ =	shalt  }
0x6f: {  	_ =	shalt  }
0x70: {  	_ =	shalt  }
0x71: {  	_ =	shalt  }
0x72: {  	_ =	shalt  }
0x73: {  	_ =	shalt  }
0x74: {  	_ =	shalt  }
0x75: {  	_ =	shalt  }
0x76: {  	_ =	shalt  }
0x77: {  	_ =	shalt  }
0x78: {  	_ =	shalt  }
0x79: {  	_ =	shalt  }
0x7a: {  	_ =	shalt  }
0x7b: {  	_ =	shalt  }
0x7c: {  	_ =	shalt  }
0x7d: {  	_ =	shalt  }
0x7e: {  	_ =	shalt  }
0x7f: {  	_ =	shalt  }
0x80: {  	_ =	shalt  }
0x81: {  	_ =	shalt  }
0x82: {  	_ =	shalt  }
0x83: {  	_ =	shalt  }
0x84: {  	_ =	shalt  }
0x85: {  	_ =	shalt  }
0x86: {  	_ =	shalt  }
0x87: {  	_ =	shalt  }
.Lfunc_end0:
.L_simem_size_0:
called_computation_lowered:
.L_overlay_start_0:
0x88: {  	s2 =	sld [smem:$0x3FD9]  }
0x89: {  	s3 =	sld [smem:$0x3FFE];
	_ =	sdelay $0x1  }
0x8a: {  	s1 =	srdreg.scid  }
0x8b: {  	s0 =	sand.u32 $0x1, s1  }
0x8c: {  	s16 =	sshll.u32 s0, $0xA;
	s2 =	sadd.s32 s3, s2  }
0x8d: {  	s2 =	sadd.s32 s2, s16  }
0x8e: {  	[smem:$0x3FC2] =	sst s2  }
0x8f: {  	_ = 	snop  }
0x90: {  	(tm) =	ssettm $0x1  }
0x91: {  	s17 =	sld [smem:$0x3FFB];
	_ =	sdelay $0x3  }
0x92: {  	_ =	strace s17  }
0x93: {  	s2 =	sld [smem:$0x3FFC];
	_ =	sdelay $0x3  }
0x94: {  	_ =	strace s2  }
0x95: {  	s2 =	sld [smem:$0x3FFD];
	_ =	sdelay $0x3  }
0x96: {  	_ =	strace s2  }
0x97: {  	_ =	strace $0x8FFFFFFF  }
0x98: {  	s18 =	sld [smem:$0x3FDB];
	_ =	sdelay $0x1  }
0x99: {  	s19 =	simm.s32 $_scs_section_size  }
0x9a: {  	s4 =	simm.s32 $_size__tile_overlayer_lowered;
	s5 =	simm.s32 $_tile_overlayer_lowered  }
0x9b: {  	s22 =	simm.s32 $0x1BFF;
	s21 =	sshll.u32 s5, $0x1;
	s2 =	sadd.s32 s19, s18  }
0x9c: {  	s6 =	simm.s32 $0x0;
	s20 =	sshll.u32 s4, $0x1;
	s4 =	sadd.s32 s21, s2  }
0x9d: {  	[timem:s6], [sflag:s22] =	dma.local [hbm:s4], s20  }
0x9e: {  	_ =	swait.ge [sflag:s22], s20  }
0x9f: {  	s3 =	ssub.s32 $0x0, s20;
	[sflag:s22] =	ssyncset.done $0x0  }
0xa0: {  	[sflag:s22] =	ssyncadd.s32 s3;
	_ =	sdelay $0x1  }
0xa1: {  	s23 =	simm.s32 $0x1B8B  }
0xa2: {  	_ =	swait.ge [sflag:s23], $0x1  }
0xa3: {  	[sflag:s23] =	ssyncset.done $0x0  }
0xa4: {  	s25 =	simm.s32 $0x1B8E;
	s24 =	sld [smem:$0x3FFE];
	[sflag:s23] =	ssyncadd.s32 $0xFFFFFFFF  }
0xa5: {  	s26 =	simm.s32 $execute0_lowered;
	[smem:$0x3FD2] =	sst s25  }
0xa6: {  	s4 =	sshll.u32 s26, $0x1;
	_ =	strace $0x80000046;
	[dreg:$0x1] =	wrdreg $0xFFFFFFFF  }
0xa7: {  	s28 =	simm.s32 $_size_execute0_lowered;
	s2 =	sadd.s32 s2, s4;
	[dreg:$0x0] =	wrdreg $0x0  }
0xa8: {  	s4 =	sshll.u32 s28, $0x1;
	[dreg:$0x2] =	wrdreg s2  }
0xa9: {  	[dreg:$0x3] =	wrdreg s4  }
0xaa: {  	[dreg:$0x4] =	wrdreg $0xC0  }
0xab: {  	_ =	task [dreg:s6], $0x5FFFF  }
0xac: {  	[dreg:$0x1] =	wrdreg $0xFFFFFFFF  }
0xad: {  	[dreg:$0x0] =	wrdreg $0x60  }
0xae: {  	[dreg:$0x2] =	wrdreg s24  }
0xaf: {  	[dreg:$0x3] =	wrdreg $0x2B000  }
0xb0: {  	[dreg:$0x4] =	wrdreg $0x9  }
0xb1: {  	_ =	task.clear_ibuf [dreg:s6], $0x5FFFF;
	_ =	strace $0x90000046  }
0xb2: {  	s29 =	simm.s32 $0x9;
	_ =	strace $0x80000048  }
0xb3: {  	_ =	swait.ge [sflag:s29], $0x1  }
0xb4: {  	[sflag:s29] =	ssyncadd.s32 $0xFFFFFFFF  }
0xb5: {  	_ =	strace $0x90000048  }
0xb6: {  	_ =	sfence  }
0xb7: {  	s30 =	sld [smem:$0x0];
	_ =	sdelay $0x2  }
0xb8: {  	s31 =	sshll.u32 s1, $0xD;
	s1 =	sshrl.u32 s1, $0x2  }
0xb9: {  	s3 =	sand.u32 $0x4000, s31;
	s1 =	sadd.s32 s1, s30  }
0xba: {  	s0 =	sor.u32 s3, s0;
	s1 =	sshll.u32 s1, $0x11  }
0xbb: {  	s0 =	sor.u32 s1, s0  }
0xbc: {  	s0 =	sadd.s32 $0x8F2B, s0  }
0xbd: {  	[sflag:s0] =	ssyncadd.remote.s32 $0x1  }
0xbe: {  	_ =	sfence.sel $0xFFFF  }
0xbf: {  	[dreg:$0x0] =	wrdreg $0xFFFFFFFF;
	(pc) =	sbr.abs _section_cstart, $3  }
0xc0: {  	[dreg:$0x1] =	wrdreg $0xFFFFFFFF  }
0xc1: {  	_ =	task.clear_ibuf [dreg:s6], $0x2FFFF;
	_ =	strace $0x9FFFFFFF  }
0xc2: {  	(tm) =	ssettm $0x7FFFFFFF  }
0xc3: {  	_ =	shalt  }
tec
execute0_lowered:
.L_overlay_start_1:
0x0: {  	(tag) =	ssettag $0x1  }
0x1: {  	s4 =	rddreg [dreg:$0x0]  }
0x2: {  	s2 =	rddreg [dreg:$0x1];
	s0 =	stileid.u32  }
0x3: {  	s5 =	srdreg.scid;
	s1 =	rddreg [dreg:$0x2]  }
0x4: {  	s3 =	simm.s32 $0x0;
	s10 =	simm.s32 $0x2800;
	s6 =	smul.u32 $0x2800, s0  }
0x5: {  	s5 =	sand.u32 $0x1, s5;
	[smem:$0x7FF] =	sst s3;
	s8 =	smul.u32 $0x278, s0  }
0x6: {  	p0 =	seq.s32 s5, $0x0;
	s30 =	smul.u32 $0x4F0, s5;
	s5 =	ssub.s32 $0x2, s5  }
0x7: {  	_ =	strace $0x80000047;
	s7 =	sadd.s32 $0x28000, s6;
	s31 =	sshrl.u32 s5, $0x1  }
0x8: {  	s12 =	sshrl.u32 s8, $0x3;
	s7 =	smov.u32 @p0 s6;
	s6 =	sadd.s32 s30, s4  }
0x9: {  	s9 =	ssub.s32 s5, s31;
	s7 =	sshrl.u32 s7, $0x3;
	s11 =	sadd.s32 $0xBC00, s6  }
0xa: {  	s6 =	smax.u32 s9, $0x1;
	s9 =	simm.s32 $0x80;
	s7 =	sadd.s32 s7, s4  }
0xb: {  	s4 =	sadd.s32 s8, s2;
	s8 =	simm.s32 $0x1;
	s11 =	sadd.s32 s12, s11  }
0xc: {  	v0 =	vimm.f32 $0.0e+00;
	v1 =	vimm.f32 $1.000000000e+00;
	s12 =	simm.s32 $0x0;
	s5 =	sadd.s32 $0x1600, s7;
	s7 =	simm.s32 $0x2880  }
.LBB2_1:
0xd: {  	[tilespmem:$0x2880] =	vst v0  }
0xe: {  	[tilespmem:$0x2890] =	vst v0  }
0xf: {  	[tilespmem:$0x28A0] =	vst v0  }
0x10: {  	[tilespmem:$0x28B0] =	vst v0  }
0x11: {  	[tilespmem:$0x28C0] =	vst v0  }
0x12: {  	[tilespmem:$0x28D0] =	vst v0  }
0x13: {  	[tilespmem:$0x28E0] =	vst v0  }
0x14: {  	[tilespmem:$0x28F0] =	vst v0  }
0x15: {  	[tilespmem:$0x2900] =	vst v0  }
0x16: {  	[tilespmem:$0x2910] =	vst v0  }
0x17: {  	[tilespmem:$0x2920] =	vst v0  }
0x18: {  	[tilespmem:$0x2930] =	vst v0  }
0x19: {  	[tilespmem:$0x2940] =	vst v0  }
0x1a: {  	[tilespmem:$0x2950] =	vst v0  }
0x1b: {  	[tilespmem:$0x2960] =	vst v0  }
0x1c: {  	[tilespmem:$0x2970] =	vst v0  }
0x1d: {  	[tilespmem:$0x2980] =	vst v0  }
0x1e: {  	[tilespmem:$0x2990] =	vst v0  }
0x1f: {  	[tilespmem:$0x29A0] =	vst v0  }
0x20: {  	[tilespmem:$0x29B0] =	vst v0  }
0x21: {  	[tilespmem:$0x29C0] =	vst v0  }
0x22: {  	[tilespmem:$0x29D0] =	vst v0  }
0x23: {  	[tilespmem:$0x29E0] =	vst v0  }
0x24: {  	[tilespmem:$0x29F0] =	vst v0  }
0x25: {  	[tilespmem:$0x2A00] =	vst v0  }
0x26: {  	[tilespmem:$0x2A10] =	vst v0  }
0x27: {  	[tilespmem:$0x2A20] =	vst v0  }
0x28: {  	[tilespmem:$0x2A30] =	vst v0  }
0x29: {  	[tilespmem:$0x2A40] =	vst v0  }
0x2a: {  	[tilespmem:$0x2A50] =	vst v0  }
0x2b: {  	[tilespmem:$0x2A60] =	vst v0  }
0x2c: {  	[tilespmem:$0x2A70] =	vst v0  }
0x2d: {  	[tilespmem:$0x2A80] =	vst v0  }
0x2e: {  	[tilespmem:$0x2A90] =	vst v0  }
0x2f: {  	[tilespmem:$0x2AA0] =	vst v0  }
0x30: {  	[tilespmem:$0x2AB0] =	vst v0  }
0x31: {  	[tilespmem:$0x2AC0] =	vst v0  }
0x32: {  	[tilespmem:$0x2AD0] =	vst v0  }
0x33: {  	[tilespmem:$0x2AE0] =	vst v0  }
0x34: {  	[tilespmem:$0x2AF0] =	vst v0  }
0x35: {  	[tilespmem:$0x2800] =	vst v1  }
0x36: {  	[tilespmem:$0x2810] =	vst v1  }
0x37: {  	[tilespmem:$0x2820] =	vst v1  }
0x38: {  	[tilespmem:$0x2830] =	vst v1  }
0x39: {  	[tilespmem:$0x2840] =	vst v1  }
0x3a: {  	[tilespmem:$0x2850] =	vst v1  }
0x3b: {  	[tilespmem:$0x2860] =	vst v1  }
0x3c: {  	[tilespmem:$0x2870] =	vst v1  }
0x3d: {  	[spmem:s4] =	stream.linear.scatter [tilespmem:s7], [sflag:$0x1], $0x278, $0x38;
	[tilespmem:$0x2D78] =	vst v63  }
0x3e: {  	_ =	swait.ge [sflag:s8], $0x278  }
0x3f: {  	[sflag:s8] =	ssyncset.done $0x0  }
0x40: {  	[sflag:s8] =	ssyncadd.s32 $0xFFFFFD88  }
0x41: {  	[tilespmem:s3], [sflag:$0x1] =	stream.linear.gather [hbm4b:s5+s3], $0x2800, $0x38;
	[tilespmem:$0x2D78] =	vst v63  }
0x42: {  	_ =	swait.ge [sflag:s8], $0x2800  }
0x43: {  	[sflag:s8] =	ssyncset.done $0x0  }
0x44: {  	[sflag:s8] =	ssyncadd.s32 $0xFFFFD800  }
0x45: {  	s13 =	simm.s32 $0x0;
	[bflag:$0x0] =	sbarrier.arrive $0xFFFF  }
0x46: {  	[spmem:s2] =	stream.indirect.scatter.add.f32 [tilespmem:s10], [sflag:$0x1], $0x1, s13, s9, $0xb8;
	[tilespmem:$0x2D78] =	vst v63  }
0x47: {  	_ =	swait.ge [sflag:s8], $0x80  }
0x48: {  	s13 =	simm.s32 $0x200;
	[sflag:s8] =	ssyncset.done $0x0  }
.LBB2_2:
0x49: {  	s14 =	sshra.s32 s13, $0x2;
	[sflag:s8] =	ssyncadd.s32 $0xFFFFFF80;
	p0 =	sne.s32 s13, $0x9E00  }
0x4a: {  	[spmem:s2] =	stream.indirect.scatter.add.f32 [tilespmem:s10], [sflag:$0x1], $0x1, s14, s9, $0xb8;
	[tilespmem:$0x2D78] =	vst v63  }
.Ltmp0:
0x4b: {  	_ = 	snop;
	(pc) =	sbr.rel @p0 .LBB2_2-.Ltmp0, $4  }
0x4c: {  	_ = 	snop  }
0x4d: {  	s13 =	sadd.s32 $0x200, s13  }
0x4e: {  	_ =	swait.ge [sflag:s8], $0x80  }
0x4f: {  	[sflag:s8] =	ssyncset.done $0x0  }
0x50: {  	[sflag:s8] =	ssyncadd.s32 $0xFFFFFF80  }
0x51: {  	[bflag:$0x0] =	sbarrier.arrive $0xFFFF  }
0x52: {  	[tilespmem:s7], [sflag:$0x1] =	stream.linear.gather [spmem:s4], $0x278, $0x38;
	[tilespmem:$0x2D78] =	vst v63  }
0x53: {  	s12 =	sadd.s32 $0x1, s12;
	_ =	swait.ge [sflag:s8], $0x278  }
0x54: {  	p0 =	sne.s32 s12, s6;
	[sflag:s8] =	ssyncset.done $0x0  }
.Ltmp1:
0x55: {  	[sflag:s8] =	ssyncadd.s32 $0xFFFFFD88;
	(pc) =	sbr.rel @p0 .LBB2_1-.Ltmp1, $4  }
0x56: {  	[hbm4b:s11+s3] =	stream.linear.scatter [tilespmem:s7], [sflag:$0x1], $0x278, $0x38;
	[tilespmem:$0x2D78] =	vst v63  }
0x57: {  	_ =	swait.ge [sflag:s8], $0x278  }
0x58: {  	[sflag:s8] =	ssyncset.done $0x0  }
0x59: {  	[sflag:s8] =	ssyncadd.s32 $0xFFFFFD88  }
0x5a: {  	_ =	sfence.sel $0x180000  }
0x5b: {  	[bflag:$0x0] =	sbarrier.arrive $0xFFFF  }
0x5c: {  	p0 =	sne.s32 s0, $0x0;
	_ =	strace $0x90000047  }
0x5d: {  	s0 =	sadd.s32 @!p0 $0x100000, s1;
	[bflag:$0x2] =	sbarrier.arrive $0xFFFF  }
0x5e: {  	[sflag:s0] =	ssyncadd.tile.s32 @!p0 $0x1;
	_ =	shalt  }
.Lfunc_end2:
_tile_overlayer_lowered:
.L_overlay_start_2:
0x5f: {  	(tag) =	ssettag $0x2  }
0x60: {  	s0 =	rddreg [dreg:$0x0];
	s2 =	stileid.u32  }
0x61: {  	s1 =	rddreg [dreg:$0x1];
	p0 =	sne.s32 s2, $0x0  }
0x62: {  	s3 =	rddreg [dreg:$0x2];
	[bflag:$0x3] =	sbarrier.arrive $0xFFFF;
	s2 =	simm.s32 @!p0 $0x1C01  }
0x63: {  	[timem:s3], [sflag:s2] =	dma.local @!p0 [hbm:s0], s1  }
0x64: {  	s0 =	simm.s32 @!p0 $0x1  }
0x65: {  	_ =	swait.ge @!p0 [sflag:s0], s1  }
0x66: {  	s1 =	ssub.s32 @!p0 $0x0, s1;
	[sflag:s0] =	ssyncset.done @!p0 $0x0  }
0x67: {  	[sflag:s0] =	ssyncadd.s32 @!p0 s1  }
0x68: {  	[bflag:$0x3] =	sbarrier.arrive $0xFFFF  }
0x69: {  	_ =	shalt  }

</sc_bundles>
